<compile_context>
chip_gen: v7x
topology: tpu7x:2x2x1
jax: 0.10.2.dev20260603
libtpu: 0.0.44.dev20260713+nightly
codegen_flags: <defaults>
</compile_context>

<pallas_src>
import functools

import jax
import jax.numpy as jnp
from jax import lax
from jax.experimental import pallas as pl
from jax.experimental.pallas import tpu as pltpu
from jax.experimental.pallas import tpu_sc as plsc

N = 10000
E = 320000
D = 128
R = 20
EPS = 1e-5
NR = N * R
KHALF = NR // 2
HROWS = 100160
CW = 16

NC = 2
NS = 16
L = 16

CH = 80

_mesh = plsc.VectorSubcoreMesh(core_axis_name="c", subcore_axis_name="s")
_sc_params = pltpu.CompilerParams(use_tc_tiling_on_sc=False,
                                  needs_layout_passes=False)


def _iota16():
    return lax.broadcasted_iota(jnp.int32, (L,), 0)


def _sc_counts(dst_hbm, typ_hbm, counts_hbm, hist, dstb, typb, keyb, onesb, zb):
    c = lax.axis_index("c")
    s = lax.axis_index("s")

    def zrow(i, _):
        zb[i] = jnp.zeros((L,), jnp.float32)
        return _
    lax.fori_loop(0, 626, zrow, None)
    for k in range(10):
        pltpu.sync_copy(zb, hist.at[pl.ds(s * 6260 + k * 626, 626)])

    e0 = jnp.where(_iota16() == 0, 1.0, 0.0).astype(jnp.float32)

    def orow(i, _):
        onesb[i] = e0
        return _
    lax.fori_loop(0, CH, orow, None)

    plsc.subcore_barrier()

    lo = c * KHALF
    epw = E // NS

    def chunk(j, _):
        base = pl.multiple_of(s * epw + j * CH, 8)
        pltpu.sync_copy(dst_hbm.at[pl.ds(base, CH)], dstb)
        pltpu.sync_copy(typ_hbm.at[pl.ds(base, CH)], typb)
        for g in range(CH // L):
            d16 = dstb[pl.ds(g * L, L)]
            t16 = typb[pl.ds(g * L, L)]
            key = d16 * R + t16 - lo
            ok = (key >= 0) & (key < KHALF)
            keyb[pl.ds(g * L, L)] = jnp.where(ok, key, KHALF)
        pltpu.sync_copy(onesb, hist.at[keyb], add=True)
        return _

    lax.fori_loop(0, epw // CH, chunk, None)
    plsc.subcore_barrier()

    rpt = KHALF // NS
    pltpu.sync_copy(hist.at[pl.ds(s * rpt, rpt)],
                    counts_hbm.at[pl.ds(c * KHALF + s * rpt, rpt)])


def _sc_weights(dst_hbm, typ_hbm, src_hbm, counts_hbm, w_hbm, gidx_hbm,
                dstb, typb, srcb, keyb, gixb, wb, rows, sem):
    c = lax.axis_index("c")
    s = lax.axis_index("s")
    wid = s * NC + c
    epw = E // (NC * NS)

    def chunk(j, _):
        base = pl.multiple_of(wid * epw + j * CH, 8)
        pltpu.sync_copy(dst_hbm.at[pl.ds(base, CH)], dstb)
        pltpu.sync_copy(typ_hbm.at[pl.ds(base, CH)], typb)
        pltpu.sync_copy(src_hbm.at[pl.ds(base, CH)], srcb)
        for g in range(CH // L):
            d16 = dstb[pl.ds(g * L, L)]
            t16 = typb[pl.ds(g * L, L)]
            s16 = srcb[pl.ds(g * L, L)]
            keyb[pl.ds(g * L, L)] = d16 * R + t16
            gixb[pl.ds(g * L, L)] = t16 * N + s16
        pltpu.async_copy(counts_hbm.at[keyb], rows, sem).wait()
        zero = jnp.zeros((L,), jnp.int32)
        for g in range(CH // L):
            c16 = plsc.load_gather(rows, [_iota16() + g * L, zero])
            wb[pl.ds(g * L, L)] = 1.0 / jnp.maximum(c16, 1.0)
        pltpu.sync_copy(wb, w_hbm.at[pl.ds(base, CH)])
        pltpu.sync_copy(gixb, gidx_hbm.at[pl.ds(base, CH)])
        return _

    lax.fori_loop(0, epw // CH, chunk, None)


def _sc_aggregate(h_hbm, gidx_hbm, w_hbm, dst_hbm, parts_hbm,
                  acc, gixb, wb, dstb, rows, zb, sem):
    c = lax.axis_index("c")
    s = lax.axis_index("s")
    rpt = N // NS

    def zrow(i, _):
        for k in range(D // L):
            zb[i, pl.ds(k * L, L)] = jnp.zeros((L,), jnp.float32)
        return _
    lax.fori_loop(0, 125, zrow, None)
    for k in range(rpt // 125):
        pltpu.sync_copy(zb, acc.at[pl.ds(s * rpt + k * 125, 125)])
    plsc.subcore_barrier()

    epw = E // (NC * NS)
    zero = jnp.zeros((L,), jnp.int32)

    def chunk(j, _):
        base = pl.multiple_of(c * (E // NC) + s * epw + j * CH, 8)
        pltpu.sync_copy(gidx_hbm.at[pl.ds(base, CH)], gixb)
        pltpu.sync_copy(w_hbm.at[pl.ds(base, CH)], wb)
        pltpu.sync_copy(dst_hbm.at[pl.ds(base, CH)], dstb)
        pltpu.async_copy(h_hbm.at[gixb], rows, sem).wait()

        def scale(i, _):
            wv = plsc.load_gather(wb, [zero + i])
            for k in range(D // L):
                rows[i, pl.ds(k * L, L)] = rows[i, pl.ds(k * L, L)] * wv
            return _
        lax.fori_loop(0, CH, scale, None)
        pltpu.sync_copy(rows, acc.at[dstb], add=True)
        return _

    lax.fori_loop(0, epw // CH, chunk, None)
    plsc.subcore_barrier()

    pltpu.sync_copy(acc.at[pl.ds(s * rpt, rpt)],
                    parts_hbm.at[c, pl.ds(s * rpt, rpt)])


_counts_call = pl.kernel(
    _sc_counts,
    out_type=jax.ShapeDtypeStruct((NR, CW), jnp.float32),
    mesh=_mesh,
    scratch_types=[
        pltpu.VMEM_SHARED((HROWS, CW), jnp.float32),
        pltpu.VMEM((CH,), jnp.int32),
        pltpu.VMEM((CH,), jnp.int32),
        pltpu.VMEM((CH,), jnp.int32),
        pltpu.VMEM((CH, CW), jnp.float32),
        pltpu.VMEM((626, CW), jnp.float32),
    ],
    compiler_params=_sc_params,
)

_weights_call = pl.kernel(
    _sc_weights,
    out_type=(jax.ShapeDtypeStruct((E,), jnp.float32),
              jax.ShapeDtypeStruct((E,), jnp.int32)),
    mesh=_mesh,
    scratch_types=[
        pltpu.VMEM((CH,), jnp.int32),
        pltpu.VMEM((CH,), jnp.int32),
        pltpu.VMEM((CH,), jnp.int32),
        pltpu.VMEM((CH,), jnp.int32),
        pltpu.VMEM((CH,), jnp.int32),
        pltpu.VMEM((CH,), jnp.float32),
        pltpu.VMEM((CH, CW), jnp.float32),
        pltpu.SemaphoreType.DMA,
    ],
    compiler_params=_sc_params,
)

_aggregate_call = pl.kernel(
    _sc_aggregate,
    out_type=jax.ShapeDtypeStruct((NC, N, D), jnp.float32),
    mesh=_mesh,
    scratch_types=[
        pltpu.VMEM_SHARED((N, D), jnp.float32),
        pltpu.VMEM((CH,), jnp.int32),
        pltpu.VMEM((CH,), jnp.float32),
        pltpu.VMEM((CH,), jnp.int32),
        pltpu.VMEM((CH, D), jnp.float32),
        pltpu.VMEM((125, D), jnp.float32),
        pltpu.SemaphoreType.DMA,
    ],
    compiler_params=_sc_params,
)


BN_ROWS = 1000


def _tc_in_body(x_ref, w_ref, b_ref, o_ref):
    o_ref[...] = jax.nn.relu(
        jnp.dot(x_ref[...], w_ref[...], preferred_element_type=jnp.float32)
        + b_ref[...])


def _tc_in(x, w, b):
    return pl.pallas_call(
        _tc_in_body,
        grid=(N // BN_ROWS,),
        in_specs=[
            pl.BlockSpec((BN_ROWS, D), lambda i: (i, 0)),
            pl.BlockSpec((D, D), lambda i: (0, 0)),
            pl.BlockSpec((1, D), lambda i: (0, 0)),
        ],
        out_specs=pl.BlockSpec((BN_ROWS, D), lambda i: (i, 0)),
        out_shape=jax.ShapeDtypeStruct((N, D), jnp.float32),
    )(x, w, b)


def _tc_rel_body(h_ref, w_ref, o_ref):
    o_ref[0] = jnp.dot(h_ref[...], w_ref[0], preferred_element_type=jnp.float32)


def _tc_rel(h, w_rel):
    return pl.pallas_call(
        _tc_rel_body,
        grid=(N // BN_ROWS, R),
        in_specs=[
            pl.BlockSpec((BN_ROWS, D), lambda i, r: (i, 0)),
            pl.BlockSpec((1, D, D), lambda i, r: (r, 0, 0)),
        ],
        out_specs=pl.BlockSpec((1, BN_ROWS, D), lambda i, r: (r, i, 0)),
        out_shape=jax.ShapeDtypeStruct((R, N, D), jnp.float32),
    )(h, w_rel)


def _tc_comb_body(fin, h_ref, root_ref, b_ref, p_ref, g_ref, be_ref,
                  wf_ref, bf_ref, o_ref):
    t = (jnp.dot(h_ref[...], root_ref[...], preferred_element_type=jnp.float32)
         + b_ref[...] + p_ref[0] + p_ref[1])
    t = t * (1.0 / jnp.sqrt(1.0 + EPS)) * g_ref[...] + be_ref[...]
    t = jax.nn.relu(t)
    if fin:
        o_ref[...] = jnp.sum(t * wf_ref[...], axis=1, keepdims=True) + bf_ref[...]
    else:
        o_ref[...] = t


def _tc_combine(h, root, bias, parts, gamma, beta, wf, bf, fin):
    out_shape = (N, 1) if fin else (N, D)
    out_block = (BN_ROWS, 1) if fin else (BN_ROWS, D)
    return pl.pallas_call(
        functools.partial(_tc_comb_body, fin),
        grid=(N // BN_ROWS,),
        in_specs=[
            pl.BlockSpec((BN_ROWS, D), lambda i: (i, 0)),
            pl.BlockSpec((D, D), lambda i: (0, 0)),
            pl.BlockSpec((1, D), lambda i: (0, 0)),
            pl.BlockSpec((NC, BN_ROWS, D), lambda i: (0, i, 0)),
            pl.BlockSpec((1, D), lambda i: (0, 0)),
            pl.BlockSpec((1, D), lambda i: (0, 0)),
            pl.BlockSpec((1, D), lambda i: (0, 0)),
            pl.BlockSpec((1, 1), lambda i: (0, 0)),
        ],
        out_specs=pl.BlockSpec(out_block, lambda i: (i, 0)),
        out_shape=jax.ShapeDtypeStruct(out_shape, jnp.float32),
    )(h, root, bias, parts, gamma, beta, wf, bf)


def kernel(x, edge_index, edge_type, batch, W_in, b_in,
           W_rel_0, root_0, bias_0, gamma_0, beta_0,
           W_rel_1, root_1, bias_1, gamma_1, beta_1, W_fin, b_fin):
    src = edge_index[0]
    dst = edge_index[1]

    counts = _counts_call(dst, edge_type)
    w_e, gidx = _weights_call(dst, edge_type, src, counts)

    b_in2 = b_in.reshape(1, D)
    bias_02 = bias_0.reshape(1, D)
    bias_12 = bias_1.reshape(1, D)
    gamma_02 = gamma_0.reshape(1, D)
    gamma_12 = gamma_1.reshape(1, D)
    beta_02 = beta_0.reshape(1, D)
    beta_12 = beta_1.reshape(1, D)
    wf2 = W_fin.reshape(1, D)
    bf2 = b_fin.reshape(1, 1)

    h0 = _tc_in(x, W_in, b_in2)

    H0 = _tc_rel(h0, W_rel_0).reshape(R * N, D)
    parts0 = _aggregate_call(H0, gidx, w_e, dst)
    h1 = _tc_combine(h0, root_0, bias_02, parts0, gamma_02, beta_02,
                     wf2, bf2, fin=False)

    H1 = _tc_rel(h1, W_rel_1).reshape(R * N, D)
    parts1 = _aggregate_call(H1, gidx, w_e, dst)
    out = _tc_combine(h1, root_1, bias_12, parts1, gamma_12, beta_12,
                      wf2, bf2, fin=True)
    return out

# --- scband reference (transcript-rebuilt; emitter-appended) ---
"""Pipeline reference for scband-pyg-model-52003464020165 (READ-ONLY COPY).

The authoritative reference and input builder live on the scoring server;
editing this copy changes nothing except your own understanding.
"""

import jax, jax.numpy as jnp
import numpy as np

N = 10000
E = 320000
D = 128
R = 20
EPS = 1e-5


def setup_inputs(seed: int = 0) -> dict:
    key = jax.random.key(seed)
    ks = jax.random.split(key, 24)
    inp = {}
    inp["x"] = jax.random.normal(ks[0], (N, D), dtype=jnp.float32)
    inp["edge_index"] = jax.random.randint(ks[1], (2, E), 0, N, dtype=jnp.int32)
    inp["edge_type"] = jax.random.randint(ks[2], (E,), 0, R, dtype=jnp.int32)
    inp["batch"] = jnp.zeros((N,), dtype=jnp.int32)
    # input MLP
    inp["W_in"] = jax.random.normal(ks[3], (D, D), dtype=jnp.float32) * 0.05
    inp["b_in"] = jax.random.normal(ks[4], (D,), dtype=jnp.float32) * 0.05
    # RGCN layer 0
    inp["W_rel_0"] = jax.random.normal(ks[5], (R, D, D), dtype=jnp.float32) * 0.05
    inp["root_0"] = jax.random.normal(ks[6], (D, D), dtype=jnp.float32) * 0.05
    inp["bias_0"] = jax.random.normal(ks[7], (D,), dtype=jnp.float32) * 0.05
    inp["gamma_0"] = jnp.ones((D,), dtype=jnp.float32)
    inp["beta_0"] = jnp.zeros((D,), dtype=jnp.float32)
    # RGCN layer 1
    inp["W_rel_1"] = jax.random.normal(ks[8], (R, D, D), dtype=jnp.float32) * 0.05
    inp["root_1"] = jax.random.normal(ks[9], (D, D), dtype=jnp.float32) * 0.05
    inp["bias_1"] = jax.random.normal(ks[10], (D,), dtype=jnp.float32) * 0.05
    inp["gamma_1"] = jnp.ones((D,), dtype=jnp.float32)
    inp["beta_1"] = jnp.zeros((D,), dtype=jnp.float32)
    # final linear (num_classes==2 -> single output logit)
    inp["W_fin"] = jax.random.normal(ks[11], (D, 1), dtype=jnp.float32) * 0.05
    inp["b_fin"] = jax.random.normal(ks[12], (1,), dtype=jnp.float32) * 0.05
    return inp


def _rgcn_conv(h, src, dst, edge_type, W_rel, root, bias):
    # PyG RGCNConv with aggr='mean', root_weight=True, bias=True
    out = h @ root + bias
    hs = h[src]  # gather source node features per edge
    for r in range(R):
        m = (edge_type == r).astype(h.dtype)
        msg = hs * m[:, None]
        s = jnp.zeros((N, h.shape[1]), dtype=h.dtype).at[dst].add(msg)
        c = jnp.zeros((N,), dtype=h.dtype).at[dst].add(m)
        mean = s / jnp.maximum(c, 1.0)[:, None]
        out = out + mean @ W_rel[r]
    return out


def _bn_eval(h, gamma, beta):
    # BatchNorm1d in eval mode with running_mean=0, running_var=1
    return (h - 0.0) / jnp.sqrt(1.0 + EPS) * gamma + beta


def reference(x, edge_index, edge_type, batch, W_in, b_in, W_rel_0, root_0, bias_0, gamma_0, beta_0, W_rel_1, root_1, bias_1, gamma_1, beta_1, W_fin, b_fin):
    src = edge_index[0]
    dst = edge_index[1]
    # input non-linear layer (dropout is identity in eval)
    h = jax.nn.relu(x @ W_in + b_in)
    # layer 0
    h = _rgcn_conv(h, src, dst, edge_type, W_rel_0, root_0, bias_0)
    h = _bn_eval(h, gamma_0, beta_0)
    h = jax.nn.relu(h)
    # layer 1
    h = _rgcn_conv(h, src, dst, edge_type, W_rel_1, root_1, bias_1)
    h = _bn_eval(h, gamma_1, beta_1)
    h = jax.nn.relu(h)
    # graph_level=False -> no pooling; num_classes==2 -> identity final activation
    out = h @ W_fin + b_fin
    return out

if __name__ == "__main__":
    import jax
    _d = setup_inputs()
    print(jax.jit(kernel)(*tuple(_d.values())))

</pallas_src>

<mosaic_0001>
#map = affine_map<(d0, d1) -> (0)>
#map1 = affine_map<(d0, d1) -> (0, 0)>
module attributes {stable_mosaic.version = 14 : i64} {
  func.func @_sc_weights(%arg0: i32, %arg1: i32, %arg2: memref<320000xi32, #tpu.memory_space<hbm>>, %arg3: memref<320000xi32, #tpu.memory_space<hbm>>, %arg4: memref<320000xi32, #tpu.memory_space<hbm>>, %arg5: memref<200000x16xf32, #tpu.memory_space<hbm>>, %arg6: memref<320000xf32, #tpu.memory_space<hbm>>, %arg7: memref<320000xi32, #tpu.memory_space<hbm>>, %arg8: memref<80xi32, #tpu.memory_space<vmem>>, %arg9: memref<80xi32, #tpu.memory_space<vmem>>, %arg10: memref<80xi32, #tpu.memory_space<vmem>>, %arg11: memref<80xi32, #tpu.memory_space<vmem>>, %arg12: memref<80xi32, #tpu.memory_space<vmem>>, %arg13: memref<80xf32, #tpu.memory_space<vmem>>, %arg14: memref<80x16xf32, #tpu.memory_space<vmem>>, %arg15: memref<!tpu.dma_semaphore, #tpu.memory_space<semaphore_mem>>) attributes {dimension_semantics = [#tpu.dimension_semantics<core_parallel>, #tpu.dimension_semantics<subcore_parallel>], iteration_bounds = array<i64: 2, 16>, scalar_prefetch = 0 : i64, scratch_operands = 8 : i64, tpu.core_type = #tpu.core_type<sc_vector_subcore>, window_params = [{transform_indices = #map}, {transform_indices = #map}, {transform_indices = #map}, {transform_indices = #map1}, {transform_indices = #map}, {transform_indices = #map}]} {
    %mul3A = arith.constant 2 : i32
    %mul3A_0 = arith.muli %arg1, %mul3A : i32
    %add3A = arith.addi %mul3A_0, %arg0 : i32
    %scan3A = arith.constant 0 : i32
    %scan3A_1 = arith.constant 125 : i32
    %scan3A_2 = arith.addi %scan3A, %scan3A_1 : i32
    %scan3A_3 = arith.constant 1 : i32
    scf.for %scan3A_5 = %scan3A to %scan3A_2 step %scan3A_3  : i32 {
      %mul3A_6 = arith.constant 10000 : i32
      %mul3A_7 = arith.muli %add3A, %mul3A_6 : i32
      %mul3A_8 = arith.constant 80 : i32
      %mul3A_9 = arith.muli %scan3A_5, %mul3A_8 : i32
      %add3A_10 = arith.addi %mul3A_7, %mul3A_9 : i32
      %multiple_of3A = tpu.assume_multiple %add3A_10, 8 : i32
      "tpu.region"() ({
        %run_scoped3A = tpu.sem_alloc : memref<!tpu.dma_semaphore, #tpu.memory_space<semaphore_mem>>
        %dma_start3A_165 = tpu.memref_slice %arg2[%multiple_of3A] : memref<320000xi32, #tpu.memory_space<hbm>> -> memref<80xi32, #tpu.memory_space<hbm>>
        %dma_start3A_166 = tpu.memref_slice %arg2[%multiple_of3A] : memref<320000xi32, #tpu.memory_space<hbm>> -> memref<80xi32, #tpu.memory_space<hbm>>
        tpu.enqueue_dma source(%dma_start3A_166 : memref<80xi32, #tpu.memory_space<hbm>>) target(%arg8 : memref<80xi32, #tpu.memory_space<vmem>>) target_semaphore(%run_scoped3A : memref<!tpu.dma_semaphore, #tpu.memory_space<semaphore_mem>>)
        %dma_wait3A_167 = tpu.memref_slice %arg2[%multiple_of3A] : memref<320000xi32, #tpu.memory_space<hbm>> -> memref<80xi32, #tpu.memory_space<hbm>>
        %dma_wait3A_168 = tpu.memref_slice %arg2[%multiple_of3A] : memref<320000xi32, #tpu.memory_space<hbm>> -> memref<80xi32, #tpu.memory_space<hbm>>
        tpu.wait_dma2 semaphore(%run_scoped3A : memref<!tpu.dma_semaphore, #tpu.memory_space<semaphore_mem>>) src(%dma_wait3A_168 : memref<80xi32, #tpu.memory_space<hbm>>) dst(%arg8 : memref<80xi32, #tpu.memory_space<vmem>>)
        tpu.yield
      }) : () -> ()
      "tpu.region"() ({
        %run_scoped3A = tpu.sem_alloc : memref<!tpu.dma_semaphore, #tpu.memory_space<semaphore_mem>>
        %dma_start3A_165 = tpu.memref_slice %arg3[%multiple_of3A] : memref<320000xi32, #tpu.memory_space<hbm>> -> memref<80xi32, #tpu.memory_space<hbm>>
        %dma_start3A_166 = tpu.memref_slice %arg3[%multiple_of3A] : memref<320000xi32, #tpu.memory_space<hbm>> -> memref<80xi32, #tpu.memory_space<hbm>>
        tpu.enqueue_dma source(%dma_start3A_166 : memref<80xi32, #tpu.memory_space<hbm>>) target(%arg9 : memref<80xi32, #tpu.memory_space<vmem>>) target_semaphore(%run_scoped3A : memref<!tpu.dma_semaphore, #tpu.memory_space<semaphore_mem>>)
        %dma_wait3A_167 = tpu.memref_slice %arg3[%multiple_of3A] : memref<320000xi32, #tpu.memory_space<hbm>> -> memref<80xi32, #tpu.memory_space<hbm>>
        %dma_wait3A_168 = tpu.memref_slice %arg3[%multiple_of3A] : memref<320000xi32, #tpu.memory_space<hbm>> -> memref<80xi32, #tpu.memory_space<hbm>>
        tpu.wait_dma2 semaphore(%run_scoped3A : memref<!tpu.dma_semaphore, #tpu.memory_space<semaphore_mem>>) src(%dma_wait3A_168 : memref<80xi32, #tpu.memory_space<hbm>>) dst(%arg9 : memref<80xi32, #tpu.memory_space<vmem>>)
        tpu.yield
      }) : () -> ()
      "tpu.region"() ({
        %run_scoped3A = tpu.sem_alloc : memref<!tpu.dma_semaphore, #tpu.memory_space<semaphore_mem>>
        %dma_start3A_165 = tpu.memref_slice %arg4[%multiple_of3A] : memref<320000xi32, #tpu.memory_space<hbm>> -> memref<80xi32, #tpu.memory_space<hbm>>
        %dma_start3A_166 = tpu.memref_slice %arg4[%multiple_of3A] : memref<320000xi32, #tpu.memory_space<hbm>> -> memref<80xi32, #tpu.memory_space<hbm>>
        tpu.enqueue_dma source(%dma_start3A_166 : memref<80xi32, #tpu.memory_space<hbm>>) target(%arg10 : memref<80xi32, #tpu.memory_space<vmem>>) target_semaphore(%run_scoped3A : memref<!tpu.dma_semaphore, #tpu.memory_space<semaphore_mem>>)
        %dma_wait3A_167 = tpu.memref_slice %arg4[%multiple_of3A] : memref<320000xi32, #tpu.memory_space<hbm>> -> memref<80xi32, #tpu.memory_space<hbm>>
        %dma_wait3A_168 = tpu.memref_slice %arg4[%multiple_of3A] : memref<320000xi32, #tpu.memory_space<hbm>> -> memref<80xi32, #tpu.memory_space<hbm>>
        tpu.wait_dma2 semaphore(%run_scoped3A : memref<!tpu.dma_semaphore, #tpu.memory_space<semaphore_mem>>) src(%dma_wait3A_168 : memref<80xi32, #tpu.memory_space<hbm>>) dst(%arg10 : memref<80xi32, #tpu.memory_space<vmem>>)
        tpu.yield
      }) : () -> ()
      %get3A = arith.constant 0 : index
      %get3A_11 = tpu.vector_load %arg8[%get3A] {strides = array<i32>} : memref<80xi32, #tpu.memory_space<vmem>>, vector<16xi32>,
      %get3A_12 = arith.constant 0 : index
      %get3A_13 = tpu.vector_load %arg9[%get3A_12] {strides = array<i32>} : memref<80xi32, #tpu.memory_space<vmem>>, vector<16xi32>,
      %get3A_14 = arith.constant 0 : index
      %get3A_15 = tpu.vector_load %arg10[%get3A_14] {strides = array<i32>} : memref<80xi32, #tpu.memory_space<vmem>>, vector<16xi32>,
      %mul3A_16 = arith.constant 20 : i32
      %mul3A_17 = vector.broadcast %mul3A_16 : i32 to vector<16xi32>
      %mul3A_18 = arith.muli %get3A_11, %mul3A_17 : vector<16xi32>
      %add3A_19 = arith.addi %mul3A_18, %get3A_13 : vector<16xi32>
      %swap3A = arith.constant 0 : index
      %swap3A_20 = tpu.vector_load %arg11[%swap3A] {strides = array<i32>} : memref<80xi32, #tpu.memory_space<vmem>>, vector<16xi32>,
      tpu.vector_store %arg11[%swap3A], %add3A_19 {strides = array<i32>} : memref<80xi32, #tpu.memory_space<vmem>>, vector<16xi32>,
      %mul3A_21 = arith.constant 10000 : i32
      %mul3A_22 = vector.broadcast %mul3A_21 : i32 to vector<16xi32>
      %mul3A_23 = arith.muli %get3A_13, %mul3A_22 : vector<16xi32>
      %add3A_24 = arith.addi %mul3A_23, %get3A_15 : vector<16xi32>
      %swap3A_25 = arith.constant 0 : index
      %swap3A_26 = tpu.vector_load %arg12[%swap3A_25] {strides = array<i32>} : memref<80xi32, #tpu.memory_space<vmem>>, vector<16xi32>,
      tpu.vector_store %arg12[%swap3A_25], %add3A_24 {strides = array<i32>} : memref<80xi32, #tpu.memory_space<vmem>>, vector<16xi32>,
      %get3A_27 = arith.constant 16 : index
      %get3A_28 = tpu.vector_load %arg8[%get3A_27] {strides = array<i32>} : memref<80xi32, #tpu.memory_space<vmem>>, vector<16xi32>,
      %get3A_29 = arith.constant 16 : index
      %get3A_30 = tpu.vector_load %arg9[%get3A_29] {strides = array<i32>} : memref<80xi32, #tpu.memory_space<vmem>>, vector<16xi32>,
      %get3A_31 = arith.constant 16 : index
      %get3A_32 = tpu.vector_load %arg10[%get3A_31] {strides = array<i32>} : memref<80xi32, #tpu.memory_space<vmem>>, vector<16xi32>,
      %mul3A_33 = arith.constant 20 : i32
      %mul3A_34 = vector.broadcast %mul3A_33 : i32 to vector<16xi32>
      %mul3A_35 = arith.muli %get3A_28, %mul3A_34 : vector<16xi32>
      %add3A_36 = arith.addi %mul3A_35, %get3A_30 : vector<16xi32>
      %swap3A_37 = arith.constant 16 : index
      %swap3A_38 = tpu.vector_load %arg11[%swap3A_37] {strides = array<i32>} : memref<80xi32, #tpu.memory_space<vmem>>, vector<16xi32>,
      tpu.vector_store %arg11[%swap3A_37], %add3A_36 {strides = array<i32>} : memref<80xi32, #tpu.memory_space<vmem>>, vector<16xi32>,
      %mul3A_39 = arith.constant 10000 : i32
      %mul3A_40 = vector.broadcast %mul3A_39 : i32 to vector<16xi32>
      %mul3A_41 = arith.muli %get3A_30, %mul3A_40 : vector<16xi32>
      %add3A_42 = arith.addi %mul3A_41, %get3A_32 : vector<16xi32>
      %swap3A_43 = arith.constant 16 : index
      %swap3A_44 = tpu.vector_load %arg12[%swap3A_43] {strides = array<i32>} : memref<80xi32, #tpu.memory_space<vmem>>, vector<16xi32>,
      tpu.vector_store %arg12[%swap3A_43], %add3A_42 {strides = array<i32>} : memref<80xi32, #tpu.memory_space<vmem>>, vector<16xi32>,
      %get3A_45 = arith.constant 32 : index
      %get3A_46 = tpu.vector_load %arg8[%get3A_45] {strides = array<i32>} : memref<80xi32, #tpu.memory_space<vmem>>, vector<16xi32>,
      %get3A_47 = arith.constant 32 : index
      %get3A_48 = tpu.vector_load %arg9[%get3A_47] {strides = array<i32>} : memref<80xi32, #tpu.memory_space<vmem>>, vector<16xi32>,
      %get3A_49 = arith.constant 32 : index
      %get3A_50 = tpu.vector_load %arg10[%get3A_49] {strides = array<i32>} : memref<80xi32, #tpu.memory_space<vmem>>, vector<16xi32>,
      %mul3A_51 = arith.constant 20 : i32
      %mul3A_52 = vector.broadcast %mul3A_51 : i32 to vector<16xi32>
      %mul3A_53 = arith.muli %get3A_46, %mul3A_52 : vector<16xi32>
      %add3A_54 = arith.addi %mul3A_53, %get3A_48 : vector<16xi32>
      %swap3A_55 = arith.constant 32 : index
      %swap3A_56 = tpu.vector_load %arg11[%swap3A_55] {strides = array<i32>} : memref<80xi32, #tpu.memory_space<vmem>>, vector<16xi32>,
      tpu.vector_store %arg11[%swap3A_55], %add3A_54 {strides = array<i32>} : memref<80xi32, #tpu.memory_space<vmem>>, vector<16xi32>,
      %mul3A_57 = arith.constant 10000 : i32
      %mul3A_58 = vector.broadcast %mul3A_57 : i32 to vector<16xi32>
      %mul3A_59 = arith.muli %get3A_48, %mul3A_58 : vector<16xi32>
      %add3A_60 = arith.addi %mul3A_59, %get3A_50 : vector<16xi32>
      %swap3A_61 = arith.constant 32 : index
      %swap3A_62 = tpu.vector_load %arg12[%swap3A_61] {strides = array<i32>} : memref<80xi32, #tpu.memory_space<vmem>>, vector<16xi32>,
      tpu.vector_store %arg12[%swap3A_61], %add3A_60 {strides = array<i32>} : memref<80xi32, #tpu.memory_space<vmem>>, vector<16xi32>,
      %get3A_63 = arith.constant 48 : index
      %get3A_64 = tpu.vector_load %arg8[%get3A_63] {strides = array<i32>} : memref<80xi32, #tpu.memory_space<vmem>>, vector<16xi32>,
      %get3A_65 = arith.constant 48 : index
      %get3A_66 = tpu.vector_load %arg9[%get3A_65] {strides = array<i32>} : memref<80xi32, #tpu.memory_space<vmem>>, vector<16xi32>,
      %get3A_67 = arith.constant 48 : index
      %get3A_68 = tpu.vector_load %arg10[%get3A_67] {strides = array<i32>} : memref<80xi32, #tpu.memory_space<vmem>>, vector<16xi32>,
      %mul3A_69 = arith.constant 20 : i32
      %mul3A_70 = vector.broadcast %mul3A_69 : i32 to vector<16xi32>
      %mul3A_71 = arith.muli %get3A_64, %mul3A_70 : vector<16xi32>
      %add3A_72 = arith.addi %mul3A_71, %get3A_66 : vector<16xi32>
      %swap3A_73 = arith.constant 48 : index
      %swap3A_74 = tpu.vector_load %arg11[%swap3A_73] {strides = array<i32>} : memref<80xi32, #tpu.memory_space<vmem>>, vector<16xi32>,
      tpu.vector_store %arg11[%swap3A_73], %add3A_72 {strides = array<i32>} : memref<80xi32, #tpu.memory_space<vmem>>, vector<16xi32>,
      %mul3A_75 = arith.constant 10000 : i32
      %mul3A_76 = vector.broadcast %mul3A_75 : i32 to vector<16xi32>
      %mul3A_77 = arith.muli %get3A_66, %mul3A_76 : vector<16xi32>
      %add3A_78 = arith.addi %mul3A_77, %get3A_68 : vector<16xi32>
      %swap3A_79 = arith.constant 48 : index
      %swap3A_80 = tpu.vector_load %arg12[%swap3A_79] {strides = array<i32>} : memref<80xi32, #tpu.memory_space<vmem>>, vector<16xi32>,
      tpu.vector_store %arg12[%swap3A_79], %add3A_78 {strides = array<i32>} : memref<80xi32, #tpu.memory_space<vmem>>, vector<16xi32>,
      %get3A_81 = arith.constant 64 : index
      %get3A_82 = tpu.vector_load %arg8[%get3A_81] {strides = array<i32>} : memref<80xi32, #tpu.memory_space<vmem>>, vector<16xi32>,
      %get3A_83 = arith.constant 64 : index
      %get3A_84 = tpu.vector_load %arg9[%get3A_83] {strides = array<i32>} : memref<80xi32, #tpu.memory_space<vmem>>, vector<16xi32>,
      %get3A_85 = arith.constant 64 : index
      %get3A_86 = tpu.vector_load %arg10[%get3A_85] {strides = array<i32>} : memref<80xi32, #tpu.memory_space<vmem>>, vector<16xi32>,
      %mul3A_87 = arith.constant 20 : i32
      %mul3A_88 = vector.broadcast %mul3A_87 : i32 to vector<16xi32>
      %mul3A_89 = arith.muli %get3A_82, %mul3A_88 : vector<16xi32>
      %add3A_90 = arith.addi %mul3A_89, %get3A_84 : vector<16xi32>
      %swap3A_91 = arith.constant 64 : index
      %swap3A_92 = tpu.vector_load %arg11[%swap3A_91] {strides = array<i32>} : memref<80xi32, #tpu.memory_space<vmem>>, vector<16xi32>,
      tpu.vector_store %arg11[%swap3A_91], %add3A_90 {strides = array<i32>} : memref<80xi32, #tpu.memory_space<vmem>>, vector<16xi32>,
      %mul3A_93 = arith.constant 10000 : i32
      %mul3A_94 = vector.broadcast %mul3A_93 : i32 to vector<16xi32>
      %mul3A_95 = arith.muli %get3A_84, %mul3A_94 : vector<16xi32>
      %add3A_96 = arith.addi %mul3A_95, %get3A_86 : vector<16xi32>
      %swap3A_97 = arith.constant 64 : index
      %swap3A_98 = tpu.vector_load %arg12[%swap3A_97] {strides = array<i32>} : memref<80xi32, #tpu.memory_space<vmem>>, vector<16xi32>,
      tpu.vector_store %arg12[%swap3A_97], %add3A_96 {strides = array<i32>} : memref<80xi32, #tpu.memory_space<vmem>>, vector<16xi32>,
      %dma_start3A = arith.constant 0 : i32
      %dma_start3A_99 = arith.constant 0 : i32
      %dma_start3A_100 = tpu.memref_slice %arg5[%dma_start3A, %dma_start3A_99] : memref<200000x16xf32, #tpu.memory_space<hbm>> -> memref<200000x16xf32, #tpu.memory_space<hbm>>
      tpu.enqueue_indirect_dma source(%dma_start3A_100 : memref<200000x16xf32, #tpu.memory_space<hbm>>) target(%arg14 : memref<80x16xf32, #tpu.memory_space<vmem>>) offsets(%arg11 : memref<80xi32, #tpu.memory_space<vmem>>) semaphore(%arg15 : memref<!tpu.dma_semaphore, #tpu.memory_space<semaphore_mem>>)
      %dma_wait3A = arith.constant 0 : i32
      %dma_wait3A_101 = arith.constant 0 : i32
      %dma_wait3A_102 = tpu.memref_slice %arg5[%dma_wait3A, %dma_wait3A_101] : memref<200000x16xf32, #tpu.memory_space<hbm>> -> memref<200000x16xf32, #tpu.memory_space<hbm>>
      tpu.wait_indirect_dma semaphore(%arg15 : memref<!tpu.dma_semaphore, #tpu.memory_space<semaphore_mem>>) src(%dma_wait3A_102 : memref<200000x16xf32, #tpu.memory_space<hbm>>) dst(%arg14 : memref<80x16xf32, #tpu.memory_space<vmem>>)
      %broadcast_in_dim3A = arith.constant 0 : i32
      %broadcast_in_dim3A_103 = vector.broadcast %broadcast_in_dim3A : i32 to vector<16xi32>
      %iota3A = tpu.iota {dimensions = array<i32: 0>} : vector<16xi32>
      %add3A_104 = arith.constant 0 : i32
      %add3A_105 = vector.broadcast %add3A_104 : i32 to vector<16xi32>
      %add3A_106 = arith.addi %iota3A, %add3A_105 : vector<16xi32>
      %gather3A = tpu.vector_load_idx %arg14[%add3A_106, %broadcast_in_dim3A_103] : memref<80x16xf32, #tpu.memory_space<vmem>>[vector<16xi32>, vector<16xi32>], vector<16xf32>,
      %max3A = arith.constant 1.000000e+00 : f32
      %max3A_107 = vector.broadcast %max3A : f32 to vector<16xf32>
      %max3A_108 = arith.maximumf %gather3A, %max3A_107 : vector<16xf32>
      %div3A = arith.constant 1.000000e+00 : f32
      %div3A_109 = vector.broadcast %div3A : f32 to vector<16xf32>
      %div3A_110 = arith.divf %div3A_109, %max3A_108 : vector<16xf32>
      %swap3A_111 = arith.constant 0 : index
      %swap3A_112 = tpu.vector_load %arg13[%swap3A_111] {strides = array<i32>} : memref<80xf32, #tpu.memory_space<vmem>>, vector<16xf32>,
      tpu.vector_store %arg13[%swap3A_111], %div3A_110 {strides = array<i32>} : memref<80xf32, #tpu.memory_space<vmem>>, vector<16xf32>,
      %iota3A_113 = tpu.iota {dimensions = array<i32: 0>} : vector<16xi32>
      %add3A_114 = arith.constant 16 : i32
      %add3A_115 = vector.broadcast %add3A_114 : i32 to vector<16xi32>
      %add3A_116 = arith.addi %iota3A_113, %add3A_115 : vector<16xi32>
      %gather3A_117 = tpu.vector_load_idx %arg14[%add3A_116, %broadcast_in_dim3A_103] : memref<80x16xf32, #tpu.memory_space<vmem>>[vector<16xi32>, vector<16xi32>], vector<16xf32>,
      %max3A_118 = arith.constant 1.000000e+00 : f32
      %max3A_119 = vector.broadcast %max3A_118 : f32 to vector<16xf32>
      %max3A_120 = arith.maximumf %gather3A_117, %max3A_119 : vector<16xf32>
      %div3A_121 = arith.constant 1.000000e+00 : f32
      %div3A_122 = vector.broadcast %div3A_121 : f32 to vector<16xf32>
      %div3A_123 = arith.divf %div3A_122, %max3A_120 : vector<16xf32>
      %swap3A_124 = arith.constant 16 : index
      %swap3A_125 = tpu.vector_load %arg13[%swap3A_124] {strides = array<i32>} : memref<80xf32, #tpu.memory_space<vmem>>, vector<16xf32>,
      tpu.vector_store %arg13[%swap3A_124], %div3A_123 {strides = array<i32>} : memref<80xf32, #tpu.memory_space<vmem>>, vector<16xf32>,
      %iota3A_126 = tpu.iota {dimensions = array<i32: 0>} : vector<16xi32>
      %add3A_127 = arith.constant 32 : i32
      %add3A_128 = vector.broadcast %add3A_127 : i32 to vector<16xi32>
      %add3A_129 = arith.addi %iota3A_126, %add3A_128 : vector<16xi32>
      %gather3A_130 = tpu.vector_load_idx %arg14[%add3A_129, %broadcast_in_dim3A_103] : memref<80x16xf32, #tpu.memory_space<vmem>>[vector<16xi32>, vector<16xi32>], vector<16xf32>,
      %max3A_131 = arith.constant 1.000000e+00 : f32
      %max3A_132 = vector.broadcast %max3A_131 : f32 to vector<16xf32>
      %max3A_133 = arith.maximumf %gather3A_130, %max3A_132 : vector<16xf32>
      %div3A_134 = arith.constant 1.000000e+00 : f32
      %div3A_135 = vector.broadcast %div3A_134 : f32 to vector<16xf32>
      %div3A_136 = arith.divf %div3A_135, %max3A_133 : vector<16xf32>
      %swap3A_137 = arith.constant 32 : index
      %swap3A_138 = tpu.vector_load %arg13[%swap3A_137] {strides = array<i32>} : memref<80xf32, #tpu.memory_space<vmem>>, vector<16xf32>,
      tpu.vector_store %arg13[%swap3A_137], %div3A_136 {strides = array<i32>} : memref<80xf32, #tpu.memory_space<vmem>>, vector<16xf32>,
      %iota3A_139 = tpu.iota {dimensions = array<i32: 0>} : vector<16xi32>
      %add3A_140 = arith.constant 48 : i32
      %add3A_141 = vector.broadcast %add3A_140 : i32 to vector<16xi32>
      %add3A_142 = arith.addi %iota3A_139, %add3A_141 : vector<16xi32>
      %gather3A_143 = tpu.vector_load_idx %arg14[%add3A_142, %broadcast_in_dim3A_103] : memref<80x16xf32, #tpu.memory_space<vmem>>[vector<16xi32>, vector<16xi32>], vector<16xf32>,
      %max3A_144 = arith.constant 1.000000e+00 : f32
      %max3A_145 = vector.broadcast %max3A_144 : f32 to vector<16xf32>
      %max3A_146 = arith.maximumf %gather3A_143, %max3A_145 : vector<16xf32>
      %div3A_147 = arith.constant 1.000000e+00 : f32
      %div3A_148 = vector.broadcast %div3A_147 : f32 to vector<16xf32>
      %div3A_149 = arith.divf %div3A_148, %max3A_146 : vector<16xf32>
      %swap3A_150 = arith.constant 48 : index
      %swap3A_151 = tpu.vector_load %arg13[%swap3A_150] {strides = array<i32>} : memref<80xf32, #tpu.memory_space<vmem>>, vector<16xf32>,
      tpu.vector_store %arg13[%swap3A_150], %div3A_149 {strides = array<i32>} : memref<80xf32, #tpu.memory_space<vmem>>, vector<16xf32>,
      %iota3A_152 = tpu.iota {dimensions = array<i32: 0>} : vector<16xi32>
      %add3A_153 = arith.constant 64 : i32
      %add3A_154 = vector.broadcast %add3A_153 : i32 to vector<16xi32>
      %add3A_155 = arith.addi %iota3A_152, %add3A_154 : vector<16xi32>
      %gather3A_156 = tpu.vector_load_idx %arg14[%add3A_155, %broadcast_in_dim3A_103] : memref<80x16xf32, #tpu.memory_space<vmem>>[vector<16xi32>, vector<16xi32>], vector<16xf32>,
      %max3A_157 = arith.constant 1.000000e+00 : f32
      %max3A_158 = vector.broadcast %max3A_157 : f32 to vector<16xf32>
      %max3A_159 = arith.maximumf %gather3A_156, %max3A_158 : vector<16xf32>
      %div3A_160 = arith.constant 1.000000e+00 : f32
      %div3A_161 = vector.broadcast %div3A_160 : f32 to vector<16xf32>
      %div3A_162 = arith.divf %div3A_161, %max3A_159 : vector<16xf32>
      %swap3A_163 = arith.constant 64 : index
      %swap3A_164 = tpu.vector_load %arg13[%swap3A_163] {strides = array<i32>} : memref<80xf32, #tpu.memory_space<vmem>>, vector<16xf32>,
      tpu.vector_store %arg13[%swap3A_163], %div3A_162 {strides = array<i32>} : memref<80xf32, #tpu.memory_space<vmem>>, vector<16xf32>,
      "tpu.region"() ({
        %run_scoped3A = tpu.sem_alloc : memref<!tpu.dma_semaphore, #tpu.memory_space<semaphore_mem>>
        %dma_start3A_165 = tpu.memref_slice %arg6[%multiple_of3A] : memref<320000xf32, #tpu.memory_space<hbm>> -> memref<80xf32, #tpu.memory_space<hbm>>
        %dma_start3A_166 = tpu.memref_slice %arg6[%multiple_of3A] : memref<320000xf32, #tpu.memory_space<hbm>> -> memref<80xf32, #tpu.memory_space<hbm>>
        tpu.enqueue_dma source(%arg13 : memref<80xf32, #tpu.memory_space<vmem>>) target(%dma_start3A_166 : memref<80xf32, #tpu.memory_space<hbm>>) target_semaphore(%run_scoped3A : memref<!tpu.dma_semaphore, #tpu.memory_space<semaphore_mem>>)
        %dma_wait3A_167 = tpu.memref_slice %arg6[%multiple_of3A] : memref<320000xf32, #tpu.memory_space<hbm>> -> memref<80xf32, #tpu.memory_space<hbm>>
        %dma_wait3A_168 = tpu.memref_slice %arg6[%multiple_of3A] : memref<320000xf32, #tpu.memory_space<hbm>> -> memref<80xf32, #tpu.memory_space<hbm>>
        tpu.wait_dma2 semaphore(%run_scoped3A : memref<!tpu.dma_semaphore, #tpu.memory_space<semaphore_mem>>) src(%arg13 : memref<80xf32, #tpu.memory_space<vmem>>) dst(%dma_wait3A_168 : memref<80xf32, #tpu.memory_space<hbm>>)
        tpu.yield
      }) : () -> ()
      "tpu.region"() ({
        %run_scoped3A = tpu.sem_alloc : memref<!tpu.dma_semaphore, #tpu.memory_space<semaphore_mem>>
        %dma_start3A_165 = tpu.memref_slice %arg7[%multiple_of3A] : memref<320000xi32, #tpu.memory_space<hbm>> -> memref<80xi32, #tpu.memory_space<hbm>>
        %dma_start3A_166 = tpu.memref_slice %arg7[%multiple_of3A] : memref<320000xi32, #tpu.memory_space<hbm>> -> memref<80xi32, #tpu.memory_space<hbm>>
        tpu.enqueue_dma source(%arg12 : memref<80xi32, #tpu.memory_space<vmem>>) target(%dma_start3A_166 : memref<80xi32, #tpu.memory_space<hbm>>) target_semaphore(%run_scoped3A : memref<!tpu.dma_semaphore, #tpu.memory_space<semaphore_mem>>)
        %dma_wait3A_167 = tpu.memref_slice %arg7[%multiple_of3A] : memref<320000xi32, #tpu.memory_space<hbm>> -> memref<80xi32, #tpu.memory_space<hbm>>
        %dma_wait3A_168 = tpu.memref_slice %arg7[%multiple_of3A] : memref<320000xi32, #tpu.memory_space<hbm>> -> memref<80xi32, #tpu.memory_space<hbm>>
        tpu.wait_dma2 semaphore(%run_scoped3A : memref<!tpu.dma_semaphore, #tpu.memory_space<semaphore_mem>>) src(%arg12 : memref<80xi32, #tpu.memory_space<vmem>>) dst(%dma_wait3A_168 : memref<80xi32, #tpu.memory_space<hbm>>)
        tpu.yield
      }) : () -> ()
    }
    %scan3A_4 = arith.constant 125 : i32
    return
  }
}

#map = affine_map<(d0, d1) -> (0)>
#map1 = affine_map<(d0, d1) -> (0, 0)>
module attributes {stable_mosaic.version = 14 : i64} {
  func.func @_sc_counts(%arg0: i32, %arg1: i32, %arg2: memref<320000xi32, #tpu.memory_space<hbm>>, %arg3: memref<320000xi32, #tpu.memory_space<hbm>>, %arg4: memref<200000x16xf32, #tpu.memory_space<hbm>>, %arg5: memref<100160x16xf32, #tpu.memory_space<vmem_shared>>, %arg6: memref<80xi32, #tpu.memory_space<vmem>>, %arg7: memref<80xi32, #tpu.memory_space<vmem>>, %arg8: memref<80xi32, #tpu.memory_space<vmem>>, %arg9: memref<80x16xf32, #tpu.memory_space<vmem>>, %arg10: memref<626x16xf32, #tpu.memory_space<vmem>>) attributes {dimension_semantics = [#tpu.dimension_semantics<core_parallel>, #tpu.dimension_semantics<subcore_parallel>], iteration_bounds = array<i64: 2, 16>, scalar_prefetch = 0 : i64, scratch_operands = 6 : i64, tpu.core_type = #tpu.core_type<sc_vector_subcore>, window_params = [{transform_indices = #map}, {transform_indices = #map}, {transform_indices = #map1}]} {
    %scan3A = arith.constant 0 : i32
    %scan3A_0 = arith.constant 626 : i32
    %scan3A_1 = arith.addi %scan3A, %scan3A_0 : i32
    %scan3A_2 = arith.constant 1 : i32
    scf.for %scan3A_66 = %scan3A to %scan3A_1 step %scan3A_2  : i32 {
      %broadcast_in_dim3A_67 = arith.constant 0.000000e+00 : f32
      %broadcast_in_dim3A_68 = vector.broadcast %broadcast_in_dim3A_67 : f32 to vector<16xf32>
      %swap3A = arith.index_cast %scan3A_66 : i32 to index
      %swap3A_69 = arith.constant 0 : index
      %swap3A_70 = tpu.vector_load %arg10[%swap3A, %swap3A_69] {strides = array<i32>} : memref<626x16xf32, #tpu.memory_space<vmem>>, vector<16xf32>,
      tpu.vector_store %arg10[%swap3A, %swap3A_69], %broadcast_in_dim3A_68 {strides = array<i32>} : memref<626x16xf32, #tpu.memory_space<vmem>>, vector<16xf32>,
    }
    %scan3A_3 = arith.constant 626 : i32
    %mul3A = arith.constant 6260 : i32
    %mul3A_4 = arith.muli %arg1, %mul3A : i32
    %add3A = arith.constant 0 : i32
    %add3A_5 = arith.addi %mul3A_4, %add3A : i32
    "tpu.region"() ({
      %run_scoped3A = tpu.sem_alloc : memref<!tpu.dma_semaphore, #tpu.memory_space<semaphore_mem>>
      %dma_start3A = arith.constant 0 : i32
      %dma_start3A_66 = tpu.memref_slice %arg5[%add3A_5, %dma_start3A] : memref<100160x16xf32, #tpu.memory_space<vmem_shared>> -> memref<626x16xf32, #tpu.memory_space<vmem_shared>>
      %dma_start3A_67 = arith.constant 0 : i32
      %dma_start3A_68 = tpu.memref_slice %arg5[%add3A_5, %dma_start3A_67] : memref<100160x16xf32, #tpu.memory_space<vmem_shared>> -> memref<626x16xf32, #tpu.memory_space<vmem_shared>>
      tpu.enqueue_dma source(%arg10 : memref<626x16xf32, #tpu.memory_space<vmem>>) target(%dma_start3A_68 : memref<626x16xf32, #tpu.memory_space<vmem_shared>>) target_semaphore(%run_scoped3A : memref<!tpu.dma_semaphore, #tpu.memory_space<semaphore_mem>>)
      %dma_wait3A = arith.constant 0 : i32
      %dma_wait3A_69 = tpu.memref_slice %arg5[%add3A_5, %dma_wait3A] : memref<100160x16xf32, #tpu.memory_space<vmem_shared>> -> memref<626x16xf32, #tpu.memory_space<vmem_shared>>
      %dma_wait3A_70 = arith.constant 0 : i32
      %dma_wait3A_71 = tpu.memref_slice %arg5[%add3A_5, %dma_wait3A_70] : memref<100160x16xf32, #tpu.memory_space<vmem_shared>> -> memref<626x16xf32, #tpu.memory_space<vmem_shared>>
      tpu.wait_dma2 semaphore(%run_scoped3A : memref<!tpu.dma_semaphore, #tpu.memory_space<semaphore_mem>>) src(%arg10 : memref<626x16xf32, #tpu.memory_space<vmem>>) dst(%dma_wait3A_71 : memref<626x16xf32, #tpu.memory_space<vmem_shared>>)
      tpu.yield
    }) : () -> ()
    %mul3A_6 = arith.constant 6260 : i32
    %mul3A_7 = arith.muli %arg1, %mul3A_6 : i32
    %add3A_8 = arith.constant 626 : i32
    %add3A_9 = arith.addi %mul3A_7, %add3A_8 : i32
    "tpu.region"() ({
      %run_scoped3A = tpu.sem_alloc : memref<!tpu.dma_semaphore, #tpu.memory_space<semaphore_mem>>
      %dma_start3A = arith.constant 0 : i32
      %dma_start3A_66 = tpu.memref_slice %arg5[%add3A_9, %dma_start3A] : memref<100160x16xf32, #tpu.memory_space<vmem_shared>> -> memref<626x16xf32, #tpu.memory_space<vmem_shared>>
      %dma_start3A_67 = arith.constant 0 : i32
      %dma_start3A_68 = tpu.memref_slice %arg5[%add3A_9, %dma_start3A_67] : memref<100160x16xf32, #tpu.memory_space<vmem_shared>> -> memref<626x16xf32, #tpu.memory_space<vmem_shared>>
      tpu.enqueue_dma source(%arg10 : memref<626x16xf32, #tpu.memory_space<vmem>>) target(%dma_start3A_68 : memref<626x16xf32, #tpu.memory_space<vmem_shared>>) target_semaphore(%run_scoped3A : memref<!tpu.dma_semaphore, #tpu.memory_space<semaphore_mem>>)
      %dma_wait3A = arith.constant 0 : i32
      %dma_wait3A_69 = tpu.memref_slice %arg5[%add3A_9, %dma_wait3A] : memref<100160x16xf32, #tpu.memory_space<vmem_shared>> -> memref<626x16xf32, #tpu.memory_space<vmem_shared>>
      %dma_wait3A_70 = arith.constant 0 : i32
      %dma_wait3A_71 = tpu.memref_slice %arg5[%add3A_9, %dma_wait3A_70] : memref<100160x16xf32, #tpu.memory_space<vmem_shared>> -> memref<626x16xf32, #tpu.memory_space<vmem_shared>>
      tpu.wait_dma2 semaphore(%run_scoped3A : memref<!tpu.dma_semaphore, #tpu.memory_space<semaphore_mem>>) src(%arg10 : memref<626x16xf32, #tpu.memory_space<vmem>>) dst(%dma_wait3A_71 : memref<626x16xf32, #tpu.memory_space<vmem_shared>>)
      tpu.yield
    }) : () -> ()
    %mul3A_10 = arith.constant 6260 : i32
    %mul3A_11 = arith.muli %arg1, %mul3A_10 : i32
    %add3A_12 = arith.constant 1252 : i32
    %add3A_13 = arith.addi %mul3A_11, %add3A_12 : i32
    "tpu.region"() ({
      %run_scoped3A = tpu.sem_alloc : memref<!tpu.dma_semaphore, #tpu.memory_space<semaphore_mem>>
      %dma_start3A = arith.constant 0 : i32
      %dma_start3A_66 = tpu.memref_slice %arg5[%add3A_13, %dma_start3A] : memref<100160x16xf32, #tpu.memory_space<vmem_shared>> -> memref<626x16xf32, #tpu.memory_space<vmem_shared>>
      %dma_start3A_67 = arith.constant 0 : i32
      %dma_start3A_68 = tpu.memref_slice %arg5[%add3A_13, %dma_start3A_67] : memref<100160x16xf32, #tpu.memory_space<vmem_shared>> -> memref<626x16xf32, #tpu.memory_space<vmem_shared>>
      tpu.enqueue_dma source(%arg10 : memref<626x16xf32, #tpu.memory_space<vmem>>) target(%dma_start3A_68 : memref<626x16xf32, #tpu.memory_space<vmem_shared>>) target_semaphore(%run_scoped3A : memref<!tpu.dma_semaphore, #tpu.memory_space<semaphore_mem>>)
      %dma_wait3A = arith.constant 0 : i32
      %dma_wait3A_69 = tpu.memref_slice %arg5[%add3A_13, %dma_wait3A] : memref<100160x16xf32, #tpu.memory_space<vmem_shared>> -> memref<626x16xf32, #tpu.memory_space<vmem_shared>>
      %dma_wait3A_70 = arith.constant 0 : i32
      %dma_wait3A_71 = tpu.memref_slice %arg5[%add3A_13, %dma_wait3A_70] : memref<100160x16xf32, #tpu.memory_space<vmem_shared>> -> memref<626x16xf32, #tpu.memory_space<vmem_shared>>
      tpu.wait_dma2 semaphore(%run_scoped3A : memref<!tpu.dma_semaphore, #tpu.memory_space<semaphore_mem>>) src(%arg10 : memref<626x16xf32, #tpu.memory_space<vmem>>) dst(%dma_wait3A_71 : memref<626x16xf32, #tpu.memory_space<vmem_shared>>)
      tpu.yield
    }) : () -> ()
    %mul3A_14 = arith.constant 6260 : i32
    %mul3A_15 = arith.muli %arg1, %mul3A_14 : i32
    %add3A_16 = arith.constant 1878 : i32
    %add3A_17 = arith.addi %mul3A_15, %add3A_16 : i32
    "tpu.region"() ({
      %run_scoped3A = tpu.sem_alloc : memref<!tpu.dma_semaphore, #tpu.memory_space<semaphore_mem>>
      %dma_start3A = arith.constant 0 : i32
      %dma_start3A_66 = tpu.memref_slice %arg5[%add3A_17, %dma_start3A] : memref<100160x16xf32, #tpu.memory_space<vmem_shared>> -> memref<626x16xf32, #tpu.memory_space<vmem_shared>>
      %dma_start3A_67 = arith.constant 0 : i32
      %dma_start3A_68 = tpu.memref_slice %arg5[%add3A_17, %dma_start3A_67] : memref<100160x16xf32, #tpu.memory_space<vmem_shared>> -> memref<626x16xf32, #tpu.memory_space<vmem_shared>>
      tpu.enqueue_dma source(%arg10 : memref<626x16xf32, #tpu.memory_space<vmem>>) target(%dma_start3A_68 : memref<626x16xf32, #tpu.memory_space<vmem_shared>>) target_semaphore(%run_scoped3A : memref<!tpu.dma_semaphore, #tpu.memory_space<semaphore_mem>>)
      %dma_wait3A = arith.constant 0 : i32
      %dma_wait3A_69 = tpu.memref_slice %arg5[%add3A_17, %dma_wait3A] : memref<100160x16xf32, #tpu.memory_space<vmem_shared>> -> memref<626x16xf32, #tpu.memory_space<vmem_shared>>
      %dma_wait3A_70 = arith.constant 0 : i32
      %dma_wait3A_71 = tpu.memref_slice %arg5[%add3A_17, %dma_wait3A_70] : memref<100160x16xf32, #tpu.memory_space<vmem_shared>> -> memref<626x16xf32, #tpu.memory_space<vmem_shared>>
      tpu.wait_dma2 semaphore(%run_scoped3A : memref<!tpu.dma_semaphore, #tpu.memory_space<semaphore_mem>>) src(%arg10 : memref<626x16xf32, #tpu.memory_space<vmem>>) dst(%dma_wait3A_71 : memref<626x16xf32, #tpu.memory_space<vmem_shared>>)
      tpu.yield
    }) : () -> ()
    %mul3A_18 = arith.constant 6260 : i32
    %mul3A_19 = arith.muli %arg1, %mul3A_18 : i32
    %add3A_20 = arith.constant 2504 : i32
    %add3A_21 = arith.addi %mul3A_19, %add3A_20 : i32
    "tpu.region"() ({
      %run_scoped3A = tpu.sem_alloc : memref<!tpu.dma_semaphore, #tpu.memory_space<semaphore_mem>>
      %dma_start3A = arith.constant 0 : i32
      %dma_start3A_66 = tpu.memref_slice %arg5[%add3A_21, %dma_start3A] : memref<100160x16xf32, #tpu.memory_space<vmem_shared>> -> memref<626x16xf32, #tpu.memory_space<vmem_shared>>
      %dma_start3A_67 = arith.constant 0 : i32
      %dma_start3A_68 = tpu.memref_slice %arg5[%add3A_21, %dma_start3A_67] : memref<100160x16xf32, #tpu.memory_space<vmem_shared>> -> memref<626x16xf32, #tpu.memory_space<vmem_shared>>
      tpu.enqueue_dma source(%arg10 : memref<626x16xf32, #tpu.memory_space<vmem>>) target(%dma_start3A_68 : memref<626x16xf32, #tpu.memory_space<vmem_shared>>) target_semaphore(%run_scoped3A : memref<!tpu.dma_semaphore, #tpu.memory_space<semaphore_mem>>)
      %dma_wait3A = arith.constant 0 : i32
      %dma_wait3A_69 = tpu.memref_slice %arg5[%add3A_21, %dma_wait3A] : memref<100160x16xf32, #tpu.memory_space<vmem_shared>> -> memref<626x16xf32, #tpu.memory_space<vmem_shared>>
      %dma_wait3A_70 = arith.constant 0 : i32
      %dma_wait3A_71 = tpu.memref_slice %arg5[%add3A_21, %dma_wait3A_70] : memref<100160x16xf32, #tpu.memory_space<vmem_shared>> -> memref<626x16xf32, #tpu.memory_space<vmem_shared>>
      tpu.wait_dma2 semaphore(%run_scoped3A : memref<!tpu.dma_semaphore, #tpu.memory_space<semaphore_mem>>) src(%arg10 : memref<626x16xf32, #tpu.memory_space<vmem>>) dst(%dma_wait3A_71 : memref<626x16xf32, #tpu.memory_space<vmem_shared>>)
      tpu.yield
    }) : () -> ()
    %mul3A_22 = arith.constant 6260 : i32
    %mul3A_23 = arith.muli %arg1, %mul3A_22 : i32
    %add3A_24 = arith.constant 3130 : i32
    %add3A_25 = arith.addi %mul3A_23, %add3A_24 : i32
    "tpu.region"() ({
      %run_scoped3A = tpu.sem_alloc : memref<!tpu.dma_semaphore, #tpu.memory_space<semaphore_mem>>
      %dma_start3A = arith.constant 0 : i32
      %dma_start3A_66 = tpu.memref_slice %arg5[%add3A_25, %dma_start3A] : memref<100160x16xf32, #tpu.memory_space<vmem_shared>> -> memref<626x16xf32, #tpu.memory_space<vmem_shared>>
      %dma_start3A_67 = arith.constant 0 : i32
      %dma_start3A_68 = tpu.memref_slice %arg5[%add3A_25, %dma_start3A_67] : memref<100160x16xf32, #tpu.memory_space<vmem_shared>> -> memref<626x16xf32, #tpu.memory_space<vmem_shared>>
      tpu.enqueue_dma source(%arg10 : memref<626x16xf32, #tpu.memory_space<vmem>>) target(%dma_start3A_68 : memref<626x16xf32, #tpu.memory_space<vmem_shared>>) target_semaphore(%run_scoped3A : memref<!tpu.dma_semaphore, #tpu.memory_space<semaphore_mem>>)
      %dma_wait3A = arith.constant 0 : i32
      %dma_wait3A_69 = tpu.memref_slice %arg5[%add3A_25, %dma_wait3A] : memref<100160x16xf32, #tpu.memory_space<vmem_shared>> -> memref<626x16xf32, #tpu.memory_space<vmem_shared>>
      %dma_wait3A_70 = arith.constant 0 : i32
      %dma_wait3A_71 = tpu.memref_slice %arg5[%add3A_25, %dma_wait3A_70] : memref<100160x16xf32, #tpu.memory_space<vmem_shared>> -> memref<626x16xf32, #tpu.memory_space<vmem_shared>>
      tpu.wait_dma2 semaphore(%run_scoped3A : memref<!tpu.dma_semaphore, #tpu.memory_space<semaphore_mem>>) src(%arg10 : memref<626x16xf32, #tpu.memory_space<vmem>>) dst(%dma_wait3A_71 : memref<626x16xf32, #tpu.memory_space<vmem_shared>>)
      tpu.yield
    }) : () -> ()
    %mul3A_26 = arith.constant 6260 : i32
    %mul3A_27 = arith.muli %arg1, %mul3A_26 : i32
    %add3A_28 = arith.constant 3756 : i32
    %add3A_29 = arith.addi %mul3A_27, %add3A_28 : i32
    "tpu.region"() ({
      %run_scoped3A = tpu.sem_alloc : memref<!tpu.dma_semaphore, #tpu.memory_space<semaphore_mem>>
      %dma_start3A = arith.constant 0 : i32
      %dma_start3A_66 = tpu.memref_slice %arg5[%add3A_29, %dma_start3A] : memref<100160x16xf32, #tpu.memory_space<vmem_shared>> -> memref<626x16xf32, #tpu.memory_space<vmem_shared>>
      %dma_start3A_67 = arith.constant 0 : i32
      %dma_start3A_68 = tpu.memref_slice %arg5[%add3A_29, %dma_start3A_67] : memref<100160x16xf32, #tpu.memory_space<vmem_shared>> -> memref<626x16xf32, #tpu.memory_space<vmem_shared>>
      tpu.enqueue_dma source(%arg10 : memref<626x16xf32, #tpu.memory_space<vmem>>) target(%dma_start3A_68 : memref<626x16xf32, #tpu.memory_space<vmem_shared>>) target_semaphore(%run_scoped3A : memref<!tpu.dma_semaphore, #tpu.memory_space<semaphore_mem>>)
      %dma_wait3A = arith.constant 0 : i32
      %dma_wait3A_69 = tpu.memref_slice %arg5[%add3A_29, %dma_wait3A] : memref<100160x16xf32, #tpu.memory_space<vmem_shared>> -> memref<626x16xf32, #tpu.memory_space<vmem_shared>>
      %dma_wait3A_70 = arith.constant 0 : i32
      %dma_wait3A_71 = tpu.memref_slice %arg5[%add3A_29, %dma_wait3A_70] : memref<100160x16xf32, #tpu.memory_space<vmem_shared>> -> memref<626x16xf32, #tpu.memory_space<vmem_shared>>
      tpu.wait_dma2 semaphore(%run_scoped3A : memref<!tpu.dma_semaphore, #tpu.memory_space<semaphore_mem>>) src(%arg10 : memref<626x16xf32, #tpu.memory_space<vmem>>) dst(%dma_wait3A_71 : memref<626x16xf32, #tpu.memory_space<vmem_shared>>)
      tpu.yield
    }) : () -> ()
    %mul3A_30 = arith.constant 6260 : i32
    %mul3A_31 = arith.muli %arg1, %mul3A_30 : i32
    %add3A_32 = arith.constant 4382 : i32
    %add3A_33 = arith.addi %mul3A_31, %add3A_32 : i32
    "tpu.region"() ({
      %run_scoped3A = tpu.sem_alloc : memref<!tpu.dma_semaphore, #tpu.memory_space<semaphore_mem>>
      %dma_start3A = arith.constant 0 : i32
      %dma_start3A_66 = tpu.memref_slice %arg5[%add3A_33, %dma_start3A] : memref<100160x16xf32, #tpu.memory_space<vmem_shared>> -> memref<626x16xf32, #tpu.memory_space<vmem_shared>>
      %dma_start3A_67 = arith.constant 0 : i32
      %dma_start3A_68 = tpu.memref_slice %arg5[%add3A_33, %dma_start3A_67] : memref<100160x16xf32, #tpu.memory_space<vmem_shared>> -> memref<626x16xf32, #tpu.memory_space<vmem_shared>>
      tpu.enqueue_dma source(%arg10 : memref<626x16xf32, #tpu.memory_space<vmem>>) target(%dma_start3A_68 : memref<626x16xf32, #tpu.memory_space<vmem_shared>>) target_semaphore(%run_scoped3A : memref<!tpu.dma_semaphore, #tpu.memory_space<semaphore_mem>>)
      %dma_wait3A = arith.constant 0 : i32
      %dma_wait3A_69 = tpu.memref_slice %arg5[%add3A_33, %dma_wait3A] : memref<100160x16xf32, #tpu.memory_space<vmem_shared>> -> memref<626x16xf32, #tpu.memory_space<vmem_shared>>
      %dma_wait3A_70 = arith.constant 0 : i32
      %dma_wait3A_71 = tpu.memref_slice %arg5[%add3A_33, %dma_wait3A_70] : memref<100160x16xf32, #tpu.memory_space<vmem_shared>> -> memref<626x16xf32, #tpu.memory_space<vmem_shared>>
      tpu.wait_dma2 semaphore(%run_scoped3A : memref<!tpu.dma_semaphore, #tpu.memory_space<semaphore_mem>>) src(%arg10 : memref<626x16xf32, #tpu.memory_space<vmem>>) dst(%dma_wait3A_71 : memref<626x16xf32, #tpu.memory_space<vmem_shared>>)
      tpu.yield
    }) : () -> ()
    %mul3A_34 = arith.constant 6260 : i32
    %mul3A_35 = arith.muli %arg1, %mul3A_34 : i32
    %add3A_36 = arith.constant 5008 : i32
    %add3A_37 = arith.addi %mul3A_35, %add3A_36 : i32
    "tpu.region"() ({
      %run_scoped3A = tpu.sem_alloc : memref<!tpu.dma_semaphore, #tpu.memory_space<semaphore_mem>>
      %dma_start3A = arith.constant 0 : i32
      %dma_start3A_66 = tpu.memref_slice %arg5[%add3A_37, %dma_start3A] : memref<100160x16xf32, #tpu.memory_space<vmem_shared>> -> memref<626x16xf32, #tpu.memory_space<vmem_shared>>
      %dma_start3A_67 = arith.constant 0 : i32
      %dma_start3A_68 = tpu.memref_slice %arg5[%add3A_37, %dma_start3A_67] : memref<100160x16xf32, #tpu.memory_space<vmem_shared>> -> memref<626x16xf32, #tpu.memory_space<vmem_shared>>
      tpu.enqueue_dma source(%arg10 : memref<626x16xf32, #tpu.memory_space<vmem>>) target(%dma_start3A_68 : memref<626x16xf32, #tpu.memory_space<vmem_shared>>) target_semaphore(%run_scoped3A : memref<!tpu.dma_semaphore, #tpu.memory_space<semaphore_mem>>)
      %dma_wait3A = arith.constant 0 : i32
      %dma_wait3A_69 = tpu.memref_slice %arg5[%add3A_37, %dma_wait3A] : memref<100160x16xf32, #tpu.memory_space<vmem_shared>> -> memref<626x16xf32, #tpu.memory_space<vmem_shared>>
      %dma_wait3A_70 = arith.constant 0 : i32
      %dma_wait3A_71 = tpu.memref_slice %arg5[%add3A_37, %dma_wait3A_70] : memref<100160x16xf32, #tpu.memory_space<vmem_shared>> -> memref<626x16xf32, #tpu.memory_space<vmem_shared>>
      tpu.wait_dma2 semaphore(%run_scoped3A : memref<!tpu.dma_semaphore, #tpu.memory_space<semaphore_mem>>) src(%arg10 : memref<626x16xf32, #tpu.memory_space<vmem>>) dst(%dma_wait3A_71 : memref<626x16xf32, #tpu.memory_space<vmem_shared>>)
      tpu.yield
    }) : () -> ()
    %mul3A_38 = arith.constant 6260 : i32
    %mul3A_39 = arith.muli %arg1, %mul3A_38 : i32
    %add3A_40 = arith.constant 5634 : i32
    %add3A_41 = arith.addi %mul3A_39, %add3A_40 : i32
    "tpu.region"() ({
      %run_scoped3A = tpu.sem_alloc : memref<!tpu.dma_semaphore, #tpu.memory_space<semaphore_mem>>
      %dma_start3A = arith.constant 0 : i32
      %dma_start3A_66 = tpu.memref_slice %arg5[%add3A_41, %dma_start3A] : memref<100160x16xf32, #tpu.memory_space<vmem_shared>> -> memref<626x16xf32, #tpu.memory_space<vmem_shared>>
      %dma_start3A_67 = arith.constant 0 : i32
      %dma_start3A_68 = tpu.memref_slice %arg5[%add3A_41, %dma_start3A_67] : memref<100160x16xf32, #tpu.memory_space<vmem_shared>> -> memref<626x16xf32, #tpu.memory_space<vmem_shared>>
      tpu.enqueue_dma source(%arg10 : memref<626x16xf32, #tpu.memory_space<vmem>>) target(%dma_start3A_68 : memref<626x16xf32, #tpu.memory_space<vmem_shared>>) target_semaphore(%run_scoped3A : memref<!tpu.dma_semaphore, #tpu.memory_space<semaphore_mem>>)
      %dma_wait3A = arith.constant 0 : i32
      %dma_wait3A_69 = tpu.memref_slice %arg5[%add3A_41, %dma_wait3A] : memref<100160x16xf32, #tpu.memory_space<vmem_shared>> -> memref<626x16xf32, #tpu.memory_space<vmem_shared>>
      %dma_wait3A_70 = arith.constant 0 : i32
      %dma_wait3A_71 = tpu.memref_slice %arg5[%add3A_41, %dma_wait3A_70] : memref<100160x16xf32, #tpu.memory_space<vmem_shared>> -> memref<626x16xf32, #tpu.memory_space<vmem_shared>>
      tpu.wait_dma2 semaphore(%run_scoped3A : memref<!tpu.dma_semaphore, #tpu.memory_space<semaphore_mem>>) src(%arg10 : memref<626x16xf32, #tpu.memory_space<vmem>>) dst(%dma_wait3A_71 : memref<626x16xf32, #tpu.memory_space<vmem_shared>>)
      tpu.yield
    }) : () -> ()
    %iota3A = tpu.iota {dimensions = array<i32: 0>} : vector<16xi32>
    %eq3A = arith.constant 0 : i32
    %eq3A_42 = vector.broadcast %eq3A : i32 to vector<16xi32>
    %eq3A_43 = arith.cmpi eq, %iota3A, %eq3A_42 : vector<16xi32>
    %jit3A = arith.constant 1.000000e+00 : f32
    %jit3A_44 = arith.constant 0.000000e+00 : f32
    %broadcast_in_dim3A = vector.broadcast %jit3A : f32 to vector<16xf32>
    %broadcast_in_dim3A_45 = vector.broadcast %jit3A_44 : f32 to vector<16xf32>
    %select_n3A = arith.select %eq3A_43, %broadcast_in_dim3A, %broadcast_in_dim3A_45 : vector<16xi1>, vector<16xf32>
    %scan3A_46 = arith.constant 0 : i32
    %scan3A_47 = arith.constant 80 : i32
    %scan3A_48 = arith.addi %scan3A_46, %scan3A_47 : i32
    %scan3A_49 = arith.constant 1 : i32
    scf.for %scan3A_66 = %scan3A_46 to %scan3A_48 step %scan3A_49  : i32 {
      %swap3A = arith.index_cast %scan3A_66 : i32 to index
      %swap3A_67 = arith.constant 0 : index
      %swap3A_68 = tpu.vector_load %arg9[%swap3A, %swap3A_67] {strides = array<i32>} : memref<80x16xf32, #tpu.memory_space<vmem>>, vector<16xf32>,
      tpu.vector_store %arg9[%swap3A, %swap3A_67], %select_n3A {strides = array<i32>} : memref<80x16xf32, #tpu.memory_space<vmem>>, vector<16xf32>,
    }
    %scan3A_50 = arith.constant 80 : i32
    %barrier3A = arith.constant 0 : index
    tpu.barrier barrier_id(%barrier3A)
    %mul3A_51 = arith.constant 100000 : i32
    %mul3A_52 = arith.muli %arg0, %mul3A_51 : i32
    %scan3A_53 = arith.constant 0 : i32
    %scan3A_54 = arith.constant 250 : i32
    %scan3A_55 = arith.addi %scan3A_53, %scan3A_54 : i32
    %scan3A_56 = arith.constant 1 : i32
    scf.for %scan3A_66 = %scan3A_53 to %scan3A_55 step %scan3A_56  : i32 {
      %mul3A_67 = arith.constant 20000 : i32
      %mul3A_68 = arith.muli %arg1, %mul3A_67 : i32
      %mul3A_69 = arith.constant 80 : i32
      %mul3A_70 = arith.muli %scan3A_66, %mul3A_69 : i32
      %add3A_71 = arith.addi %mul3A_68, %mul3A_70 : i32
      %multiple_of3A = tpu.assume_multiple %add3A_71, 8 : i32
      "tpu.region"() ({
        %run_scoped3A = tpu.sem_alloc : memref<!tpu.dma_semaphore, #tpu.memory_space<semaphore_mem>>
        %dma_start3A = tpu.memref_slice %arg2[%multiple_of3A] : memref<320000xi32, #tpu.memory_space<hbm>> -> memref<80xi32, #tpu.memory_space<hbm>>
        %dma_start3A_176 = tpu.memref_slice %arg2[%multiple_of3A] : memref<320000xi32, #tpu.memory_space<hbm>> -> memref<80xi32, #tpu.memory_space<hbm>>
        tpu.enqueue_dma source(%dma_start3A_176 : memref<80xi32, #tpu.memory_space<hbm>>) target(%arg6 : memref<80xi32, #tpu.memory_space<vmem>>) target_semaphore(%run_scoped3A : memref<!tpu.dma_semaphore, #tpu.memory_space<semaphore_mem>>)
        %dma_wait3A = tpu.memref_slice %arg2[%multiple_of3A] : memref<320000xi32, #tpu.memory_space<hbm>> -> memref<80xi32, #tpu.memory_space<hbm>>
        %dma_wait3A_177 = tpu.memref_slice %arg2[%multiple_of3A] : memref<320000xi32, #tpu.memory_space<hbm>> -> memref<80xi32, #tpu.memory_space<hbm>>
        tpu.wait_dma2 semaphore(%run_scoped3A : memref<!tpu.dma_semaphore, #tpu.memory_space<semaphore_mem>>) src(%dma_wait3A_177 : memref<80xi32, #tpu.memory_space<hbm>>) dst(%arg6 : memref<80xi32, #tpu.memory_space<vmem>>)
        tpu.yield
      }) : () -> ()
      "tpu.region"() ({
        %run_scoped3A = tpu.sem_alloc : memref<!tpu.dma_semaphore, #tpu.memory_space<semaphore_mem>>
        %dma_start3A = tpu.memref_slice %arg3[%multiple_of3A] : memref<320000xi32, #tpu.memory_space<hbm>> -> memref<80xi32, #tpu.memory_space<hbm>>
        %dma_start3A_176 = tpu.memref_slice %arg3[%multiple_of3A] : memref<320000xi32, #tpu.memory_space<hbm>> -> memref<80xi32, #tpu.memory_space<hbm>>
        tpu.enqueue_dma source(%dma_start3A_176 : memref<80xi32, #tpu.memory_space<hbm>>) target(%arg7 : memref<80xi32, #tpu.memory_space<vmem>>) target_semaphore(%run_scoped3A : memref<!tpu.dma_semaphore, #tpu.memory_space<semaphore_mem>>)
        %dma_wait3A = tpu.memref_slice %arg3[%multiple_of3A] : memref<320000xi32, #tpu.memory_space<hbm>> -> memref<80xi32, #tpu.memory_space<hbm>>
        %dma_wait3A_177 = tpu.memref_slice %arg3[%multiple_of3A] : memref<320000xi32, #tpu.memory_space<hbm>> -> memref<80xi32, #tpu.memory_space<hbm>>
        tpu.wait_dma2 semaphore(%run_scoped3A : memref<!tpu.dma_semaphore, #tpu.memory_space<semaphore_mem>>) src(%dma_wait3A_177 : memref<80xi32, #tpu.memory_space<hbm>>) dst(%arg7 : memref<80xi32, #tpu.memory_space<vmem>>)
        tpu.yield
      }) : () -> ()
      %get3A = arith.constant 0 : index
      %get3A_72 = tpu.vector_load %arg6[%get3A] {strides = array<i32>} : memref<80xi32, #tpu.memory_space<vmem>>, vector<16xi32>,
      %get3A_73 = arith.constant 0 : index
      %get3A_74 = tpu.vector_load %arg7[%get3A_73] {strides = array<i32>} : memref<80xi32, #tpu.memory_space<vmem>>, vector<16xi32>,
      %mul3A_75 = arith.constant 20 : i32
      %mul3A_76 = vector.broadcast %mul3A_75 : i32 to vector<16xi32>
      %mul3A_77 = arith.muli %get3A_72, %mul3A_76 : vector<16xi32>
      %add3A_78 = arith.addi %mul3A_77, %get3A_74 : vector<16xi32>
      %sub3A = vector.broadcast %mul3A_52 : i32 to vector<16xi32>
      %sub3A_79 = arith.subi %add3A_78, %sub3A : vector<16xi32>
      %ge3A = arith.constant 0 : i32
      %ge3A_80 = vector.broadcast %ge3A : i32 to vector<16xi32>
      %ge3A_81 = arith.cmpi sge, %sub3A_79, %ge3A_80 : vector<16xi32>
      %lt3A = arith.constant 100000 : i32
      %lt3A_82 = vector.broadcast %lt3A : i32 to vector<16xi32>
      %lt3A_83 = arith.cmpi slt, %sub3A_79, %lt3A_82 : vector<16xi32>
      %and3A = arith.andi %ge3A_81, %lt3A_83 : vector<16xi1>
      %jit3A_84 = arith.constant 100000 : i32
      %broadcast_in_dim3A_85 = vector.broadcast %jit3A_84 : i32 to vector<16xi32>
      %select_n3A_86 = arith.select %and3A, %sub3A_79, %broadcast_in_dim3A_85 : vector<16xi1>, vector<16xi32>
      %swap3A = arith.constant 0 : index
      %swap3A_87 = tpu.vector_load %arg8[%swap3A] {strides = array<i32>} : memref<80xi32, #tpu.memory_space<vmem>>, vector<16xi32>,
      tpu.vector_store %arg8[%swap3A], %select_n3A_86 {strides = array<i32>} : memref<80xi32, #tpu.memory_space<vmem>>, vector<16xi32>,
      %get3A_88 = arith.constant 16 : index
      %get3A_89 = tpu.vector_load %arg6[%get3A_88] {strides = array<i32>} : memref<80xi32, #tpu.memory_space<vmem>>, vector<16xi32>,
      %get3A_90 = arith.constant 16 : index
      %get3A_91 = tpu.vector_load %arg7[%get3A_90] {strides = array<i32>} : memref<80xi32, #tpu.memory_space<vmem>>, vector<16xi32>,
      %mul3A_92 = arith.constant 20 : i32
      %mul3A_93 = vector.broadcast %mul3A_92 : i32 to vector<16xi32>
      %mul3A_94 = arith.muli %get3A_89, %mul3A_93 : vector<16xi32>
      %add3A_95 = arith.addi %mul3A_94, %get3A_91 : vector<16xi32>
      %sub3A_96 = vector.broadcast %mul3A_52 : i32 to vector<16xi32>
      %sub3A_97 = arith.subi %add3A_95, %sub3A_96 : vector<16xi32>
      %ge3A_98 = arith.constant 0 : i32
      %ge3A_99 = vector.broadcast %ge3A_98 : i32 to vector<16xi32>
      %ge3A_100 = arith.cmpi sge, %sub3A_97, %ge3A_99 : vector<16xi32>
      %lt3A_101 = arith.constant 100000 : i32
      %lt3A_102 = vector.broadcast %lt3A_101 : i32 to vector<16xi32>
      %lt3A_103 = arith.cmpi slt, %sub3A_97, %lt3A_102 : vector<16xi32>
      %and3A_104 = arith.andi %ge3A_100, %lt3A_103 : vector<16xi1>
      %jit3A_105 = arith.constant 100000 : i32
      %broadcast_in_dim3A_106 = vector.broadcast %jit3A_105 : i32 to vector<16xi32>
      %select_n3A_107 = arith.select %and3A_104, %sub3A_97, %broadcast_in_dim3A_106 : vector<16xi1>, vector<16xi32>
      %swap3A_108 = arith.constant 16 : index
      %swap3A_109 = tpu.vector_load %arg8[%swap3A_108] {strides = array<i32>} : memref<80xi32, #tpu.memory_space<vmem>>, vector<16xi32>,
      tpu.vector_store %arg8[%swap3A_108], %select_n3A_107 {strides = array<i32>} : memref<80xi32, #tpu.memory_space<vmem>>, vector<16xi32>,
      %get3A_110 = arith.constant 32 : index
      %get3A_111 = tpu.vector_load %arg6[%get3A_110] {strides = array<i32>} : memref<80xi32, #tpu.memory_space<vmem>>, vector<16xi32>,
      %get3A_112 = arith.constant 32 : index
      %get3A_113 = tpu.vector_load %arg7[%get3A_112] {strides = array<i32>} : memref<80xi32, #tpu.memory_space<vmem>>, vector<16xi32>,
      %mul3A_114 = arith.constant 20 : i32
      %mul3A_115 = vector.broadcast %mul3A_114 : i32 to vector<16xi32>
      %mul3A_116 = arith.muli %get3A_111, %mul3A_115 : vector<16xi32>
      %add3A_117 = arith.addi %mul3A_116, %get3A_113 : vector<16xi32>
      %sub3A_118 = vector.broadcast %mul3A_52 : i32 to vector<16xi32>
      %sub3A_119 = arith.subi %add3A_117, %sub3A_118 : vector<16xi32>
      %ge3A_120 = arith.constant 0 : i32
      %ge3A_121 = vector.broadcast %ge3A_120 : i32 to vector<16xi32>
      %ge3A_122 = arith.cmpi sge, %sub3A_119, %ge3A_121 : vector<16xi32>
      %lt3A_123 = arith.constant 100000 : i32
      %lt3A_124 = vector.broadcast %lt3A_123 : i32 to vector<16xi32>
      %lt3A_125 = arith.cmpi slt, %sub3A_119, %lt3A_124 : vector<16xi32>
      %and3A_126 = arith.andi %ge3A_122, %lt3A_125 : vector<16xi1>
      %jit3A_127 = arith.constant 100000 : i32
      %broadcast_in_dim3A_128 = vector.broadcast %jit3A_127 : i32 to vector<16xi32>
      %select_n3A_129 = arith.select %and3A_126, %sub3A_119, %broadcast_in_dim3A_128 : vector<16xi1>, vector<16xi32>
      %swap3A_130 = arith.constant 32 : index
      %swap3A_131 = tpu.vector_load %arg8[%swap3A_130] {strides = array<i32>} : memref<80xi32, #tpu.memory_space<vmem>>, vector<16xi32>,
      tpu.vector_store %arg8[%swap3A_130], %select_n3A_129 {strides = array<i32>} : memref<80xi32, #tpu.memory_space<vmem>>, vector<16xi32>,
      %get3A_132 = arith.constant 48 : index
      %get3A_133 = tpu.vector_load %arg6[%get3A_132] {strides = array<i32>} : memref<80xi32, #tpu.memory_space<vmem>>, vector<16xi32>,
      %get3A_134 = arith.constant 48 : index
      %get3A_135 = tpu.vector_load %arg7[%get3A_134] {strides = array<i32>} : memref<80xi32, #tpu.memory_space<vmem>>, vector<16xi32>,
      %mul3A_136 = arith.constant 20 : i32
      %mul3A_137 = vector.broadcast %mul3A_136 : i32 to vector<16xi32>
      %mul3A_138 = arith.muli %get3A_133, %mul3A_137 : vector<16xi32>
      %add3A_139 = arith.addi %mul3A_138, %get3A_135 : vector<16xi32>
      %sub3A_140 = vector.broadcast %mul3A_52 : i32 to vector<16xi32>
      %sub3A_141 = arith.subi %add3A_139, %sub3A_140 : vector<16xi32>
      %ge3A_142 = arith.constant 0 : i32
      %ge3A_143 = vector.broadcast %ge3A_142 : i32 to vector<16xi32>
      %ge3A_144 = arith.cmpi sge, %sub3A_141, %ge3A_143 : vector<16xi32>
      %lt3A_145 = arith.constant 100000 : i32
      %lt3A_146 = vector.broadcast %lt3A_145 : i32 to vector<16xi32>
      %lt3A_147 = arith.cmpi slt, %sub3A_141, %lt3A_146 : vector<16xi32>
      %and3A_148 = arith.andi %ge3A_144, %lt3A_147 : vector<16xi1>
      %jit3A_149 = arith.constant 100000 : i32
      %broadcast_in_dim3A_150 = vector.broadcast %jit3A_149 : i32 to vector<16xi32>
      %select_n3A_151 = arith.select %and3A_148, %sub3A_141, %broadcast_in_dim3A_150 : vector<16xi1>, vector<16xi32>
      %swap3A_152 = arith.constant 48 : index
      %swap3A_153 = tpu.vector_load %arg8[%swap3A_152] {strides = array<i32>} : memref<80xi32, #tpu.memory_space<vmem>>, vector<16xi32>,
      tpu.vector_store %arg8[%swap3A_152], %select_n3A_151 {strides = array<i32>} : memref<80xi32, #tpu.memory_space<vmem>>, vector<16xi32>,
      %get3A_154 = arith.constant 64 : index
      %get3A_155 = tpu.vector_load %arg6[%get3A_154] {strides = array<i32>} : memref<80xi32, #tpu.memory_space<vmem>>, vector<16xi32>,
      %get3A_156 = arith.constant 64 : index
      %get3A_157 = tpu.vector_load %arg7[%get3A_156] {strides = array<i32>} : memref<80xi32, #tpu.memory_space<vmem>>, vector<16xi32>,
      %mul3A_158 = arith.constant 20 : i32
      %mul3A_159 = vector.broadcast %mul3A_158 : i32 to vector<16xi32>
      %mul3A_160 = arith.muli %get3A_155, %mul3A_159 : vector<16xi32>
      %add3A_161 = arith.addi %mul3A_160, %get3A_157 : vector<16xi32>
      %sub3A_162 = vector.broadcast %mul3A_52 : i32 to vector<16xi32>
      %sub3A_163 = arith.subi %add3A_161, %sub3A_162 : vector<16xi32>
      %ge3A_164 = arith.constant 0 : i32
      %ge3A_165 = vector.broadcast %ge3A_164 : i32 to vector<16xi32>
      %ge3A_166 = arith.cmpi sge, %sub3A_163, %ge3A_165 : vector<16xi32>
      %lt3A_167 = arith.constant 100000 : i32
      %lt3A_168 = vector.broadcast %lt3A_167 : i32 to vector<16xi32>
      %lt3A_169 = arith.cmpi slt, %sub3A_163, %lt3A_168 : vector<16xi32>
      %and3A_170 = arith.andi %ge3A_166, %lt3A_169 : vector<16xi1>
      %jit3A_171 = arith.constant 100000 : i32
      %broadcast_in_dim3A_172 = vector.broadcast %jit3A_171 : i32 to vector<16xi32>
      %select_n3A_173 = arith.select %and3A_170, %sub3A_163, %broadcast_in_dim3A_172 : vector<16xi1>, vector<16xi32>
      %swap3A_174 = arith.constant 64 : index
      %swap3A_175 = tpu.vector_load %arg8[%swap3A_174] {strides = array<i32>} : memref<80xi32, #tpu.memory_space<vmem>>, vector<16xi32>,
      tpu.vector_store %arg8[%swap3A_174], %select_n3A_173 {strides = array<i32>} : memref<80xi32, #tpu.memory_space<vmem>>, vector<16xi32>,
      "tpu.region"() ({
        %run_scoped3A = tpu.sem_alloc : memref<!tpu.dma_semaphore, #tpu.memory_space<semaphore_mem>>
        %dma_start3A = arith.constant 0 : i32
        %dma_start3A_176 = arith.constant 0 : i32
        %dma_start3A_177 = tpu.memref_slice %arg5[%dma_start3A, %dma_start3A_176] : memref<100160x16xf32, #tpu.memory_space<vmem_shared>> -> memref<100160x16xf32, #tpu.memory_space<vmem_shared>>
        tpu.enqueue_indirect_dma source(%arg9 : memref<80x16xf32, #tpu.memory_space<vmem>>) target(%dma_start3A_177 : memref<100160x16xf32, #tpu.memory_space<vmem_shared>>) offsets(%arg8 : memref<80xi32, #tpu.memory_space<vmem>>) semaphore(%run_scoped3A : memref<!tpu.dma_semaphore, #tpu.memory_space<semaphore_mem>>) {add = true}
        %dma_wait3A = arith.constant 0 : i32
        %dma_wait3A_178 = arith.constant 0 : i32
        %dma_wait3A_179 = tpu.memref_slice %arg5[%dma_wait3A, %dma_wait3A_178] : memref<100160x16xf32, #tpu.memory_space<vmem_shared>> -> memref<100160x16xf32, #tpu.memory_space<vmem_shared>>
        tpu.wait_indirect_dma semaphore(%run_scoped3A : memref<!tpu.dma_semaphore, #tpu.memory_space<semaphore_mem>>) src(%arg9 : memref<80x16xf32, #tpu.memory_space<vmem>>) dst(%dma_wait3A_179 : memref<100160x16xf32, #tpu.memory_space<vmem_shared>>)
        tpu.yield
      }) : () -> ()
    }
    %scan3A_57 = arith.constant 250 : i32
    %barrier3A_58 = arith.constant 0 : index
    tpu.barrier barrier_id(%barrier3A_58)
    %mul3A_59 = arith.constant 6250 : i32
    %mul3A_60 = arith.muli %arg1, %mul3A_59 : i32
    %mul3A_61 = arith.constant 100000 : i32
    %mul3A_62 = arith.muli %arg0, %mul3A_61 : i32
    %mul3A_63 = arith.constant 6250 : i32
    %mul3A_64 = arith.muli %arg1, %mul3A_63 : i32
    %add3A_65 = arith.addi %mul3A_62, %mul3A_64 : i32
    "tpu.region"() ({
      %run_scoped3A = tpu.sem_alloc : memref<!tpu.dma_semaphore, #tpu.memory_space<semaphore_mem>>
      %dma_start3A = arith.constant 0 : i32
      %dma_start3A_66 = tpu.memref_slice %arg4[%add3A_65, %dma_start3A] : memref<200000x16xf32, #tpu.memory_space<hbm>> -> memref<6250x16xf32, #tpu.memory_space<hbm>>
      %dma_start3A_67 = arith.constant 0 : i32
      %dma_start3A_68 = tpu.memref_slice %arg5[%mul3A_60, %dma_start3A_67] : memref<100160x16xf32, #tpu.memory_space<vmem_shared>> -> memref<6250x16xf32, #tpu.memory_space<vmem_shared>>
      tpu.enqueue_dma source(%dma_start3A_68 : memref<6250x16xf32, #tpu.memory_space<vmem_shared>>) target(%dma_start3A_66 : memref<6250x16xf32, #tpu.memory_space<hbm>>) target_semaphore(%run_scoped3A : memref<!tpu.dma_semaphore, #tpu.memory_space<semaphore_mem>>)
      %dma_wait3A = arith.constant 0 : i32
      %dma_wait3A_69 = tpu.memref_slice %arg4[%add3A_65, %dma_wait3A] : memref<200000x16xf32, #tpu.memory_space<hbm>> -> memref<6250x16xf32, #tpu.memory_space<hbm>>
      %dma_wait3A_70 = arith.constant 0 : i32
      %dma_wait3A_71 = tpu.memref_slice %arg5[%mul3A_60, %dma_wait3A_70] : memref<100160x16xf32, #tpu.memory_space<vmem_shared>> -> memref<6250x16xf32, #tpu.memory_space<vmem_shared>>
      tpu.wait_dma2 semaphore(%run_scoped3A : memref<!tpu.dma_semaphore, #tpu.memory_space<semaphore_mem>>) src(%dma_wait3A_71 : memref<6250x16xf32, #tpu.memory_space<vmem_shared>>) dst(%dma_wait3A_69 : memref<6250x16xf32, #tpu.memory_space<hbm>>)
      tpu.yield
    }) : () -> ()
    return
  }
}

#map = affine_map<(d0, d1) -> (0, 0)>
#map1 = affine_map<(d0, d1) -> (0)>
#map2 = affine_map<(d0, d1) -> (0, 0, 0)>
module attributes {stable_mosaic.version = 14 : i64} {
  func.func @_sc_aggregate(%arg0: i32, %arg1: i32, %arg2: memref<200000x128xf32, #tpu.memory_space<hbm>>, %arg3: memref<320000xi32, #tpu.memory_space<hbm>>, %arg4: memref<320000xf32, #tpu.memory_space<hbm>>, %arg5: memref<320000xi32, #tpu.memory_space<hbm>>, %arg6: memref<2x10000x128xf32, #tpu.memory_space<hbm>>, %arg7: memref<10000x128xf32, #tpu.memory_space<vmem_shared>>, %arg8: memref<80xi32, #tpu.memory_space<vmem>>, %arg9: memref<80xf32, #tpu.memory_space<vmem>>, %arg10: memref<80xi32, #tpu.memory_space<vmem>>, %arg11: memref<80x128xf32, #tpu.memory_space<vmem>>, %arg12: memref<125x128xf32, #tpu.memory_space<vmem>>, %arg13: memref<!tpu.dma_semaphore, #tpu.memory_space<semaphore_mem>>) attributes {dimension_semantics = [#tpu.dimension_semantics<core_parallel>, #tpu.dimension_semantics<subcore_parallel>], iteration_bounds = array<i64: 2, 16>, scalar_prefetch = 0 : i64, scratch_operands = 7 : i64, tpu.core_type = #tpu.core_type<sc_vector_subcore>, window_params = [{transform_indices = #map}, {transform_indices = #map1}, {transform_indices = #map1}, {transform_indices = #map1}, {transform_indices = #map2}]} {
    %scan3A = arith.constant 0 : i32
    %scan3A_0 = arith.constant 125 : i32
    %scan3A_1 = arith.addi %scan3A, %scan3A_0 : i32
    %scan3A_2 = arith.constant 1 : i32
    scf.for %scan3A_33 = %scan3A to %scan3A_1 step %scan3A_2  : i32 {
      %broadcast_in_dim3A_34 = arith.constant 0.000000e+00 : f32
      %broadcast_in_dim3A_35 = vector.broadcast %broadcast_in_dim3A_34 : f32 to vector<16xf32>
      %swap3A = arith.index_cast %scan3A_33 : i32 to index
      %swap3A_36 = arith.constant 0 : index
      %swap3A_37 = tpu.vector_load %arg12[%swap3A, %swap3A_36] {strides = array<i32>} : memref<125x128xf32, #tpu.memory_space<vmem>>, vector<16xf32>,
      tpu.vector_store %arg12[%swap3A, %swap3A_36], %broadcast_in_dim3A_35 {strides = array<i32>} : memref<125x128xf32, #tpu.memory_space<vmem>>, vector<16xf32>,
      %broadcast_in_dim3A_38 = arith.constant 0.000000e+00 : f32
      %broadcast_in_dim3A_39 = vector.broadcast %broadcast_in_dim3A_38 : f32 to vector<16xf32>
      %swap3A_40 = arith.index_cast %scan3A_33 : i32 to index
      %swap3A_41 = arith.constant 16 : index
      %swap3A_42 = tpu.vector_load %arg12[%swap3A_40, %swap3A_41] {strides = array<i32>} : memref<125x128xf32, #tpu.memory_space<vmem>>, vector<16xf32>,
      tpu.vector_store %arg12[%swap3A_40, %swap3A_41], %broadcast_in_dim3A_39 {strides = array<i32>} : memref<125x128xf32, #tpu.memory_space<vmem>>, vector<16xf32>,
      %broadcast_in_dim3A_43 = arith.constant 0.000000e+00 : f32
      %broadcast_in_dim3A_44 = vector.broadcast %broadcast_in_dim3A_43 : f32 to vector<16xf32>
      %swap3A_45 = arith.index_cast %scan3A_33 : i32 to index
      %swap3A_46 = arith.constant 32 : index
      %swap3A_47 = tpu.vector_load %arg12[%swap3A_45, %swap3A_46] {strides = array<i32>} : memref<125x128xf32, #tpu.memory_space<vmem>>, vector<16xf32>,
      tpu.vector_store %arg12[%swap3A_45, %swap3A_46], %broadcast_in_dim3A_44 {strides = array<i32>} : memref<125x128xf32, #tpu.memory_space<vmem>>, vector<16xf32>,
      %broadcast_in_dim3A_48 = arith.constant 0.000000e+00 : f32
      %broadcast_in_dim3A_49 = vector.broadcast %broadcast_in_dim3A_48 : f32 to vector<16xf32>
      %swap3A_50 = arith.index_cast %scan3A_33 : i32 to index
      %swap3A_51 = arith.constant 48 : index
      %swap3A_52 = tpu.vector_load %arg12[%swap3A_50, %swap3A_51] {strides = array<i32>} : memref<125x128xf32, #tpu.memory_space<vmem>>, vector<16xf32>,
      tpu.vector_store %arg12[%swap3A_50, %swap3A_51], %broadcast_in_dim3A_49 {strides = array<i32>} : memref<125x128xf32, #tpu.memory_space<vmem>>, vector<16xf32>,
      %broadcast_in_dim3A_53 = arith.constant 0.000000e+00 : f32
      %broadcast_in_dim3A_54 = vector.broadcast %broadcast_in_dim3A_53 : f32 to vector<16xf32>
      %swap3A_55 = arith.index_cast %scan3A_33 : i32 to index
      %swap3A_56 = arith.constant 64 : index
      %swap3A_57 = tpu.vector_load %arg12[%swap3A_55, %swap3A_56] {strides = array<i32>} : memref<125x128xf32, #tpu.memory_space<vmem>>, vector<16xf32>,
      tpu.vector_store %arg12[%swap3A_55, %swap3A_56], %broadcast_in_dim3A_54 {strides = array<i32>} : memref<125x128xf32, #tpu.memory_space<vmem>>, vector<16xf32>,
      %broadcast_in_dim3A_58 = arith.constant 0.000000e+00 : f32
      %broadcast_in_dim3A_59 = vector.broadcast %broadcast_in_dim3A_58 : f32 to vector<16xf32>
      %swap3A_60 = arith.index_cast %scan3A_33 : i32 to index
      %swap3A_61 = arith.constant 80 : index
      %swap3A_62 = tpu.vector_load %arg12[%swap3A_60, %swap3A_61] {strides = array<i32>} : memref<125x128xf32, #tpu.memory_space<vmem>>, vector<16xf32>,
      tpu.vector_store %arg12[%swap3A_60, %swap3A_61], %broadcast_in_dim3A_59 {strides = array<i32>} : memref<125x128xf32, #tpu.memory_space<vmem>>, vector<16xf32>,
      %broadcast_in_dim3A_63 = arith.constant 0.000000e+00 : f32
      %broadcast_in_dim3A_64 = vector.broadcast %broadcast_in_dim3A_63 : f32 to vector<16xf32>
      %swap3A_65 = arith.index_cast %scan3A_33 : i32 to index
      %swap3A_66 = arith.constant 96 : index
      %swap3A_67 = tpu.vector_load %arg12[%swap3A_65, %swap3A_66] {strides = array<i32>} : memref<125x128xf32, #tpu.memory_space<vmem>>, vector<16xf32>,
      tpu.vector_store %arg12[%swap3A_65, %swap3A_66], %broadcast_in_dim3A_64 {strides = array<i32>} : memref<125x128xf32, #tpu.memory_space<vmem>>, vector<16xf32>,
      %broadcast_in_dim3A_68 = arith.constant 0.000000e+00 : f32
      %broadcast_in_dim3A_69 = vector.broadcast %broadcast_in_dim3A_68 : f32 to vector<16xf32>
      %swap3A_70 = arith.index_cast %scan3A_33 : i32 to index
      %swap3A_71 = arith.constant 112 : index
      %swap3A_72 = tpu.vector_load %arg12[%swap3A_70, %swap3A_71] {strides = array<i32>} : memref<125x128xf32, #tpu.memory_space<vmem>>, vector<16xf32>,
      tpu.vector_store %arg12[%swap3A_70, %swap3A_71], %broadcast_in_dim3A_69 {strides = array<i32>} : memref<125x128xf32, #tpu.memory_space<vmem>>, vector<16xf32>,
    }
    %scan3A_3 = arith.constant 125 : i32
    %mul3A = arith.constant 625 : i32
    %mul3A_4 = arith.muli %arg1, %mul3A : i32
    %add3A = arith.constant 0 : i32
    %add3A_5 = arith.addi %mul3A_4, %add3A : i32
    "tpu.region"() ({
      %run_scoped3A = tpu.sem_alloc : memref<!tpu.dma_semaphore, #tpu.memory_space<semaphore_mem>>
      %dma_start3A = arith.constant 0 : i32
      %dma_start3A_33 = tpu.memref_slice %arg7[%add3A_5, %dma_start3A] : memref<10000x128xf32, #tpu.memory_space<vmem_shared>> -> memref<125x128xf32, #tpu.memory_space<vmem_shared>>
      %dma_start3A_34 = arith.constant 0 : i32
      %dma_start3A_35 = tpu.memref_slice %arg7[%add3A_5, %dma_start3A_34] : memref<10000x128xf32, #tpu.memory_space<vmem_shared>> -> memref<125x128xf32, #tpu.memory_space<vmem_shared>>
      tpu.enqueue_dma source(%arg12 : memref<125x128xf32, #tpu.memory_space<vmem>>) target(%dma_start3A_35 : memref<125x128xf32, #tpu.memory_space<vmem_shared>>) target_semaphore(%run_scoped3A : memref<!tpu.dma_semaphore, #tpu.memory_space<semaphore_mem>>)
      %dma_wait3A = arith.constant 0 : i32
      %dma_wait3A_36 = tpu.memref_slice %arg7[%add3A_5, %dma_wait3A] : memref<10000x128xf32, #tpu.memory_space<vmem_shared>> -> memref<125x128xf32, #tpu.memory_space<vmem_shared>>
      %dma_wait3A_37 = arith.constant 0 : i32
      %dma_wait3A_38 = tpu.memref_slice %arg7[%add3A_5, %dma_wait3A_37] : memref<10000x128xf32, #tpu.memory_space<vmem_shared>> -> memref<125x128xf32, #tpu.memory_space<vmem_shared>>
      tpu.wait_dma2 semaphore(%run_scoped3A : memref<!tpu.dma_semaphore, #tpu.memory_space<semaphore_mem>>) src(%arg12 : memref<125x128xf32, #tpu.memory_space<vmem>>) dst(%dma_wait3A_38 : memref<125x128xf32, #tpu.memory_space<vmem_shared>>)
      tpu.yield
    }) : () -> ()
    %mul3A_6 = arith.constant 625 : i32
    %mul3A_7 = arith.muli %arg1, %mul3A_6 : i32
    %add3A_8 = arith.constant 125 : i32
    %add3A_9 = arith.addi %mul3A_7, %add3A_8 : i32
    "tpu.region"() ({
      %run_scoped3A = tpu.sem_alloc : memref<!tpu.dma_semaphore, #tpu.memory_space<semaphore_mem>>
      %dma_start3A = arith.constant 0 : i32
      %dma_start3A_33 = tpu.memref_slice %arg7[%add3A_9, %dma_start3A] : memref<10000x128xf32, #tpu.memory_space<vmem_shared>> -> memref<125x128xf32, #tpu.memory_space<vmem_shared>>
      %dma_start3A_34 = arith.constant 0 : i32
      %dma_start3A_35 = tpu.memref_slice %arg7[%add3A_9, %dma_start3A_34] : memref<10000x128xf32, #tpu.memory_space<vmem_shared>> -> memref<125x128xf32, #tpu.memory_space<vmem_shared>>
      tpu.enqueue_dma source(%arg12 : memref<125x128xf32, #tpu.memory_space<vmem>>) target(%dma_start3A_35 : memref<125x128xf32, #tpu.memory_space<vmem_shared>>) target_semaphore(%run_scoped3A : memref<!tpu.dma_semaphore, #tpu.memory_space<semaphore_mem>>)
      %dma_wait3A = arith.constant 0 : i32
      %dma_wait3A_36 = tpu.memref_slice %arg7[%add3A_9, %dma_wait3A] : memref<10000x128xf32, #tpu.memory_space<vmem_shared>> -> memref<125x128xf32, #tpu.memory_space<vmem_shared>>
      %dma_wait3A_37 = arith.constant 0 : i32
      %dma_wait3A_38 = tpu.memref_slice %arg7[%add3A_9, %dma_wait3A_37] : memref<10000x128xf32, #tpu.memory_space<vmem_shared>> -> memref<125x128xf32, #tpu.memory_space<vmem_shared>>
      tpu.wait_dma2 semaphore(%run_scoped3A : memref<!tpu.dma_semaphore, #tpu.memory_space<semaphore_mem>>) src(%arg12 : memref<125x128xf32, #tpu.memory_space<vmem>>) dst(%dma_wait3A_38 : memref<125x128xf32, #tpu.memory_space<vmem_shared>>)
      tpu.yield
    }) : () -> ()
    %mul3A_10 = arith.constant 625 : i32
    %mul3A_11 = arith.muli %arg1, %mul3A_10 : i32
    %add3A_12 = arith.constant 250 : i32
    %add3A_13 = arith.addi %mul3A_11, %add3A_12 : i32
    "tpu.region"() ({
      %run_scoped3A = tpu.sem_alloc : memref<!tpu.dma_semaphore, #tpu.memory_space<semaphore_mem>>
      %dma_start3A = arith.constant 0 : i32
      %dma_start3A_33 = tpu.memref_slice %arg7[%add3A_13, %dma_start3A] : memref<10000x128xf32, #tpu.memory_space<vmem_shared>> -> memref<125x128xf32, #tpu.memory_space<vmem_shared>>
      %dma_start3A_34 = arith.constant 0 : i32
      %dma_start3A_35 = tpu.memref_slice %arg7[%add3A_13, %dma_start3A_34] : memref<10000x128xf32, #tpu.memory_space<vmem_shared>> -> memref<125x128xf32, #tpu.memory_space<vmem_shared>>
      tpu.enqueue_dma source(%arg12 : memref<125x128xf32, #tpu.memory_space<vmem>>) target(%dma_start3A_35 : memref<125x128xf32, #tpu.memory_space<vmem_shared>>) target_semaphore(%run_scoped3A : memref<!tpu.dma_semaphore, #tpu.memory_space<semaphore_mem>>)
      %dma_wait3A = arith.constant 0 : i32
      %dma_wait3A_36 = tpu.memref_slice %arg7[%add3A_13, %dma_wait3A] : memref<10000x128xf32, #tpu.memory_space<vmem_shared>> -> memref<125x128xf32, #tpu.memory_space<vmem_shared>>
      %dma_wait3A_37 = arith.constant 0 : i32
      %dma_wait3A_38 = tpu.memref_slice %arg7[%add3A_13, %dma_wait3A_37] : memref<10000x128xf32, #tpu.memory_space<vmem_shared>> -> memref<125x128xf32, #tpu.memory_space<vmem_shared>>
      tpu.wait_dma2 semaphore(%run_scoped3A : memref<!tpu.dma_semaphore, #tpu.memory_space<semaphore_mem>>) src(%arg12 : memref<125x128xf32, #tpu.memory_space<vmem>>) dst(%dma_wait3A_38 : memref<125x128xf32, #tpu.memory_space<vmem_shared>>)
      tpu.yield
    }) : () -> ()
    %mul3A_14 = arith.constant 625 : i32
    %mul3A_15 = arith.muli %arg1, %mul3A_14 : i32
    %add3A_16 = arith.constant 375 : i32
    %add3A_17 = arith.addi %mul3A_15, %add3A_16 : i32
    "tpu.region"() ({
      %run_scoped3A = tpu.sem_alloc : memref<!tpu.dma_semaphore, #tpu.memory_space<semaphore_mem>>
      %dma_start3A = arith.constant 0 : i32
      %dma_start3A_33 = tpu.memref_slice %arg7[%add3A_17, %dma_start3A] : memref<10000x128xf32, #tpu.memory_space<vmem_shared>> -> memref<125x128xf32, #tpu.memory_space<vmem_shared>>
      %dma_start3A_34 = arith.constant 0 : i32
      %dma_start3A_35 = tpu.memref_slice %arg7[%add3A_17, %dma_start3A_34] : memref<10000x128xf32, #tpu.memory_space<vmem_shared>> -> memref<125x128xf32, #tpu.memory_space<vmem_shared>>
      tpu.enqueue_dma source(%arg12 : memref<125x128xf32, #tpu.memory_space<vmem>>) target(%dma_start3A_35 : memref<125x128xf32, #tpu.memory_space<vmem_shared>>) target_semaphore(%run_scoped3A : memref<!tpu.dma_semaphore, #tpu.memory_space<semaphore_mem>>)
      %dma_wait3A = arith.constant 0 : i32
      %dma_wait3A_36 = tpu.memref_slice %arg7[%add3A_17, %dma_wait3A] : memref<10000x128xf32, #tpu.memory_space<vmem_shared>> -> memref<125x128xf32, #tpu.memory_space<vmem_shared>>
      %dma_wait3A_37 = arith.constant 0 : i32
      %dma_wait3A_38 = tpu.memref_slice %arg7[%add3A_17, %dma_wait3A_37] : memref<10000x128xf32, #tpu.memory_space<vmem_shared>> -> memref<125x128xf32, #tpu.memory_space<vmem_shared>>
      tpu.wait_dma2 semaphore(%run_scoped3A : memref<!tpu.dma_semaphore, #tpu.memory_space<semaphore_mem>>) src(%arg12 : memref<125x128xf32, #tpu.memory_space<vmem>>) dst(%dma_wait3A_38 : memref<125x128xf32, #tpu.memory_space<vmem_shared>>)
      tpu.yield
    }) : () -> ()
    %mul3A_18 = arith.constant 625 : i32
    %mul3A_19 = arith.muli %arg1, %mul3A_18 : i32
    %add3A_20 = arith.constant 500 : i32
    %add3A_21 = arith.addi %mul3A_19, %add3A_20 : i32
    "tpu.region"() ({
      %run_scoped3A = tpu.sem_alloc : memref<!tpu.dma_semaphore, #tpu.memory_space<semaphore_mem>>
      %dma_start3A = arith.constant 0 : i32
      %dma_start3A_33 = tpu.memref_slice %arg7[%add3A_21, %dma_start3A] : memref<10000x128xf32, #tpu.memory_space<vmem_shared>> -> memref<125x128xf32, #tpu.memory_space<vmem_shared>>
      %dma_start3A_34 = arith.constant 0 : i32
      %dma_start3A_35 = tpu.memref_slice %arg7[%add3A_21, %dma_start3A_34] : memref<10000x128xf32, #tpu.memory_space<vmem_shared>> -> memref<125x128xf32, #tpu.memory_space<vmem_shared>>
      tpu.enqueue_dma source(%arg12 : memref<125x128xf32, #tpu.memory_space<vmem>>) target(%dma_start3A_35 : memref<125x128xf32, #tpu.memory_space<vmem_shared>>) target_semaphore(%run_scoped3A : memref<!tpu.dma_semaphore, #tpu.memory_space<semaphore_mem>>)
      %dma_wait3A = arith.constant 0 : i32
      %dma_wait3A_36 = tpu.memref_slice %arg7[%add3A_21, %dma_wait3A] : memref<10000x128xf32, #tpu.memory_space<vmem_shared>> -> memref<125x128xf32, #tpu.memory_space<vmem_shared>>
      %dma_wait3A_37 = arith.constant 0 : i32
      %dma_wait3A_38 = tpu.memref_slice %arg7[%add3A_21, %dma_wait3A_37] : memref<10000x128xf32, #tpu.memory_space<vmem_shared>> -> memref<125x128xf32, #tpu.memory_space<vmem_shared>>
      tpu.wait_dma2 semaphore(%run_scoped3A : memref<!tpu.dma_semaphore, #tpu.memory_space<semaphore_mem>>) src(%arg12 : memref<125x128xf32, #tpu.memory_space<vmem>>) dst(%dma_wait3A_38 : memref<125x128xf32, #tpu.memory_space<vmem_shared>>)
      tpu.yield
    }) : () -> ()
    %barrier3A = arith.constant 0 : index
    tpu.barrier barrier_id(%barrier3A)
    %broadcast_in_dim3A = arith.constant 0 : i32
    %broadcast_in_dim3A_22 = vector.broadcast %broadcast_in_dim3A : i32 to vector<16xi32>
    %scan3A_23 = arith.constant 0 : i32
    %scan3A_24 = arith.constant 125 : i32
    %scan3A_25 = arith.addi %scan3A_23, %scan3A_24 : i32
    %scan3A_26 = arith.constant 1 : i32
    scf.for %scan3A_33 = %scan3A_23 to %scan3A_25 step %scan3A_26  : i32 {
      %mul3A_34 = arith.constant 160000 : i32
      %mul3A_35 = arith.muli %arg0, %mul3A_34 : i32
      %mul3A_36 = arith.constant 10000 : i32
      %mul3A_37 = arith.muli %arg1, %mul3A_36 : i32
      %add3A_38 = arith.addi %mul3A_35, %mul3A_37 : i32
      %mul3A_39 = arith.constant 80 : i32
      %mul3A_40 = arith.muli %scan3A_33, %mul3A_39 : i32
      %add3A_41 = arith.addi %add3A_38, %mul3A_40 : i32
      %multiple_of3A = tpu.assume_multiple %add3A_41, 8 : i32
      "tpu.region"() ({
        %run_scoped3A = tpu.sem_alloc : memref<!tpu.dma_semaphore, #tpu.memory_space<semaphore_mem>>
        %dma_start3A_51 = tpu.memref_slice %arg3[%multiple_of3A] : memref<320000xi32, #tpu.memory_space<hbm>> -> memref<80xi32, #tpu.memory_space<hbm>>
        %dma_start3A_52 = tpu.memref_slice %arg3[%multiple_of3A] : memref<320000xi32, #tpu.memory_space<hbm>> -> memref<80xi32, #tpu.memory_space<hbm>>
        tpu.enqueue_dma source(%dma_start3A_52 : memref<80xi32, #tpu.memory_space<hbm>>) target(%arg8 : memref<80xi32, #tpu.memory_space<vmem>>) target_semaphore(%run_scoped3A : memref<!tpu.dma_semaphore, #tpu.memory_space<semaphore_mem>>)
        %dma_wait3A_53 = tpu.memref_slice %arg3[%multiple_of3A] : memref<320000xi32, #tpu.memory_space<hbm>> -> memref<80xi32, #tpu.memory_space<hbm>>
        %dma_wait3A_54 = tpu.memref_slice %arg3[%multiple_of3A] : memref<320000xi32, #tpu.memory_space<hbm>> -> memref<80xi32, #tpu.memory_space<hbm>>
        tpu.wait_dma2 semaphore(%run_scoped3A : memref<!tpu.dma_semaphore, #tpu.memory_space<semaphore_mem>>) src(%dma_wait3A_54 : memref<80xi32, #tpu.memory_space<hbm>>) dst(%arg8 : memref<80xi32, #tpu.memory_space<vmem>>)
        tpu.yield
      }) : () -> ()
      "tpu.region"() ({
        %run_scoped3A = tpu.sem_alloc : memref<!tpu.dma_semaphore, #tpu.memory_space<semaphore_mem>>
        %dma_start3A_51 = tpu.memref_slice %arg4[%multiple_of3A] : memref<320000xf32, #tpu.memory_space<hbm>> -> memref<80xf32, #tpu.memory_space<hbm>>
        %dma_start3A_52 = tpu.memref_slice %arg4[%multiple_of3A] : memref<320000xf32, #tpu.memory_space<hbm>> -> memref<80xf32, #tpu.memory_space<hbm>>
        tpu.enqueue_dma source(%dma_start3A_52 : memref<80xf32, #tpu.memory_space<hbm>>) target(%arg9 : memref<80xf32, #tpu.memory_space<vmem>>) target_semaphore(%run_scoped3A : memref<!tpu.dma_semaphore, #tpu.memory_space<semaphore_mem>>)
        %dma_wait3A_53 = tpu.memref_slice %arg4[%multiple_of3A] : memref<320000xf32, #tpu.memory_space<hbm>> -> memref<80xf32, #tpu.memory_space<hbm>>
        %dma_wait3A_54 = tpu.memref_slice %arg4[%multiple_of3A] : memref<320000xf32, #tpu.memory_space<hbm>> -> memref<80xf32, #tpu.memory_space<hbm>>
        tpu.wait_dma2 semaphore(%run_scoped3A : memref<!tpu.dma_semaphore, #tpu.memory_space<semaphore_mem>>) src(%dma_wait3A_54 : memref<80xf32, #tpu.memory_space<hbm>>) dst(%arg9 : memref<80xf32, #tpu.memory_space<vmem>>)
        tpu.yield
      }) : () -> ()
      "tpu.region"() ({
        %run_scoped3A = tpu.sem_alloc : memref<!tpu.dma_semaphore, #tpu.memory_space<semaphore_mem>>
        %dma_start3A_51 = tpu.memref_slice %arg5[%multiple_of3A] : memref<320000xi32, #tpu.memory_space<hbm>> -> memref<80xi32, #tpu.memory_space<hbm>>
        %dma_start3A_52 = tpu.memref_slice %arg5[%multiple_of3A] : memref<320000xi32, #tpu.memory_space<hbm>> -> memref<80xi32, #tpu.memory_space<hbm>>
        tpu.enqueue_dma source(%dma_start3A_52 : memref<80xi32, #tpu.memory_space<hbm>>) target(%arg10 : memref<80xi32, #tpu.memory_space<vmem>>) target_semaphore(%run_scoped3A : memref<!tpu.dma_semaphore, #tpu.memory_space<semaphore_mem>>)
        %dma_wait3A_53 = tpu.memref_slice %arg5[%multiple_of3A] : memref<320000xi32, #tpu.memory_space<hbm>> -> memref<80xi32, #tpu.memory_space<hbm>>
        %dma_wait3A_54 = tpu.memref_slice %arg5[%multiple_of3A] : memref<320000xi32, #tpu.memory_space<hbm>> -> memref<80xi32, #tpu.memory_space<hbm>>
        tpu.wait_dma2 semaphore(%run_scoped3A : memref<!tpu.dma_semaphore, #tpu.memory_space<semaphore_mem>>) src(%dma_wait3A_54 : memref<80xi32, #tpu.memory_space<hbm>>) dst(%arg10 : memref<80xi32, #tpu.memory_space<vmem>>)
        tpu.yield
      }) : () -> ()
      %dma_start3A = arith.constant 0 : i32
      %dma_start3A_42 = arith.constant 0 : i32
      %dma_start3A_43 = tpu.memref_slice %arg2[%dma_start3A, %dma_start3A_42] : memref<200000x128xf32, #tpu.memory_space<hbm>> -> memref<200000x128xf32, #tpu.memory_space<hbm>>
      tpu.enqueue_indirect_dma source(%dma_start3A_43 : memref<200000x128xf32, #tpu.memory_space<hbm>>) target(%arg11 : memref<80x128xf32, #tpu.memory_space<vmem>>) offsets(%arg8 : memref<80xi32, #tpu.memory_space<vmem>>) semaphore(%arg13 : memref<!tpu.dma_semaphore, #tpu.memory_space<semaphore_mem>>)
      %dma_wait3A = arith.constant 0 : i32
      %dma_wait3A_44 = arith.constant 0 : i32
      %dma_wait3A_45 = tpu.memref_slice %arg2[%dma_wait3A, %dma_wait3A_44] : memref<200000x128xf32, #tpu.memory_space<hbm>> -> memref<200000x128xf32, #tpu.memory_space<hbm>>
      tpu.wait_indirect_dma semaphore(%arg13 : memref<!tpu.dma_semaphore, #tpu.memory_space<semaphore_mem>>) src(%dma_wait3A_45 : memref<200000x128xf32, #tpu.memory_space<hbm>>) dst(%arg11 : memref<80x128xf32, #tpu.memory_space<vmem>>)
      %scan3A_46 = arith.constant 0 : i32
      %scan3A_47 = arith.constant 80 : i32
      %scan3A_48 = arith.addi %scan3A_46, %scan3A_47 : i32
      %scan3A_49 = arith.constant 1 : i32
      scf.for %scan3A_51 = %scan3A_46 to %scan3A_48 step %scan3A_49  : i32 {
        %add3A_52 = vector.broadcast %scan3A_51 : i32 to vector<16xi32>
        %add3A_53 = arith.addi %broadcast_in_dim3A_22, %add3A_52 : vector<16xi32>
        %gather3A = tpu.vector_load_idx %arg9[%add3A_53] : memref<80xf32, #tpu.memory_space<vmem>>[vector<16xi32>], vector<16xf32>,
        %get3A = arith.index_cast %scan3A_51 : i32 to index
        %get3A_54 = arith.constant 0 : index
        %get3A_55 = tpu.vector_load %arg11[%get3A, %get3A_54] {strides = array<i32>} : memref<80x128xf32, #tpu.memory_space<vmem>>, vector<16xf32>,
        %mul3A_56 = arith.mulf %get3A_55, %gather3A : vector<16xf32>
        %swap3A = arith.index_cast %scan3A_51 : i32 to index
        %swap3A_57 = arith.constant 0 : index
        %swap3A_58 = tpu.vector_load %arg11[%swap3A, %swap3A_57] {strides = array<i32>} : memref<80x128xf32, #tpu.memory_space<vmem>>, vector<16xf32>,
        tpu.vector_store %arg11[%swap3A, %swap3A_57], %mul3A_56 {strides = array<i32>} : memref<80x128xf32, #tpu.memory_space<vmem>>, vector<16xf32>,
        %get3A_59 = arith.index_cast %scan3A_51 : i32 to index
        %get3A_60 = arith.constant 16 : index
        %get3A_61 = tpu.vector_load %arg11[%get3A_59, %get3A_60] {strides = array<i32>} : memref<80x128xf32, #tpu.memory_space<vmem>>, vector<16xf32>,
        %mul3A_62 = arith.mulf %get3A_61, %gather3A : vector<16xf32>
        %swap3A_63 = arith.index_cast %scan3A_51 : i32 to index
        %swap3A_64 = arith.constant 16 : index
        %swap3A_65 = tpu.vector_load %arg11[%swap3A_63, %swap3A_64] {strides = array<i32>} : memref<80x128xf32, #tpu.memory_space<vmem>>, vector<16xf32>,
        tpu.vector_store %arg11[%swap3A_63, %swap3A_64], %mul3A_62 {strides = array<i32>} : memref<80x128xf32, #tpu.memory_space<vmem>>, vector<16xf32>,
        %get3A_66 = arith.index_cast %scan3A_51 : i32 to index
        %get3A_67 = arith.constant 32 : index
        %get3A_68 = tpu.vector_load %arg11[%get3A_66, %get3A_67] {strides = array<i32>} : memref<80x128xf32, #tpu.memory_space<vmem>>, vector<16xf32>,
        %mul3A_69 = arith.mulf %get3A_68, %gather3A : vector<16xf32>
        %swap3A_70 = arith.index_cast %scan3A_51 : i32 to index
        %swap3A_71 = arith.constant 32 : index
        %swap3A_72 = tpu.vector_load %arg11[%swap3A_70, %swap3A_71] {strides = array<i32>} : memref<80x128xf32, #tpu.memory_space<vmem>>, vector<16xf32>,
        tpu.vector_store %arg11[%swap3A_70, %swap3A_71], %mul3A_69 {strides = array<i32>} : memref<80x128xf32, #tpu.memory_space<vmem>>, vector<16xf32>,
        %get3A_73 = arith.index_cast %scan3A_51 : i32 to index
        %get3A_74 = arith.constant 48 : index
        %get3A_75 = tpu.vector_load %arg11[%get3A_73, %get3A_74] {strides = array<i32>} : memref<80x128xf32, #tpu.memory_space<vmem>>, vector<16xf32>,
        %mul3A_76 = arith.mulf %get3A_75, %gather3A : vector<16xf32>
        %swap3A_77 = arith.index_cast %scan3A_51 : i32 to index
        %swap3A_78 = arith.constant 48 : index
        %swap3A_79 = tpu.vector_load %arg11[%swap3A_77, %swap3A_78] {strides = array<i32>} : memref<80x128xf32, #tpu.memory_space<vmem>>, vector<16xf32>,
        tpu.vector_store %arg11[%swap3A_77, %swap3A_78], %mul3A_76 {strides = array<i32>} : memref<80x128xf32, #tpu.memory_space<vmem>>, vector<16xf32>,
        %get3A_80 = arith.index_cast %scan3A_51 : i32 to index
        %get3A_81 = arith.constant 64 : index
        %get3A_82 = tpu.vector_load %arg11[%get3A_80, %get3A_81] {strides = array<i32>} : memref<80x128xf32, #tpu.memory_space<vmem>>, vector<16xf32>,
        %mul3A_83 = arith.mulf %get3A_82, %gather3A : vector<16xf32>
        %swap3A_84 = arith.index_cast %scan3A_51 : i32 to index
        %swap3A_85 = arith.constant 64 : index
        %swap3A_86 = tpu.vector_load %arg11[%swap3A_84, %swap3A_85] {strides = array<i32>} : memref<80x128xf32, #tpu.memory_space<vmem>>, vector<16xf32>,
        tpu.vector_store %arg11[%swap3A_84, %swap3A_85], %mul3A_83 {strides = array<i32>} : memref<80x128xf32, #tpu.memory_space<vmem>>, vector<16xf32>,
        %get3A_87 = arith.index_cast %scan3A_51 : i32 to index
        %get3A_88 = arith.constant 80 : index
        %get3A_89 = tpu.vector_load %arg11[%get3A_87, %get3A_88] {strides = array<i32>} : memref<80x128xf32, #tpu.memory_space<vmem>>, vector<16xf32>,
        %mul3A_90 = arith.mulf %get3A_89, %gather3A : vector<16xf32>
        %swap3A_91 = arith.index_cast %scan3A_51 : i32 to index
        %swap3A_92 = arith.constant 80 : index
        %swap3A_93 = tpu.vector_load %arg11[%swap3A_91, %swap3A_92] {strides = array<i32>} : memref<80x128xf32, #tpu.memory_space<vmem>>, vector<16xf32>,
        tpu.vector_store %arg11[%swap3A_91, %swap3A_92], %mul3A_90 {strides = array<i32>} : memref<80x128xf32, #tpu.memory_space<vmem>>, vector<16xf32>,
        %get3A_94 = arith.index_cast %scan3A_51 : i32 to index
        %get3A_95 = arith.constant 96 : index
        %get3A_96 = tpu.vector_load %arg11[%get3A_94, %get3A_95] {strides = array<i32>} : memref<80x128xf32, #tpu.memory_space<vmem>>, vector<16xf32>,
        %mul3A_97 = arith.mulf %get3A_96, %gather3A : vector<16xf32>
        %swap3A_98 = arith.index_cast %scan3A_51 : i32 to index
        %swap3A_99 = arith.constant 96 : index
        %swap3A_100 = tpu.vector_load %arg11[%swap3A_98, %swap3A_99] {strides = array<i32>} : memref<80x128xf32, #tpu.memory_space<vmem>>, vector<16xf32>,
        tpu.vector_store %arg11[%swap3A_98, %swap3A_99], %mul3A_97 {strides = array<i32>} : memref<80x128xf32, #tpu.memory_space<vmem>>, vector<16xf32>,
        %get3A_101 = arith.index_cast %scan3A_51 : i32 to index
        %get3A_102 = arith.constant 112 : index
        %get3A_103 = tpu.vector_load %arg11[%get3A_101, %get3A_102] {strides = array<i32>} : memref<80x128xf32, #tpu.memory_space<vmem>>, vector<16xf32>,
        %mul3A_104 = arith.mulf %get3A_103, %gather3A : vector<16xf32>
        %swap3A_105 = arith.index_cast %scan3A_51 : i32 to index
        %swap3A_106 = arith.constant 112 : index
        %swap3A_107 = tpu.vector_load %arg11[%swap3A_105, %swap3A_106] {strides = array<i32>} : memref<80x128xf32, #tpu.memory_space<vmem>>, vector<16xf32>,
        tpu.vector_store %arg11[%swap3A_105, %swap3A_106], %mul3A_104 {strides = array<i32>} : memref<80x128xf32, #tpu.memory_space<vmem>>, vector<16xf32>,
      }
      %scan3A_50 = arith.constant 80 : i32
      "tpu.region"() ({
        %run_scoped3A = tpu.sem_alloc : memref<!tpu.dma_semaphore, #tpu.memory_space<semaphore_mem>>
        %dma_start3A_51 = arith.constant 0 : i32
        %dma_start3A_52 = arith.constant 0 : i32
        %dma_start3A_53 = tpu.memref_slice %arg7[%dma_start3A_51, %dma_start3A_52] : memref<10000x128xf32, #tpu.memory_space<vmem_shared>> -> memref<10000x128xf32, #tpu.memory_space<vmem_shared>>
        tpu.enqueue_indirect_dma source(%arg11 : memref<80x128xf32, #tpu.memory_space<vmem>>) target(%dma_start3A_53 : memref<10000x128xf32, #tpu.memory_space<vmem_shared>>) offsets(%arg10 : memref<80xi32, #tpu.memory_space<vmem>>) semaphore(%run_scoped3A : memref<!tpu.dma_semaphore, #tpu.memory_space<semaphore_mem>>) {add = true}
        %dma_wait3A_54 = arith.constant 0 : i32
        %dma_wait3A_55 = arith.constant 0 : i32
        %dma_wait3A_56 = tpu.memref_slice %arg7[%dma_wait3A_54, %dma_wait3A_55] : memref<10000x128xf32, #tpu.memory_space<vmem_shared>> -> memref<10000x128xf32, #tpu.memory_space<vmem_shared>>
        tpu.wait_indirect_dma semaphore(%run_scoped3A : memref<!tpu.dma_semaphore, #tpu.memory_space<semaphore_mem>>) src(%arg11 : memref<80x128xf32, #tpu.memory_space<vmem>>) dst(%dma_wait3A_56 : memref<10000x128xf32, #tpu.memory_space<vmem_shared>>)
        tpu.yield
      }) : () -> ()
    }
    %scan3A_27 = arith.constant 125 : i32
    %barrier3A_28 = arith.constant 0 : index
    tpu.barrier barrier_id(%barrier3A_28)
    %mul3A_29 = arith.constant 625 : i32
    %mul3A_30 = arith.muli %arg1, %mul3A_29 : i32
    %mul3A_31 = arith.constant 625 : i32
    %mul3A_32 = arith.muli %arg1, %mul3A_31 : i32
    "tpu.region"() ({
      %run_scoped3A = tpu.sem_alloc : memref<!tpu.dma_semaphore, #tpu.memory_space<semaphore_mem>>
      %dma_start3A = arith.constant 0 : i32
      %dma_start3A_33 = tpu.memref_slice %arg6[%arg0, %mul3A_32, %dma_start3A] : memref<2x10000x128xf32, #tpu.memory_space<hbm>> -> memref<1x625x128xf32, #tpu.memory_space<hbm>>
      %dma_start3A_34 = tpu.memref_squeeze %dma_start3A_33 : memref<1x625x128xf32, #tpu.memory_space<hbm>> -> memref<625x128xf32, #tpu.memory_space<hbm>>
      %dma_start3A_35 = arith.constant 0 : i32
      %dma_start3A_36 = tpu.memref_slice %arg7[%mul3A_30, %dma_start3A_35] : memref<10000x128xf32, #tpu.memory_space<vmem_shared>> -> memref<625x128xf32, #tpu.memory_space<vmem_shared>>
      tpu.enqueue_dma source(%dma_start3A_36 : memref<625x128xf32, #tpu.memory_space<vmem_shared>>) target(%dma_start3A_34 : memref<625x128xf32, #tpu.memory_space<hbm>>) target_semaphore(%run_scoped3A : memref<!tpu.dma_semaphore, #tpu.memory_space<semaphore_mem>>)
      %dma_wait3A = arith.constant 0 : i32
      %dma_wait3A_37 = tpu.memref_slice %arg6[%arg0, %mul3A_32, %dma_wait3A] : memref<2x10000x128xf32, #tpu.memory_space<hbm>> -> memref<1x625x128xf32, #tpu.memory_space<hbm>>
      %dma_wait3A_38 = tpu.memref_squeeze %dma_wait3A_37 : memref<1x625x128xf32, #tpu.memory_space<hbm>> -> memref<625x128xf32, #tpu.memory_space<hbm>>
      %dma_wait3A_39 = arith.constant 0 : i32
      %dma_wait3A_40 = tpu.memref_slice %arg7[%mul3A_30, %dma_wait3A_39] : memref<10000x128xf32, #tpu.memory_space<vmem_shared>> -> memref<625x128xf32, #tpu.memory_space<vmem_shared>>
      tpu.wait_dma2 semaphore(%run_scoped3A : memref<!tpu.dma_semaphore, #tpu.memory_space<semaphore_mem>>) src(%dma_wait3A_40 : memref<625x128xf32, #tpu.memory_space<vmem_shared>>) dst(%dma_wait3A_38 : memref<625x128xf32, #tpu.memory_space<hbm>>)
      tpu.yield
    }) : () -> ()
    return
  }
}

#map = affine_map<(d0, d1) -> (0, 0)>
#map1 = affine_map<(d0, d1) -> (0)>
#map2 = affine_map<(d0, d1) -> (0, 0, 0)>
module attributes {stable_mosaic.version = 14 : i64} {
  func.func @_sc_aggregate(%arg0: i32, %arg1: i32, %arg2: memref<200000x128xf32, #tpu.memory_space<hbm>>, %arg3: memref<320000xi32, #tpu.memory_space<hbm>>, %arg4: memref<320000xf32, #tpu.memory_space<hbm>>, %arg5: memref<320000xi32, #tpu.memory_space<hbm>>, %arg6: memref<2x10000x128xf32, #tpu.memory_space<hbm>>, %arg7: memref<10000x128xf32, #tpu.memory_space<vmem_shared>>, %arg8: memref<80xi32, #tpu.memory_space<vmem>>, %arg9: memref<80xf32, #tpu.memory_space<vmem>>, %arg10: memref<80xi32, #tpu.memory_space<vmem>>, %arg11: memref<80x128xf32, #tpu.memory_space<vmem>>, %arg12: memref<125x128xf32, #tpu.memory_space<vmem>>, %arg13: memref<!tpu.dma_semaphore, #tpu.memory_space<semaphore_mem>>) attributes {dimension_semantics = [#tpu.dimension_semantics<core_parallel>, #tpu.dimension_semantics<subcore_parallel>], iteration_bounds = array<i64: 2, 16>, scalar_prefetch = 0 : i64, scratch_operands = 7 : i64, tpu.core_type = #tpu.core_type<sc_vector_subcore>, window_params = [{transform_indices = #map}, {transform_indices = #map1}, {transform_indices = #map1}, {transform_indices = #map1}, {transform_indices = #map2}]} {
    %scan3A = arith.constant 0 : i32
    %scan3A_0 = arith.constant 125 : i32
    %scan3A_1 = arith.addi %scan3A, %scan3A_0 : i32
    %scan3A_2 = arith.constant 1 : i32
    scf.for %scan3A_33 = %scan3A to %scan3A_1 step %scan3A_2  : i32 {
      %broadcast_in_dim3A_34 = arith.constant 0.000000e+00 : f32
      %broadcast_in_dim3A_35 = vector.broadcast %broadcast_in_dim3A_34 : f32 to vector<16xf32>
      %swap3A = arith.index_cast %scan3A_33 : i32 to index
      %swap3A_36 = arith.constant 0 : index
      %swap3A_37 = tpu.vector_load %arg12[%swap3A, %swap3A_36] {strides = array<i32>} : memref<125x128xf32, #tpu.memory_space<vmem>>, vector<16xf32>,
      tpu.vector_store %arg12[%swap3A, %swap3A_36], %broadcast_in_dim3A_35 {strides = array<i32>} : memref<125x128xf32, #tpu.memory_space<vmem>>, vector<16xf32>,
      %broadcast_in_dim3A_38 = arith.constant 0.000000e+00 : f32
      %broadcast_in_dim3A_39 = vector.broadcast %broadcast_in_dim3A_38 : f32 to vector<16xf32>
      %swap3A_40 = arith.index_cast %scan3A_33 : i32 to index
      %swap3A_41 = arith.constant 16 : index
      %swap3A_42 = tpu.vector_load %arg12[%swap3A_40, %swap3A_41] {strides = array<i32>} : memref<125x128xf32, #tpu.memory_space<vmem>>, vector<16xf32>,
      tpu.vector_store %arg12[%swap3A_40, %swap3A_41], %broadcast_in_dim3A_39 {strides = array<i32>} : memref<125x128xf32, #tpu.memory_space<vmem>>, vector<16xf32>,
      %broadcast_in_dim3A_43 = arith.constant 0.000000e+00 : f32
      %broadcast_in_dim3A_44 = vector.broadcast %broadcast_in_dim3A_43 : f32 to vector<16xf32>
      %swap3A_45 = arith.index_cast %scan3A_33 : i32 to index
      %swap3A_46 = arith.constant 32 : index
      %swap3A_47 = tpu.vector_load %arg12[%swap3A_45, %swap3A_46] {strides = array<i32>} : memref<125x128xf32, #tpu.memory_space<vmem>>, vector<16xf32>,
      tpu.vector_store %arg12[%swap3A_45, %swap3A_46], %broadcast_in_dim3A_44 {strides = array<i32>} : memref<125x128xf32, #tpu.memory_space<vmem>>, vector<16xf32>,
      %broadcast_in_dim3A_48 = arith.constant 0.000000e+00 : f32
      %broadcast_in_dim3A_49 = vector.broadcast %broadcast_in_dim3A_48 : f32 to vector<16xf32>
      %swap3A_50 = arith.index_cast %scan3A_33 : i32 to index
      %swap3A_51 = arith.constant 48 : index
      %swap3A_52 = tpu.vector_load %arg12[%swap3A_50, %swap3A_51] {strides = array<i32>} : memref<125x128xf32, #tpu.memory_space<vmem>>, vector<16xf32>,
      tpu.vector_store %arg12[%swap3A_50, %swap3A_51], %broadcast_in_dim3A_49 {strides = array<i32>} : memref<125x128xf32, #tpu.memory_space<vmem>>, vector<16xf32>,
      %broadcast_in_dim3A_53 = arith.constant 0.000000e+00 : f32
      %broadcast_in_dim3A_54 = vector.broadcast %broadcast_in_dim3A_53 : f32 to vector<16xf32>
      %swap3A_55 = arith.index_cast %scan3A_33 : i32 to index
      %swap3A_56 = arith.constant 64 : index
      %swap3A_57 = tpu.vector_load %arg12[%swap3A_55, %swap3A_56] {strides = array<i32>} : memref<125x128xf32, #tpu.memory_space<vmem>>, vector<16xf32>,
      tpu.vector_store %arg12[%swap3A_55, %swap3A_56], %broadcast_in_dim3A_54 {strides = array<i32>} : memref<125x128xf32, #tpu.memory_space<vmem>>, vector<16xf32>,
      %broadcast_in_dim3A_58 = arith.constant 0.000000e+00 : f32
      %broadcast_in_dim3A_59 = vector.broadcast %broadcast_in_dim3A_58 : f32 to vector<16xf32>
      %swap3A_60 = arith.index_cast %scan3A_33 : i32 to index
      %swap3A_61 = arith.constant 80 : index
      %swap3A_62 = tpu.vector_load %arg12[%swap3A_60, %swap3A_61] {strides = array<i32>} : memref<125x128xf32, #tpu.memory_space<vmem>>, vector<16xf32>,
      tpu.vector_store %arg12[%swap3A_60, %swap3A_61], %broadcast_in_dim3A_59 {strides = array<i32>} : memref<125x128xf32, #tpu.memory_space<vmem>>, vector<16xf32>,
      %broadcast_in_dim3A_63 = arith.constant 0.000000e+00 : f32
      %broadcast_in_dim3A_64 = vector.broadcast %broadcast_in_dim3A_63 : f32 to vector<16xf32>
      %swap3A_65 = arith.index_cast %scan3A_33 : i32 to index
      %swap3A_66 = arith.constant 96 : index
      %swap3A_67 = tpu.vector_load %arg12[%swap3A_65, %swap3A_66] {strides = array<i32>} : memref<125x128xf32, #tpu.memory_space<vmem>>, vector<16xf32>,
      tpu.vector_store %arg12[%swap3A_65, %swap3A_66], %broadcast_in_dim3A_64 {strides = array<i32>} : memref<125x128xf32, #tpu.memory_space<vmem>>, vector<16xf32>,
      %broadcast_in_dim3A_68 = arith.constant 0.000000e+00 : f32
      %broadcast_in_dim3A_69 = vector.broadcast %broadcast_in_dim3A_68 : f32 to vector<16xf32>
      %swap3A_70 = arith.index_cast %scan3A_33 : i32 to index
      %swap3A_71 = arith.constant 112 : index
      %swap3A_72 = tpu.vector_load %arg12[%swap3A_70, %swap3A_71] {strides = array<i32>} : memref<125x128xf32, #tpu.memory_space<vmem>>, vector<16xf32>,
      tpu.vector_store %arg12[%swap3A_70, %swap3A_71], %broadcast_in_dim3A_69 {strides = array<i32>} : memref<125x128xf32, #tpu.memory_space<vmem>>, vector<16xf32>,
    }
    %scan3A_3 = arith.constant 125 : i32
    %mul3A = arith.constant 625 : i32
    %mul3A_4 = arith.muli %arg1, %mul3A : i32
    %add3A = arith.constant 0 : i32
    %add3A_5 = arith.addi %mul3A_4, %add3A : i32
    "tpu.region"() ({
      %run_scoped3A = tpu.sem_alloc : memref<!tpu.dma_semaphore, #tpu.memory_space<semaphore_mem>>
      %dma_start3A = arith.constant 0 : i32
      %dma_start3A_33 = tpu.memref_slice %arg7[%add3A_5, %dma_start3A] : memref<10000x128xf32, #tpu.memory_space<vmem_shared>> -> memref<125x128xf32, #tpu.memory_space<vmem_shared>>
      %dma_start3A_34 = arith.constant 0 : i32
      %dma_start3A_35 = tpu.memref_slice %arg7[%add3A_5, %dma_start3A_34] : memref<10000x128xf32, #tpu.memory_space<vmem_shared>> -> memref<125x128xf32, #tpu.memory_space<vmem_shared>>
      tpu.enqueue_dma source(%arg12 : memref<125x128xf32, #tpu.memory_space<vmem>>) target(%dma_start3A_35 : memref<125x128xf32, #tpu.memory_space<vmem_shared>>) target_semaphore(%run_scoped3A : memref<!tpu.dma_semaphore, #tpu.memory_space<semaphore_mem>>)
      %dma_wait3A = arith.constant 0 : i32
      %dma_wait3A_36 = tpu.memref_slice %arg7[%add3A_5, %dma_wait3A] : memref<10000x128xf32, #tpu.memory_space<vmem_shared>> -> memref<125x128xf32, #tpu.memory_space<vmem_shared>>
      %dma_wait3A_37 = arith.constant 0 : i32
      %dma_wait3A_38 = tpu.memref_slice %arg7[%add3A_5, %dma_wait3A_37] : memref<10000x128xf32, #tpu.memory_space<vmem_shared>> -> memref<125x128xf32, #tpu.memory_space<vmem_shared>>
      tpu.wait_dma2 semaphore(%run_scoped3A : memref<!tpu.dma_semaphore, #tpu.memory_space<semaphore_mem>>) src(%arg12 : memref<125x128xf32, #tpu.memory_space<vmem>>) dst(%dma_wait3A_38 : memref<125x128xf32, #tpu.memory_space<vmem_shared>>)
      tpu.yield
    }) : () -> ()
    %mul3A_6 = arith.constant 625 : i32
    %mul3A_7 = arith.muli %arg1, %mul3A_6 : i32
    %add3A_8 = arith.constant 125 : i32
    %add3A_9 = arith.addi %mul3A_7, %add3A_8 : i32
    "tpu.region"() ({
      %run_scoped3A = tpu.sem_alloc : memref<!tpu.dma_semaphore, #tpu.memory_space<semaphore_mem>>
      %dma_start3A = arith.constant 0 : i32
      %dma_start3A_33 = tpu.memref_slice %arg7[%add3A_9, %dma_start3A] : memref<10000x128xf32, #tpu.memory_space<vmem_shared>> -> memref<125x128xf32, #tpu.memory_space<vmem_shared>>
      %dma_start3A_34 = arith.constant 0 : i32
      %dma_start3A_35 = tpu.memref_slice %arg7[%add3A_9, %dma_start3A_34] : memref<10000x128xf32, #tpu.memory_space<vmem_shared>> -> memref<125x128xf32, #tpu.memory_space<vmem_shared>>
      tpu.enqueue_dma source(%arg12 : memref<125x128xf32, #tpu.memory_space<vmem>>) target(%dma_start3A_35 : memref<125x128xf32, #tpu.memory_space<vmem_shared>>) target_semaphore(%run_scoped3A : memref<!tpu.dma_semaphore, #tpu.memory_space<semaphore_mem>>)
      %dma_wait3A = arith.constant 0 : i32
      %dma_wait3A_36 = tpu.memref_slice %arg7[%add3A_9, %dma_wait3A] : memref<10000x128xf32, #tpu.memory_space<vmem_shared>> -> memref<125x128xf32, #tpu.memory_space<vmem_shared>>
      %dma_wait3A_37 = arith.constant 0 : i32
      %dma_wait3A_38 = tpu.memref_slice %arg7[%add3A_9, %dma_wait3A_37] : memref<10000x128xf32, #tpu.memory_space<vmem_shared>> -> memref<125x128xf32, #tpu.memory_space<vmem_shared>>
      tpu.wait_dma2 semaphore(%run_scoped3A : memref<!tpu.dma_semaphore, #tpu.memory_space<semaphore_mem>>) src(%arg12 : memref<125x128xf32, #tpu.memory_space<vmem>>) dst(%dma_wait3A_38 : memref<125x128xf32, #tpu.memory_space<vmem_shared>>)
      tpu.yield
    }) : () -> ()
    %mul3A_10 = arith.constant 625 : i32
    %mul3A_11 = arith.muli %arg1, %mul3A_10 : i32
    %add3A_12 = arith.constant 250 : i32
    %add3A_13 = arith.addi %mul3A_11, %add3A_12 : i32
    "tpu.region"() ({
      %run_scoped3A = tpu.sem_alloc : memref<!tpu.dma_semaphore, #tpu.memory_space<semaphore_mem>>
      %dma_start3A = arith.constant 0 : i32
      %dma_start3A_33 = tpu.memref_slice %arg7[%add3A_13, %dma_start3A] : memref<10000x128xf32, #tpu.memory_space<vmem_shared>> -> memref<125x128xf32, #tpu.memory_space<vmem_shared>>
      %dma_start3A_34 = arith.constant 0 : i32
      %dma_start3A_35 = tpu.memref_slice %arg7[%add3A_13, %dma_start3A_34] : memref<10000x128xf32, #tpu.memory_space<vmem_shared>> -> memref<125x128xf32, #tpu.memory_space<vmem_shared>>
      tpu.enqueue_dma source(%arg12 : memref<125x128xf32, #tpu.memory_space<vmem>>) target(%dma_start3A_35 : memref<125x128xf32, #tpu.memory_space<vmem_shared>>) target_semaphore(%run_scoped3A : memref<!tpu.dma_semaphore, #tpu.memory_space<semaphore_mem>>)
      %dma_wait3A = arith.constant 0 : i32
      %dma_wait3A_36 = tpu.memref_slice %arg7[%add3A_13, %dma_wait3A] : memref<10000x128xf32, #tpu.memory_space<vmem_shared>> -> memref<125x128xf32, #tpu.memory_space<vmem_shared>>
      %dma_wait3A_37 = arith.constant 0 : i32
      %dma_wait3A_38 = tpu.memref_slice %arg7[%add3A_13, %dma_wait3A_37] : memref<10000x128xf32, #tpu.memory_space<vmem_shared>> -> memref<125x128xf32, #tpu.memory_space<vmem_shared>>
      tpu.wait_dma2 semaphore(%run_scoped3A : memref<!tpu.dma_semaphore, #tpu.memory_space<semaphore_mem>>) src(%arg12 : memref<125x128xf32, #tpu.memory_space<vmem>>) dst(%dma_wait3A_38 : memref<125x128xf32, #tpu.memory_space<vmem_shared>>)
      tpu.yield
    }) : () -> ()
    %mul3A_14 = arith.constant 625 : i32
    %mul3A_15 = arith.muli %arg1, %mul3A_14 : i32
    %add3A_16 = arith.constant 375 : i32
    %add3A_17 = arith.addi %mul3A_15, %add3A_16 : i32
    "tpu.region"() ({
      %run_scoped3A = tpu.sem_alloc : memref<!tpu.dma_semaphore, #tpu.memory_space<semaphore_mem>>
      %dma_start3A = arith.constant 0 : i32
      %dma_start3A_33 = tpu.memref_slice %arg7[%add3A_17, %dma_start3A] : memref<10000x128xf32, #tpu.memory_space<vmem_shared>> -> memref<125x128xf32, #tpu.memory_space<vmem_shared>>
      %dma_start3A_34 = arith.constant 0 : i32
      %dma_start3A_35 = tpu.memref_slice %arg7[%add3A_17, %dma_start3A_34] : memref<10000x128xf32, #tpu.memory_space<vmem_shared>> -> memref<125x128xf32, #tpu.memory_space<vmem_shared>>
      tpu.enqueue_dma source(%arg12 : memref<125x128xf32, #tpu.memory_space<vmem>>) target(%dma_start3A_35 : memref<125x128xf32, #tpu.memory_space<vmem_shared>>) target_semaphore(%run_scoped3A : memref<!tpu.dma_semaphore, #tpu.memory_space<semaphore_mem>>)
      %dma_wait3A = arith.constant 0 : i32
      %dma_wait3A_36 = tpu.memref_slice %arg7[%add3A_17, %dma_wait3A] : memref<10000x128xf32, #tpu.memory_space<vmem_shared>> -> memref<125x128xf32, #tpu.memory_space<vmem_shared>>
      %dma_wait3A_37 = arith.constant 0 : i32
      %dma_wait3A_38 = tpu.memref_slice %arg7[%add3A_17, %dma_wait3A_37] : memref<10000x128xf32, #tpu.memory_space<vmem_shared>> -> memref<125x128xf32, #tpu.memory_space<vmem_shared>>
      tpu.wait_dma2 semaphore(%run_scoped3A : memref<!tpu.dma_semaphore, #tpu.memory_space<semaphore_mem>>) src(%arg12 : memref<125x128xf32, #tpu.memory_space<vmem>>) dst(%dma_wait3A_38 : memref<125x128xf32, #tpu.memory_space<vmem_shared>>)
      tpu.yield
    }) : () -> ()
    %mul3A_18 = arith.constant 625 : i32
    %mul3A_19 = arith.muli %arg1, %mul3A_18 : i32
    %add3A_20 = arith.constant 500 : i32
    %add3A_21 = arith.addi %mul3A_19, %add3A_20 : i32
    "tpu.region"() ({
      %run_scoped3A = tpu.sem_alloc : memref<!tpu.dma_semaphore, #tpu.memory_space<semaphore_mem>>
      %dma_start3A = arith.constant 0 : i32
      %dma_start3A_33 = tpu.memref_slice %arg7[%add3A_21, %dma_start3A] : memref<10000x128xf32, #tpu.memory_space<vmem_shared>> -> memref<125x128xf32, #tpu.memory_space<vmem_shared>>
      %dma_start3A_34 = arith.constant 0 : i32
      %dma_start3A_35 = tpu.memref_slice %arg7[%add3A_21, %dma_start3A_34] : memref<10000x128xf32, #tpu.memory_space<vmem_shared>> -> memref<125x128xf32, #tpu.memory_space<vmem_shared>>
      tpu.enqueue_dma source(%arg12 : memref<125x128xf32, #tpu.memory_space<vmem>>) target(%dma_start3A_35 : memref<125x128xf32, #tpu.memory_space<vmem_shared>>) target_semaphore(%run_scoped3A : memref<!tpu.dma_semaphore, #tpu.memory_space<semaphore_mem>>)
      %dma_wait3A = arith.constant 0 : i32
      %dma_wait3A_36 = tpu.memref_slice %arg7[%add3A_21, %dma_wait3A] : memref<10000x128xf32, #tpu.memory_space<vmem_shared>> -> memref<125x128xf32, #tpu.memory_space<vmem_shared>>
      %dma_wait3A_37 = arith.constant 0 : i32
      %dma_wait3A_38 = tpu.memref_slice %arg7[%add3A_21, %dma_wait3A_37] : memref<10000x128xf32, #tpu.memory_space<vmem_shared>> -> memref<125x128xf32, #tpu.memory_space<vmem_shared>>
      tpu.wait_dma2 semaphore(%run_scoped3A : memref<!tpu.dma_semaphore, #tpu.memory_space<semaphore_mem>>) src(%arg12 : memref<125x128xf32, #tpu.memory_space<vmem>>) dst(%dma_wait3A_38 : memref<125x128xf32, #tpu.memory_space<vmem_shared>>)
      tpu.yield
    }) : () -> ()
    %barrier3A = arith.constant 0 : index
    tpu.barrier barrier_id(%barrier3A)
    %broadcast_in_dim3A = arith.constant 0 : i32
    %broadcast_in_dim3A_22 = vector.broadcast %broadcast_in_dim3A : i32 to vector<16xi32>
    %scan3A_23 = arith.constant 0 : i32
    %scan3A_24 = arith.constant 125 : i32
    %scan3A_25 = arith.addi %scan3A_23, %scan3A_24 : i32
    %scan3A_26 = arith.constant 1 : i32
    scf.for %scan3A_33 = %scan3A_23 to %scan3A_25 step %scan3A_26  : i32 {
      %mul3A_34 = arith.constant 160000 : i32
      %mul3A_35 = arith.muli %arg0, %mul3A_34 : i32
      %mul3A_36 = arith.constant 10000 : i32
      %mul3A_37 = arith.muli %arg1, %mul3A_36 : i32
      %add3A_38 = arith.addi %mul3A_35, %mul3A_37 : i32
      %mul3A_39 = arith.constant 80 : i32
      %mul3A_40 = arith.muli %scan3A_33, %mul3A_39 : i32
      %add3A_41 = arith.addi %add3A_38, %mul3A_40 : i32
      %multiple_of3A = tpu.assume_multiple %add3A_41, 8 : i32
      "tpu.region"() ({
        %run_scoped3A = tpu.sem_alloc : memref<!tpu.dma_semaphore, #tpu.memory_space<semaphore_mem>>
        %dma_start3A_51 = tpu.memref_slice %arg3[%multiple_of3A] : memref<320000xi32, #tpu.memory_space<hbm>> -> memref<80xi32, #tpu.memory_space<hbm>>
        %dma_start3A_52 = tpu.memref_slice %arg3[%multiple_of3A] : memref<320000xi32, #tpu.memory_space<hbm>> -> memref<80xi32, #tpu.memory_space<hbm>>
        tpu.enqueue_dma source(%dma_start3A_52 : memref<80xi32, #tpu.memory_space<hbm>>) target(%arg8 : memref<80xi32, #tpu.memory_space<vmem>>) target_semaphore(%run_scoped3A : memref<!tpu.dma_semaphore, #tpu.memory_space<semaphore_mem>>)
        %dma_wait3A_53 = tpu.memref_slice %arg3[%multiple_of3A] : memref<320000xi32, #tpu.memory_space<hbm>> -> memref<80xi32, #tpu.memory_space<hbm>>
        %dma_wait3A_54 = tpu.memref_slice %arg3[%multiple_of3A] : memref<320000xi32, #tpu.memory_space<hbm>> -> memref<80xi32, #tpu.memory_space<hbm>>
        tpu.wait_dma2 semaphore(%run_scoped3A : memref<!tpu.dma_semaphore, #tpu.memory_space<semaphore_mem>>) src(%dma_wait3A_54 : memref<80xi32, #tpu.memory_space<hbm>>) dst(%arg8 : memref<80xi32, #tpu.memory_space<vmem>>)
        tpu.yield
      }) : () -> ()
      "tpu.region"() ({
        %run_scoped3A = tpu.sem_alloc : memref<!tpu.dma_semaphore, #tpu.memory_space<semaphore_mem>>
        %dma_start3A_51 = tpu.memref_slice %arg4[%multiple_of3A] : memref<320000xf32, #tpu.memory_space<hbm>> -> memref<80xf32, #tpu.memory_space<hbm>>
        %dma_start3A_52 = tpu.memref_slice %arg4[%multiple_of3A] : memref<320000xf32, #tpu.memory_space<hbm>> -> memref<80xf32, #tpu.memory_space<hbm>>
        tpu.enqueue_dma source(%dma_start3A_52 : memref<80xf32, #tpu.memory_space<hbm>>) target(%arg9 : memref<80xf32, #tpu.memory_space<vmem>>) target_semaphore(%run_scoped3A : memref<!tpu.dma_semaphore, #tpu.memory_space<semaphore_mem>>)
        %dma_wait3A_53 = tpu.memref_slice %arg4[%multiple_of3A] : memref<320000xf32, #tpu.memory_space<hbm>> -> memref<80xf32, #tpu.memory_space<hbm>>
        %dma_wait3A_54 = tpu.memref_slice %arg4[%multiple_of3A] : memref<320000xf32, #tpu.memory_space<hbm>> -> memref<80xf32, #tpu.memory_space<hbm>>
        tpu.wait_dma2 semaphore(%run_scoped3A : memref<!tpu.dma_semaphore, #tpu.memory_space<semaphore_mem>>) src(%dma_wait3A_54 : memref<80xf32, #tpu.memory_space<hbm>>) dst(%arg9 : memref<80xf32, #tpu.memory_space<vmem>>)
        tpu.yield
      }) : () -> ()
      "tpu.region"() ({
        %run_scoped3A = tpu.sem_alloc : memref<!tpu.dma_semaphore, #tpu.memory_space<semaphore_mem>>
        %dma_start3A_51 = tpu.memref_slice %arg5[%multiple_of3A] : memref<320000xi32, #tpu.memory_space<hbm>> -> memref<80xi32, #tpu.memory_space<hbm>>
        %dma_start3A_52 = tpu.memref_slice %arg5[%multiple_of3A] : memref<320000xi32, #tpu.memory_space<hbm>> -> memref<80xi32, #tpu.memory_space<hbm>>
        tpu.enqueue_dma source(%dma_start3A_52 : memref<80xi32, #tpu.memory_space<hbm>>) target(%arg10 : memref<80xi32, #tpu.memory_space<vmem>>) target_semaphore(%run_scoped3A : memref<!tpu.dma_semaphore, #tpu.memory_space<semaphore_mem>>)
        %dma_wait3A_53 = tpu.memref_slice %arg5[%multiple_of3A] : memref<320000xi32, #tpu.memory_space<hbm>> -> memref<80xi32, #tpu.memory_space<hbm>>
        %dma_wait3A_54 = tpu.memref_slice %arg5[%multiple_of3A] : memref<320000xi32, #tpu.memory_space<hbm>> -> memref<80xi32, #tpu.memory_space<hbm>>
        tpu.wait_dma2 semaphore(%run_scoped3A : memref<!tpu.dma_semaphore, #tpu.memory_space<semaphore_mem>>) src(%dma_wait3A_54 : memref<80xi32, #tpu.memory_space<hbm>>) dst(%arg10 : memref<80xi32, #tpu.memory_space<vmem>>)
        tpu.yield
      }) : () -> ()
      %dma_start3A = arith.constant 0 : i32
      %dma_start3A_42 = arith.constant 0 : i32
      %dma_start3A_43 = tpu.memref_slice %arg2[%dma_start3A, %dma_start3A_42] : memref<200000x128xf32, #tpu.memory_space<hbm>> -> memref<200000x128xf32, #tpu.memory_space<hbm>>
      tpu.enqueue_indirect_dma source(%dma_start3A_43 : memref<200000x128xf32, #tpu.memory_space<hbm>>) target(%arg11 : memref<80x128xf32, #tpu.memory_space<vmem>>) offsets(%arg8 : memref<80xi32, #tpu.memory_space<vmem>>) semaphore(%arg13 : memref<!tpu.dma_semaphore, #tpu.memory_space<semaphore_mem>>)
      %dma_wait3A = arith.constant 0 : i32
      %dma_wait3A_44 = arith.constant 0 : i32
      %dma_wait3A_45 = tpu.memref_slice %arg2[%dma_wait3A, %dma_wait3A_44] : memref<200000x128xf32, #tpu.memory_space<hbm>> -> memref<200000x128xf32, #tpu.memory_space<hbm>>
      tpu.wait_indirect_dma semaphore(%arg13 : memref<!tpu.dma_semaphore, #tpu.memory_space<semaphore_mem>>) src(%dma_wait3A_45 : memref<200000x128xf32, #tpu.memory_space<hbm>>) dst(%arg11 : memref<80x128xf32, #tpu.memory_space<vmem>>)
      %scan3A_46 = arith.constant 0 : i32
      %scan3A_47 = arith.constant 80 : i32
      %scan3A_48 = arith.addi %scan3A_46, %scan3A_47 : i32
      %scan3A_49 = arith.constant 1 : i32
      scf.for %scan3A_51 = %scan3A_46 to %scan3A_48 step %scan3A_49  : i32 {
        %add3A_52 = vector.broadcast %scan3A_51 : i32 to vector<16xi32>
        %add3A_53 = arith.addi %broadcast_in_dim3A_22, %add3A_52 : vector<16xi32>
        %gather3A = tpu.vector_load_idx %arg9[%add3A_53] : memref<80xf32, #tpu.memory_space<vmem>>[vector<16xi32>], vector<16xf32>,
        %get3A = arith.index_cast %scan3A_51 : i32 to index
        %get3A_54 = arith.constant 0 : index
        %get3A_55 = tpu.vector_load %arg11[%get3A, %get3A_54] {strides = array<i32>} : memref<80x128xf32, #tpu.memory_space<vmem>>, vector<16xf32>,
        %mul3A_56 = arith.mulf %get3A_55, %gather3A : vector<16xf32>
        %swap3A = arith.index_cast %scan3A_51 : i32 to index
        %swap3A_57 = arith.constant 0 : index
        %swap3A_58 = tpu.vector_load %arg11[%swap3A, %swap3A_57] {strides = array<i32>} : memref<80x128xf32, #tpu.memory_space<vmem>>, vector<16xf32>,
        tpu.vector_store %arg11[%swap3A, %swap3A_57], %mul3A_56 {strides = array<i32>} : memref<80x128xf32, #tpu.memory_space<vmem>>, vector<16xf32>,
        %get3A_59 = arith.index_cast %scan3A_51 : i32 to index
        %get3A_60 = arith.constant 16 : index
        %get3A_61 = tpu.vector_load %arg11[%get3A_59, %get3A_60] {strides = array<i32>} : memref<80x128xf32, #tpu.memory_space<vmem>>, vector<16xf32>,
        %mul3A_62 = arith.mulf %get3A_61, %gather3A : vector<16xf32>
        %swap3A_63 = arith.index_cast %scan3A_51 : i32 to index
        %swap3A_64 = arith.constant 16 : index
        %swap3A_65 = tpu.vector_load %arg11[%swap3A_63, %swap3A_64] {strides = array<i32>} : memref<80x128xf32, #tpu.memory_space<vmem>>, vector<16xf32>,
        tpu.vector_store %arg11[%swap3A_63, %swap3A_64], %mul3A_62 {strides = array<i32>} : memref<80x128xf32, #tpu.memory_space<vmem>>, vector<16xf32>,
        %get3A_66 = arith.index_cast %scan3A_51 : i32 to index
        %get3A_67 = arith.constant 32 : index
        %get3A_68 = tpu.vector_load %arg11[%get3A_66, %get3A_67] {strides = array<i32>} : memref<80x128xf32, #tpu.memory_space<vmem>>, vector<16xf32>,
        %mul3A_69 = arith.mulf %get3A_68, %gather3A : vector<16xf32>
        %swap3A_70 = arith.index_cast %scan3A_51 : i32 to index
        %swap3A_71 = arith.constant 32 : index
        %swap3A_72 = tpu.vector_load %arg11[%swap3A_70, %swap3A_71] {strides = array<i32>} : memref<80x128xf32, #tpu.memory_space<vmem>>, vector<16xf32>,
        tpu.vector_store %arg11[%swap3A_70, %swap3A_71], %mul3A_69 {strides = array<i32>} : memref<80x128xf32, #tpu.memory_space<vmem>>, vector<16xf32>,
        %get3A_73 = arith.index_cast %scan3A_51 : i32 to index
        %get3A_74 = arith.constant 48 : index
        %get3A_75 = tpu.vector_load %arg11[%get3A_73, %get3A_74] {strides = array<i32>} : memref<80x128xf32, #tpu.memory_space<vmem>>, vector<16xf32>,
        %mul3A_76 = arith.mulf %get3A_75, %gather3A : vector<16xf32>
        %swap3A_77 = arith.index_cast %scan3A_51 : i32 to index
        %swap3A_78 = arith.constant 48 : index
        %swap3A_79 = tpu.vector_load %arg11[%swap3A_77, %swap3A_78] {strides = array<i32>} : memref<80x128xf32, #tpu.memory_space<vmem>>, vector<16xf32>,
        tpu.vector_store %arg11[%swap3A_77, %swap3A_78], %mul3A_76 {strides = array<i32>} : memref<80x128xf32, #tpu.memory_space<vmem>>, vector<16xf32>,
        %get3A_80 = arith.index_cast %scan3A_51 : i32 to index
        %get3A_81 = arith.constant 64 : index
        %get3A_82 = tpu.vector_load %arg11[%get3A_80, %get3A_81] {strides = array<i32>} : memref<80x128xf32, #tpu.memory_space<vmem>>, vector<16xf32>,
        %mul3A_83 = arith.mulf %get3A_82, %gather3A : vector<16xf32>
        %swap3A_84 = arith.index_cast %scan3A_51 : i32 to index
        %swap3A_85 = arith.constant 64 : index
        %swap3A_86 = tpu.vector_load %arg11[%swap3A_84, %swap3A_85] {strides = array<i32>} : memref<80x128xf32, #tpu.memory_space<vmem>>, vector<16xf32>,
        tpu.vector_store %arg11[%swap3A_84, %swap3A_85], %mul3A_83 {strides = array<i32>} : memref<80x128xf32, #tpu.memory_space<vmem>>, vector<16xf32>,
        %get3A_87 = arith.index_cast %scan3A_51 : i32 to index
        %get3A_88 = arith.constant 80 : index
        %get3A_89 = tpu.vector_load %arg11[%get3A_87, %get3A_88] {strides = array<i32>} : memref<80x128xf32, #tpu.memory_space<vmem>>, vector<16xf32>,
        %mul3A_90 = arith.mulf %get3A_89, %gather3A : vector<16xf32>
        %swap3A_91 = arith.index_cast %scan3A_51 : i32 to index
        %swap3A_92 = arith.constant 80 : index
        %swap3A_93 = tpu.vector_load %arg11[%swap3A_91, %swap3A_92] {strides = array<i32>} : memref<80x128xf32, #tpu.memory_space<vmem>>, vector<16xf32>,
        tpu.vector_store %arg11[%swap3A_91, %swap3A_92], %mul3A_90 {strides = array<i32>} : memref<80x128xf32, #tpu.memory_space<vmem>>, vector<16xf32>,
        %get3A_94 = arith.index_cast %scan3A_51 : i32 to index
        %get3A_95 = arith.constant 96 : index
        %get3A_96 = tpu.vector_load %arg11[%get3A_94, %get3A_95] {strides = array<i32>} : memref<80x128xf32, #tpu.memory_space<vmem>>, vector<16xf32>,
        %mul3A_97 = arith.mulf %get3A_96, %gather3A : vector<16xf32>
        %swap3A_98 = arith.index_cast %scan3A_51 : i32 to index
        %swap3A_99 = arith.constant 96 : index
        %swap3A_100 = tpu.vector_load %arg11[%swap3A_98, %swap3A_99] {strides = array<i32>} : memref<80x128xf32, #tpu.memory_space<vmem>>, vector<16xf32>,
        tpu.vector_store %arg11[%swap3A_98, %swap3A_99], %mul3A_97 {strides = array<i32>} : memref<80x128xf32, #tpu.memory_space<vmem>>, vector<16xf32>,
        %get3A_101 = arith.index_cast %scan3A_51 : i32 to index
        %get3A_102 = arith.constant 112 : index
        %get3A_103 = tpu.vector_load %arg11[%get3A_101, %get3A_102] {strides = array<i32>} : memref<80x128xf32, #tpu.memory_space<vmem>>, vector<16xf32>,
        %mul3A_104 = arith.mulf %get3A_103, %gather3A : vector<16xf32>
        %swap3A_105 = arith.index_cast %scan3A_51 : i32 to index
        %swap3A_106 = arith.constant 112 : index
        %swap3A_107 = tpu.vector_load %arg11[%swap3A_105, %swap3A_106] {strides = array<i32>} : memref<80x128xf32, #tpu.memory_space<vmem>>, vector<16xf32>,
        tpu.vector_store %arg11[%swap3A_105, %swap3A_106], %mul3A_104 {strides = array<i32>} : memref<80x128xf32, #tpu.memory_space<vmem>>, vector<16xf32>,
      }
      %scan3A_50 = arith.constant 80 : i32
      "tpu.region"() ({
        %run_scoped3A = tpu.sem_alloc : memref<!tpu.dma_semaphore, #tpu.memory_space<semaphore_mem>>
        %dma_start3A_51 = arith.constant 0 : i32
        %dma_start3A_52 = arith.constant 0 : i32
        %dma_start3A_53 = tpu.memref_slice %arg7[%dma_start3A_51, %dma_start3A_52] : memref<10000x128xf32, #tpu.memory_space<vmem_shared>> -> memref<10000x128xf32, #tpu.memory_space<vmem_shared>>
        tpu.enqueue_indirect_dma source(%arg11 : memref<80x128xf32, #tpu.memory_space<vmem>>) target(%dma_start3A_53 : memref<10000x128xf32, #tpu.memory_space<vmem_shared>>) offsets(%arg10 : memref<80xi32, #tpu.memory_space<vmem>>) semaphore(%run_scoped3A : memref<!tpu.dma_semaphore, #tpu.memory_space<semaphore_mem>>) {add = true}
        %dma_wait3A_54 = arith.constant 0 : i32
        %dma_wait3A_55 = arith.constant 0 : i32
        %dma_wait3A_56 = tpu.memref_slice %arg7[%dma_wait3A_54, %dma_wait3A_55] : memref<10000x128xf32, #tpu.memory_space<vmem_shared>> -> memref<10000x128xf32, #tpu.memory_space<vmem_shared>>
        tpu.wait_indirect_dma semaphore(%run_scoped3A : memref<!tpu.dma_semaphore, #tpu.memory_space<semaphore_mem>>) src(%arg11 : memref<80x128xf32, #tpu.memory_space<vmem>>) dst(%dma_wait3A_56 : memref<10000x128xf32, #tpu.memory_space<vmem_shared>>)
        tpu.yield
      }) : () -> ()
    }
    %scan3A_27 = arith.constant 125 : i32
    %barrier3A_28 = arith.constant 0 : index
    tpu.barrier barrier_id(%barrier3A_28)
    %mul3A_29 = arith.constant 625 : i32
    %mul3A_30 = arith.muli %arg1, %mul3A_29 : i32
    %mul3A_31 = arith.constant 625 : i32
    %mul3A_32 = arith.muli %arg1, %mul3A_31 : i32
    "tpu.region"() ({
      %run_scoped3A = tpu.sem_alloc : memref<!tpu.dma_semaphore, #tpu.memory_space<semaphore_mem>>
      %dma_start3A = arith.constant 0 : i32
      %dma_start3A_33 = tpu.memref_slice %arg6[%arg0, %mul3A_32, %dma_start3A] : memref<2x10000x128xf32, #tpu.memory_space<hbm>> -> memref<1x625x128xf32, #tpu.memory_space<hbm>>
      %dma_start3A_34 = tpu.memref_squeeze %dma_start3A_33 : memref<1x625x128xf32, #tpu.memory_space<hbm>> -> memref<625x128xf32, #tpu.memory_space<hbm>>
      %dma_start3A_35 = arith.constant 0 : i32
      %dma_start3A_36 = tpu.memref_slice %arg7[%mul3A_30, %dma_start3A_35] : memref<10000x128xf32, #tpu.memory_space<vmem_shared>> -> memref<625x128xf32, #tpu.memory_space<vmem_shared>>
      tpu.enqueue_dma source(%dma_start3A_36 : memref<625x128xf32, #tpu.memory_space<vmem_shared>>) target(%dma_start3A_34 : memref<625x128xf32, #tpu.memory_space<hbm>>) target_semaphore(%run_scoped3A : memref<!tpu.dma_semaphore, #tpu.memory_space<semaphore_mem>>)
      %dma_wait3A = arith.constant 0 : i32
      %dma_wait3A_37 = tpu.memref_slice %arg6[%arg0, %mul3A_32, %dma_wait3A] : memref<2x10000x128xf32, #tpu.memory_space<hbm>> -> memref<1x625x128xf32, #tpu.memory_space<hbm>>
      %dma_wait3A_38 = tpu.memref_squeeze %dma_wait3A_37 : memref<1x625x128xf32, #tpu.memory_space<hbm>> -> memref<625x128xf32, #tpu.memory_space<hbm>>
      %dma_wait3A_39 = arith.constant 0 : i32
      %dma_wait3A_40 = tpu.memref_slice %arg7[%mul3A_30, %dma_wait3A_39] : memref<10000x128xf32, #tpu.memory_space<vmem_shared>> -> memref<625x128xf32, #tpu.memory_space<vmem_shared>>
      tpu.wait_dma2 semaphore(%run_scoped3A : memref<!tpu.dma_semaphore, #tpu.memory_space<semaphore_mem>>) src(%dma_wait3A_40 : memref<625x128xf32, #tpu.memory_space<vmem_shared>>) dst(%dma_wait3A_38 : memref<625x128xf32, #tpu.memory_space<hbm>>)
      tpu.yield
    }) : () -> ()
    return
  }
}

module attributes {stable_mosaic.version = 14 : i64} {
  func.func @_tc_comb_body(%arg0: i32, %arg1: memref<1000x128xf32, #tpu.memory_space<vmem>>, %arg2: memref<128x128xf32, #tpu.memory_space<vmem>>, %arg3: memref<1x128xf32, #tpu.memory_space<vmem>>, %arg4: memref<2x1000x128xf32, #tpu.memory_space<vmem>>, %arg5: memref<1x128xf32, #tpu.memory_space<vmem>>, %arg6: memref<1x128xf32, #tpu.memory_space<vmem>>, %arg7: memref<1x128xf32, #tpu.memory_space<vmem>>, %arg8: memref<1x1xf32, #tpu.memory_space<vmem>>, %arg9: memref<1000x128xf32, #tpu.memory_space<vmem>>) attributes {dimension_semantics = [#tpu.dimension_semantics<arbitrary>], iteration_bounds = array<i64: 10>, scalar_prefetch = 0 : i64, scratch_operands = 0 : i64, tpu.core_type = #tpu.core_type<tc>, window_params = [{transform_indices = @transform_0, window_bounds = array<i64: 1000, 128>}, {pipeline_mode = #tpu.pipeline_mode<synchronous>, transform_indices = @transform_1, window_bounds = array<i64: 128, 128>}, {pipeline_mode = #tpu.pipeline_mode<synchronous>, transform_indices = @transform_2, window_bounds = array<i64: 1, 128>}, {transform_indices = @transform_3, window_bounds = array<i64: 2, 1000, 128>}, {pipeline_mode = #tpu.pipeline_mode<synchronous>, transform_indices = @transform_4, window_bounds = array<i64: 1, 128>}, {pipeline_mode = #tpu.pipeline_mode<synchronous>, transform_indices = @transform_5, window_bounds = array<i64: 1, 128>}, {pipeline_mode = #tpu.pipeline_mode<synchronous>, transform_indices = @transform_6, window_bounds = array<i64: 1, 128>}, {pipeline_mode = #tpu.pipeline_mode<synchronous>, transform_indices = @transform_7, window_bounds = array<i64: 1, 1>}, {transform_indices = @transform_8, window_bounds = array<i64: 1000, 128>}]} {
    %get3A = arith.constant 0 : index
    %get3A_0 = arith.constant 0 : index
    %get3A_1 = vector.load %arg1[%get3A, %get3A_0] : memref<1000x128xf32, #tpu.memory_space<vmem>>, vector<1000x128xf32>
    %get3A_2 = arith.constant 0 : index
    %get3A_3 = arith.constant 0 : index
    %get3A_4 = vector.load %arg2[%get3A_2, %get3A_3] : memref<128x128xf32, #tpu.memory_space<vmem>>, vector<128x128xf32>
    %dot_general3A = arith.constant dense<0.000000e+00> : vector<1000x128xf32>
    %dot_general3A_5 = tpu.matmul %get3A_1, %get3A_4, %dot_general3A {dimension_numbers = #tpu.dot_dimension_numbers<[1], [0], [0], [1], [0, 0, 1, 1], [], []>, transpose_lhs_hint = false} : vector<1000x128xf32>, vector<128x128xf32>, vector<1000x128xf32> -> vector<1000x128xf32>
    %get3A_6 = arith.constant 0 : index
    %get3A_7 = arith.constant 0 : index
    %get3A_8 = vector.load %arg3[%get3A_6, %get3A_7] : memref<1x128xf32, #tpu.memory_space<vmem>>, vector<1x128xf32>
    %add3A = vector.broadcast %get3A_8 : vector<1x128xf32> to vector<1000x128xf32>
    %add3A_9 = arith.addf %dot_general3A_5, %add3A : vector<1000x128xf32>
    %get3A_10 = arith.constant 0 : index
    %get3A_11 = arith.constant 0 : index
    %get3A_12 = arith.constant 0 : index
    %get3A_13 = vector.load %arg4[%get3A_10, %get3A_11, %get3A_12] : memref<2x1000x128xf32, #tpu.memory_space<vmem>>, vector<1x1000x128xf32>
    %get3A_14 = vector.shape_cast %get3A_13 : vector<1x1000x128xf32> to vector<1000x128xf32>
    %add3A_15 = arith.addf %add3A_9, %get3A_14 : vector<1000x128xf32>
    %get3A_16 = arith.constant 1 : index
    %get3A_17 = arith.constant 0 : index
    %get3A_18 = arith.constant 0 : index
    %get3A_19 = vector.load %arg4[%get3A_16, %get3A_17, %get3A_18] : memref<2x1000x128xf32, #tpu.memory_space<vmem>>, vector<1x1000x128xf32>
    %get3A_20 = vector.shape_cast %get3A_19 : vector<1x1000x128xf32> to vector<1000x128xf32>
    %add3A_21 = arith.addf %add3A_15, %get3A_20 : vector<1000x128xf32>
    %sqrt3A = arith.constant 1.000010e+00 : f32
    %sqrt3A_22 = math.sqrt %sqrt3A : f32
    %div3A = arith.constant 1.000000e+00 : f32
    %div3A_23 = arith.divf %div3A, %sqrt3A_22 : f32
    %mul3A = vector.broadcast %div3A_23 : f32 to vector<1000x128xf32>
    %mul3A_24 = arith.mulf %add3A_21, %mul3A : vector<1000x128xf32>
    %get3A_25 = arith.constant 0 : index
    %get3A_26 = arith.constant 0 : index
    %get3A_27 = vector.load %arg5[%get3A_25, %get3A_26] : memref<1x128xf32, #tpu.memory_space<vmem>>, vector<1x128xf32>
    %mul3A_28 = vector.broadcast %get3A_27 : vector<1x128xf32> to vector<1000x128xf32>
    %mul3A_29 = arith.mulf %mul3A_24, %mul3A_28 : vector<1000x128xf32>
    %get3A_30 = arith.constant 0 : index
    %get3A_31 = arith.constant 0 : index
    %get3A_32 = vector.load %arg6[%get3A_30, %get3A_31] : memref<1x128xf32, #tpu.memory_space<vmem>>, vector<1x128xf32>
    %add3A_33 = vector.broadcast %get3A_32 : vector<1x128xf32> to vector<1000x128xf32>
    %add3A_34 = arith.addf %mul3A_29, %add3A_33 : vector<1000x128xf32>
    %max3A = arith.constant 0.000000e+00 : f32
    %max3A_35 = vector.broadcast %max3A : f32 to vector<1000x128xf32>
    %max3A_36 = arith.maximumf %add3A_34, %max3A_35 : vector<1000x128xf32>
    %swap3A = arith.constant 0 : index
    %swap3A_37 = arith.constant 0 : index
    %swap3A_38 = vector.load %arg9[%swap3A, %swap3A_37] : memref<1000x128xf32, #tpu.memory_space<vmem>>, vector<1000x128xf32>
    tpu.vector_store %arg9[%swap3A, %swap3A_37], %max3A_36 {strides = array<i32>} : memref<1000x128xf32, #tpu.memory_space<vmem>>, vector<1000x128xf32>,
    return
  }
  func.func @transform_0(%arg0: i32) -> (i32, i32) {
    %c0_i32 = arith.constant 0 : i32
    %c0_i32_0 = arith.constant 0 : i32
    return %arg0, %c0_i32 : i32, i32
  }
  func.func @transform_1(%arg0: i32) -> (i32, i32) {
    %c0_i32 = arith.constant 0 : i32
    %c0_i32_0 = arith.constant 0 : i32
    %c0_i32_1 = arith.constant 0 : i32
    return %c0_i32, %c0_i32_0 : i32, i32
  }
  func.func @transform_2(%arg0: i32) -> (i32, i32) {
    %c0_i32 = arith.constant 0 : i32
    %c0_i32_0 = arith.constant 0 : i32
    %c0_i32_1 = arith.constant 0 : i32
    return %c0_i32, %c0_i32_0 : i32, i32
  }
  func.func @transform_3(%arg0: i32) -> (i32, i32, i32) {
    %c0_i32 = arith.constant 0 : i32
    %c0_i32_0 = arith.constant 0 : i32
    %c0_i32_1 = arith.constant 0 : i32
    return %c0_i32, %arg0, %c0_i32_0 : i32, i32, i32
  }
  func.func @transform_4(%arg0: i32) -> (i32, i32) {
    %c0_i32 = arith.constant 0 : i32
    %c0_i32_0 = arith.constant 0 : i32
    %c0_i32_1 = arith.constant 0 : i32
    return %c0_i32, %c0_i32_0 : i32, i32
  }
  func.func @transform_5(%arg0: i32) -> (i32, i32) {
    %c0_i32 = arith.constant 0 : i32
    %c0_i32_0 = arith.constant 0 : i32
    %c0_i32_1 = arith.constant 0 : i32
    return %c0_i32, %c0_i32_0 : i32, i32
  }
  func.func @transform_6(%arg0: i32) -> (i32, i32) {
    %c0_i32 = arith.constant 0 : i32
    %c0_i32_0 = arith.constant 0 : i32
    %c0_i32_1 = arith.constant 0 : i32
    return %c0_i32, %c0_i32_0 : i32, i32
  }
  func.func @transform_7(%arg0: i32) -> (i32, i32) {
    %c0_i32 = arith.constant 0 : i32
    %c0_i32_0 = arith.constant 0 : i32
    %c0_i32_1 = arith.constant 0 : i32
    return %c0_i32, %c0_i32_0 : i32, i32
  }
  func.func @transform_8(%arg0: i32) -> (i32, i32) {
    %c0_i32 = arith.constant 0 : i32
    %c0_i32_0 = arith.constant 0 : i32
    return %arg0, %c0_i32 : i32, i32
  }
}

module attributes {stable_mosaic.version = 14 : i64} {
  func.func @_tc_rel_body(%arg0: i32, %arg1: i32, %arg2: memref<1000x128xf32, #tpu.memory_space<vmem>>, %arg3: memref<1x128x128xf32, #tpu.memory_space<vmem>>, %arg4: memref<1x1000x128xf32, #tpu.memory_space<vmem>>) attributes {dimension_semantics = [#tpu.dimension_semantics<arbitrary>, #tpu.dimension_semantics<arbitrary>], iteration_bounds = array<i64: 10, 20>, scalar_prefetch = 0 : i64, scratch_operands = 0 : i64, tpu.core_type = #tpu.core_type<tc>, window_params = [{transform_indices = @transform_0, window_bounds = array<i64: 1000, 128>}, {transform_indices = @transform_1, window_bounds = array<i64: 1, 128, 128>}, {transform_indices = @transform_2, window_bounds = array<i64: 1, 1000, 128>}]} {
    %get3A = arith.constant 0 : index
    %get3A_0 = arith.constant 0 : index
    %get3A_1 = vector.load %arg2[%get3A, %get3A_0] : memref<1000x128xf32, #tpu.memory_space<vmem>>, vector<1000x128xf32>
    %get3A_2 = arith.constant 0 : index
    %get3A_3 = arith.constant 0 : index
    %get3A_4 = arith.constant 0 : index
    %get3A_5 = vector.load %arg3[%get3A_2, %get3A_3, %get3A_4] : memref<1x128x128xf32, #tpu.memory_space<vmem>>, vector<1x128x128xf32>
    %get3A_6 = vector.shape_cast %get3A_5 : vector<1x128x128xf32> to vector<128x128xf32>
    %dot_general3A = arith.constant dense<0.000000e+00> : vector<1000x128xf32>
    %dot_general3A_7 = tpu.matmul %get3A_1, %get3A_6, %dot_general3A {dimension_numbers = #tpu.dot_dimension_numbers<[1], [0], [0], [1], [0, 0, 1, 1], [], []>, transpose_lhs_hint = false} : vector<1000x128xf32>, vector<128x128xf32>, vector<1000x128xf32> -> vector<1000x128xf32>
    %swap3A = arith.constant 0 : index
    %swap3A_8 = arith.constant 0 : index
    %swap3A_9 = arith.constant 0 : index
    %swap3A_10 = vector.load %arg4[%swap3A, %swap3A_8, %swap3A_9] : memref<1x1000x128xf32, #tpu.memory_space<vmem>>, vector<1x1000x128xf32>
    %swap3A_11 = vector.shape_cast %swap3A_10 : vector<1x1000x128xf32> to vector<1000x128xf32>
    %swap3A_12 = vector.shape_cast %dot_general3A_7 : vector<1000x128xf32> to vector<1x1000x128xf32>
    tpu.vector_store %arg4[%swap3A, %swap3A_8, %swap3A_9], %swap3A_12 {strides = array<i32>} : memref<1x1000x128xf32, #tpu.memory_space<vmem>>, vector<1x1000x128xf32>,
    return
  }
  func.func @transform_0(%arg0: i32, %arg1: i32) -> (i32, i32) {
    %c0_i32 = arith.constant 0 : i32
    %c0_i32_0 = arith.constant 0 : i32
    return %arg0, %c0_i32 : i32, i32
  }
  func.func @transform_1(%arg0: i32, %arg1: i32) -> (i32, i32, i32) {
    %c0_i32 = arith.constant 0 : i32
    %c0_i32_0 = arith.constant 0 : i32
    %c0_i32_1 = arith.constant 0 : i32
    return %arg1, %c0_i32, %c0_i32_0 : i32, i32, i32
  }
  func.func @transform_2(%arg0: i32, %arg1: i32) -> (i32, i32, i32) {
    %c0_i32 = arith.constant 0 : i32
    %c0_i32_0 = arith.constant 0 : i32
    return %arg1, %arg0, %c0_i32 : i32, i32, i32
  }
}

module attributes {stable_mosaic.version = 14 : i64} {
  func.func @_tc_in_body(%arg0: i32, %arg1: memref<1000x128xf32, #tpu.memory_space<vmem>>, %arg2: memref<128x128xf32, #tpu.memory_space<vmem>>, %arg3: memref<1x128xf32, #tpu.memory_space<vmem>>, %arg4: memref<1000x128xf32, #tpu.memory_space<vmem>>) attributes {dimension_semantics = [#tpu.dimension_semantics<arbitrary>], iteration_bounds = array<i64: 10>, scalar_prefetch = 0 : i64, scratch_operands = 0 : i64, tpu.core_type = #tpu.core_type<tc>, window_params = [{transform_indices = @transform_0, window_bounds = array<i64: 1000, 128>}, {pipeline_mode = #tpu.pipeline_mode<synchronous>, transform_indices = @transform_1, window_bounds = array<i64: 128, 128>}, {pipeline_mode = #tpu.pipeline_mode<synchronous>, transform_indices = @transform_2, window_bounds = array<i64: 1, 128>}, {transform_indices = @transform_3, window_bounds = array<i64: 1000, 128>}]} {
    %get3A = arith.constant 0 : index
    %get3A_0 = arith.constant 0 : index
    %get3A_1 = vector.load %arg1[%get3A, %get3A_0] : memref<1000x128xf32, #tpu.memory_space<vmem>>, vector<1000x128xf32>
    %get3A_2 = arith.constant 0 : index
    %get3A_3 = arith.constant 0 : index
    %get3A_4 = vector.load %arg2[%get3A_2, %get3A_3] : memref<128x128xf32, #tpu.memory_space<vmem>>, vector<128x128xf32>
    %dot_general3A = arith.constant dense<0.000000e+00> : vector<1000x128xf32>
    %dot_general3A_5 = tpu.matmul %get3A_1, %get3A_4, %dot_general3A {dimension_numbers = #tpu.dot_dimension_numbers<[1], [0], [0], [1], [0, 0, 1, 1], [], []>, transpose_lhs_hint = false} : vector<1000x128xf32>, vector<128x128xf32>, vector<1000x128xf32> -> vector<1000x128xf32>
    %get3A_6 = arith.constant 0 : index
    %get3A_7 = arith.constant 0 : index
    %get3A_8 = vector.load %arg3[%get3A_6, %get3A_7] : memref<1x128xf32, #tpu.memory_space<vmem>>, vector<1x128xf32>
    %add3A = vector.broadcast %get3A_8 : vector<1x128xf32> to vector<1000x128xf32>
    %add3A_9 = arith.addf %dot_general3A_5, %add3A : vector<1000x128xf32>
    %max3A = arith.constant 0.000000e+00 : f32
    %max3A_10 = vector.broadcast %max3A : f32 to vector<1000x128xf32>
    %max3A_11 = arith.maximumf %add3A_9, %max3A_10 : vector<1000x128xf32>
    %swap3A = arith.constant 0 : index
    %swap3A_12 = arith.constant 0 : index
    %swap3A_13 = vector.load %arg4[%swap3A, %swap3A_12] : memref<1000x128xf32, #tpu.memory_space<vmem>>, vector<1000x128xf32>
    tpu.vector_store %arg4[%swap3A, %swap3A_12], %max3A_11 {strides = array<i32>} : memref<1000x128xf32, #tpu.memory_space<vmem>>, vector<1000x128xf32>,
    return
  }
  func.func @transform_0(%arg0: i32) -> (i32, i32) {
    %c0_i32 = arith.constant 0 : i32
    %c0_i32_0 = arith.constant 0 : i32
    return %arg0, %c0_i32 : i32, i32
  }
  func.func @transform_1(%arg0: i32) -> (i32, i32) {
    %c0_i32 = arith.constant 0 : i32
    %c0_i32_0 = arith.constant 0 : i32
    %c0_i32_1 = arith.constant 0 : i32
    return %c0_i32, %c0_i32_0 : i32, i32
  }
  func.func @transform_2(%arg0: i32) -> (i32, i32) {
    %c0_i32 = arith.constant 0 : i32
    %c0_i32_0 = arith.constant 0 : i32
    %c0_i32_1 = arith.constant 0 : i32
    return %c0_i32, %c0_i32_0 : i32, i32
  }
  func.func @transform_3(%arg0: i32) -> (i32, i32) {
    %c0_i32 = arith.constant 0 : i32
    %c0_i32_0 = arith.constant 0 : i32
    return %arg0, %c0_i32 : i32, i32
  }
}

module attributes {stable_mosaic.version = 14 : i64} {
  func.func @_tc_comb_body(%arg0: i32, %arg1: memref<1000x128xf32, #tpu.memory_space<vmem>>, %arg2: memref<128x128xf32, #tpu.memory_space<vmem>>, %arg3: memref<1x128xf32, #tpu.memory_space<vmem>>, %arg4: memref<2x1000x128xf32, #tpu.memory_space<vmem>>, %arg5: memref<1x128xf32, #tpu.memory_space<vmem>>, %arg6: memref<1x128xf32, #tpu.memory_space<vmem>>, %arg7: memref<1x128xf32, #tpu.memory_space<vmem>>, %arg8: memref<1x1xf32, #tpu.memory_space<vmem>>, %arg9: memref<1000x1xf32, #tpu.memory_space<vmem>>) attributes {dimension_semantics = [#tpu.dimension_semantics<arbitrary>], iteration_bounds = array<i64: 10>, scalar_prefetch = 0 : i64, scratch_operands = 0 : i64, tpu.core_type = #tpu.core_type<tc>, window_params = [{transform_indices = @transform_0, window_bounds = array<i64: 1000, 128>}, {pipeline_mode = #tpu.pipeline_mode<synchronous>, transform_indices = @transform_1, window_bounds = array<i64: 128, 128>}, {pipeline_mode = #tpu.pipeline_mode<synchronous>, transform_indices = @transform_2, window_bounds = array<i64: 1, 128>}, {transform_indices = @transform_3, window_bounds = array<i64: 2, 1000, 128>}, {pipeline_mode = #tpu.pipeline_mode<synchronous>, transform_indices = @transform_4, window_bounds = array<i64: 1, 128>}, {pipeline_mode = #tpu.pipeline_mode<synchronous>, transform_indices = @transform_5, window_bounds = array<i64: 1, 128>}, {pipeline_mode = #tpu.pipeline_mode<synchronous>, transform_indices = @transform_6, window_bounds = array<i64: 1, 128>}, {pipeline_mode = #tpu.pipeline_mode<synchronous>, transform_indices = @transform_7, window_bounds = array<i64: 1, 1>}, {transform_indices = @transform_8, window_bounds = array<i64: 1000, 1>}]} {
    %get3A = arith.constant 0 : index
    %get3A_0 = arith.constant 0 : index
    %get3A_1 = vector.load %arg1[%get3A, %get3A_0] : memref<1000x128xf32, #tpu.memory_space<vmem>>, vector<1000x128xf32>
    %get3A_2 = arith.constant 0 : index
    %get3A_3 = arith.constant 0 : index
    %get3A_4 = vector.load %arg2[%get3A_2, %get3A_3] : memref<128x128xf32, #tpu.memory_space<vmem>>, vector<128x128xf32>
    %dot_general3A = arith.constant dense<0.000000e+00> : vector<1000x128xf32>
    %dot_general3A_5 = tpu.matmul %get3A_1, %get3A_4, %dot_general3A {dimension_numbers = #tpu.dot_dimension_numbers<[1], [0], [0], [1], [0, 0, 1, 1], [], []>, transpose_lhs_hint = false} : vector<1000x128xf32>, vector<128x128xf32>, vector<1000x128xf32> -> vector<1000x128xf32>
    %get3A_6 = arith.constant 0 : index
    %get3A_7 = arith.constant 0 : index
    %get3A_8 = vector.load %arg3[%get3A_6, %get3A_7] : memref<1x128xf32, #tpu.memory_space<vmem>>, vector<1x128xf32>
    %add3A = vector.broadcast %get3A_8 : vector<1x128xf32> to vector<1000x128xf32>
    %add3A_9 = arith.addf %dot_general3A_5, %add3A : vector<1000x128xf32>
    %get3A_10 = arith.constant 0 : index
    %get3A_11 = arith.constant 0 : index
    %get3A_12 = arith.constant 0 : index
    %get3A_13 = vector.load %arg4[%get3A_10, %get3A_11, %get3A_12] : memref<2x1000x128xf32, #tpu.memory_space<vmem>>, vector<1x1000x128xf32>
    %get3A_14 = vector.shape_cast %get3A_13 : vector<1x1000x128xf32> to vector<1000x128xf32>
    %add3A_15 = arith.addf %add3A_9, %get3A_14 : vector<1000x128xf32>
    %get3A_16 = arith.constant 1 : index
    %get3A_17 = arith.constant 0 : index
    %get3A_18 = arith.constant 0 : index
    %get3A_19 = vector.load %arg4[%get3A_16, %get3A_17, %get3A_18] : memref<2x1000x128xf32, #tpu.memory_space<vmem>>, vector<1x1000x128xf32>
    %get3A_20 = vector.shape_cast %get3A_19 : vector<1x1000x128xf32> to vector<1000x128xf32>
    %add3A_21 = arith.addf %add3A_15, %get3A_20 : vector<1000x128xf32>
    %sqrt3A = arith.constant 1.000010e+00 : f32
    %sqrt3A_22 = math.sqrt %sqrt3A : f32
    %div3A = arith.constant 1.000000e+00 : f32
    %div3A_23 = arith.divf %div3A, %sqrt3A_22 : f32
    %mul3A = vector.broadcast %div3A_23 : f32 to vector<1000x128xf32>
    %mul3A_24 = arith.mulf %add3A_21, %mul3A : vector<1000x128xf32>
    %get3A_25 = arith.constant 0 : index
    %get3A_26 = arith.constant 0 : index
    %get3A_27 = vector.load %arg5[%get3A_25, %get3A_26] : memref<1x128xf32, #tpu.memory_space<vmem>>, vector<1x128xf32>
    %mul3A_28 = vector.broadcast %get3A_27 : vector<1x128xf32> to vector<1000x128xf32>
    %mul3A_29 = arith.mulf %mul3A_24, %mul3A_28 : vector<1000x128xf32>
    %get3A_30 = arith.constant 0 : index
    %get3A_31 = arith.constant 0 : index
    %get3A_32 = vector.load %arg6[%get3A_30, %get3A_31] : memref<1x128xf32, #tpu.memory_space<vmem>>, vector<1x128xf32>
    %add3A_33 = vector.broadcast %get3A_32 : vector<1x128xf32> to vector<1000x128xf32>
    %add3A_34 = arith.addf %mul3A_29, %add3A_33 : vector<1000x128xf32>
    %max3A = arith.constant 0.000000e+00 : f32
    %max3A_35 = vector.broadcast %max3A : f32 to vector<1000x128xf32>
    %max3A_36 = arith.maximumf %add3A_34, %max3A_35 : vector<1000x128xf32>
    %get3A_37 = arith.constant 0 : index
    %get3A_38 = arith.constant 0 : index
    %get3A_39 = vector.load %arg7[%get3A_37, %get3A_38] : memref<1x128xf32, #tpu.memory_space<vmem>>, vector<1x128xf32>
    %mul3A_40 = vector.broadcast %get3A_39 : vector<1x128xf32> to vector<1000x128xf32>
    %mul3A_41 = arith.mulf %max3A_36, %mul3A_40 : vector<1000x128xf32>
    %reduce_sum3A = arith.constant dense<0.000000e+00> : vector<1000xf32>
    %reduce_sum3A_42 = vector.multi_reduction <add>, %mul3A_41, %reduce_sum3A [1] : vector<1000x128xf32> to vector<1000xf32>
    %broadcast_in_dim3A = vector.shape_cast %reduce_sum3A_42 : vector<1000xf32> to vector<1000x1xf32>
    %get3A_43 = arith.constant 0 : index
    %get3A_44 = arith.constant 0 : index
    %get3A_45 = vector.load %arg8[%get3A_43, %get3A_44] : memref<1x1xf32, #tpu.memory_space<vmem>>, vector<1x1xf32>
    %add3A_46 = vector.broadcast %get3A_45 : vector<1x1xf32> to vector<1000x1xf32>
    %add3A_47 = arith.addf %broadcast_in_dim3A, %add3A_46 : vector<1000x1xf32>
    %swap3A = arith.constant 0 : index
    %swap3A_48 = arith.constant 0 : index
    %swap3A_49 = vector.load %arg9[%swap3A, %swap3A_48] : memref<1000x1xf32, #tpu.memory_space<vmem>>, vector<1000x1xf32>
    tpu.vector_store %arg9[%swap3A, %swap3A_48], %add3A_47 {strides = array<i32>} : memref<1000x1xf32, #tpu.memory_space<vmem>>, vector<1000x1xf32>,
    return
  }
  func.func @transform_0(%arg0: i32) -> (i32, i32) {
    %c0_i32 = arith.constant 0 : i32
    %c0_i32_0 = arith.constant 0 : i32
    return %arg0, %c0_i32 : i32, i32
  }
  func.func @transform_1(%arg0: i32) -> (i32, i32) {
    %c0_i32 = arith.constant 0 : i32
    %c0_i32_0 = arith.constant 0 : i32
    %c0_i32_1 = arith.constant 0 : i32
    return %c0_i32, %c0_i32_0 : i32, i32
  }
  func.func @transform_2(%arg0: i32) -> (i32, i32) {
    %c0_i32 = arith.constant 0 : i32
    %c0_i32_0 = arith.constant 0 : i32
    %c0_i32_1 = arith.constant 0 : i32
    return %c0_i32, %c0_i32_0 : i32, i32
  }
  func.func @transform_3(%arg0: i32) -> (i32, i32, i32) {
    %c0_i32 = arith.constant 0 : i32
    %c0_i32_0 = arith.constant 0 : i32
    %c0_i32_1 = arith.constant 0 : i32
    return %c0_i32, %arg0, %c0_i32_0 : i32, i32, i32
  }
  func.func @transform_4(%arg0: i32) -> (i32, i32) {
    %c0_i32 = arith.constant 0 : i32
    %c0_i32_0 = arith.constant 0 : i32
    %c0_i32_1 = arith.constant 0 : i32
    return %c0_i32, %c0_i32_0 : i32, i32
  }
  func.func @transform_5(%arg0: i32) -> (i32, i32) {
    %c0_i32 = arith.constant 0 : i32
    %c0_i32_0 = arith.constant 0 : i32
    %c0_i32_1 = arith.constant 0 : i32
    return %c0_i32, %c0_i32_0 : i32, i32
  }
  func.func @transform_6(%arg0: i32) -> (i32, i32) {
    %c0_i32 = arith.constant 0 : i32
    %c0_i32_0 = arith.constant 0 : i32
    %c0_i32_1 = arith.constant 0 : i32
    return %c0_i32, %c0_i32_0 : i32, i32
  }
  func.func @transform_7(%arg0: i32) -> (i32, i32) {
    %c0_i32 = arith.constant 0 : i32
    %c0_i32_0 = arith.constant 0 : i32
    %c0_i32_1 = arith.constant 0 : i32
    return %c0_i32, %c0_i32_0 : i32, i32
  }
  func.func @transform_8(%arg0: i32) -> (i32, i32) {
    %c0_i32 = arith.constant 0 : i32
    %c0_i32_0 = arith.constant 0 : i32
    return %arg0, %c0_i32 : i32, i32
  }
}

</mosaic_0001>

<sc_bundles>
// kernel: kernel.11.cloned.1.call-start
scs
__scs_entry_jumppad:
0x0: {  	(pc) =	sbr.rel $0x88, $3  }
0x1: {  	(tag) =	ssettag $0x0;
	lr =	simm.s32 $0x1  }
0x2: {  	[smem:$0x3F90] =	sst lr;
	_ =	strace $0xD0000000  }
0x3: {  	_ = 	snop  }
0x4: {  	_ = 	snop  }
0x5: {  	_ = 	snop  }
0x6: {  	_ = 	snop  }
0x7: {  	_ = 	snop  }
__scs_overlays_trampoline_lowered:
0x8: {  	[smem:$0x3F9F] =	sst s0  }
0x9: {  	[smem:$0x3FA0] =	sst s1  }
0xa: {  	[smem:$0x3FA1] =	sst s2  }
0xb: {  	[smem:$0x3FA2] =	sst s3  }
0xc: {  	[smem:$0x3FA3] =	sst s4  }
0xd: {  	[smem:$0x3FA4] =	sst s5  }
0xe: {  	[smem:$0x3FA5] =	sst s6  }
0xf: {  	[smem:$0x3FA6] =	sst s7  }
0x10: {  	[smem:$0x3FA7] =	sst s8  }
0x11: {  	[smem:$0x3FA8] =	sst s9;
	s0 =	simm.s32 @!p0 $0x0  }
0x12: {  	s1 =	sld [smem:$0x3F8E];
	s0 =	simm.s32 @p0 $0x1  }
0x13: {  	[smem:$0x3FA9] =	sst s0;
	s0 =	simm.s32 @!p1 $0x0  }
0x14: {  	s2 =	sld [smem:$0x3F8D];
	s0 =	simm.s32 @p1 $0x1  }
0x15: {  	[smem:$0x3FAA] =	sst s0;
	s0 =	simm.s32 @!p2 $0x0  }
0x16: {  	s3 =	sld [smem:$0x3FDB];
	s0 =	simm.s32 @p2 $0x1  }
0x17: {  	s4 =	simm.s32 $0x1BF5;
	[smem:$0x3FAC] =	sst s0  }
0x18: {  	s0 =	sld [smem:$0x3F8F];
	_ =	swait.ge [sflag:s4], $0x0  }
0x19: {  	s7 =	sld [smem:$0x3F90]  }
0x1a: {  	s8 =	sadd.s32 $0xFFFFE003, lr  }
0x1b: {  	s9 =	sadd.s32 $0xFFFFFEF7, lr;
	s5 =	simm.s32 $0xFFFFFFFF;
	p2 =	slt.u32 s8, $0xFFFFF086  }
0x1c: {  	p1 =	slt.u32 s9, $0xF7A;
	s5 =	simm.s32 @!p2 $0x0  }
0x1d: {  	s5 =	simm.s32 @p1 $0x1;
	p0 =	seq.s32 s7, s2  }
0x1e: {  	s7 =	smul.u32 @!p0 $0xF7A, s2;
	p2 =	seq.s32 @!p0 s5, $0x0  }
0x1f: {  	s9 =	smul.u32 $0xF7A, s1;
	s8 =	simm.s32 @!p0 $0x1BF5;
	p2 =	por !p2, p0  }
0x20: {  	[sflag:s8] =	ssyncset.s32 @!p0 $0xFFFFF086;
	s6 =	sadd.s32 @!p0 s3, s7;
	s7 =	simm.s32 @!p0 $0x108  }
0x21: {  	s3 =	sadd.s32 s3, s9;
	s6 =	sadd.s32 @!p0 $0x88, s6;
	s7 =	simm.s32 @p2 $0x1082  }
0x22: {  	[simem:s7], [sflag:s8] =	dma.local @!p0 [hbm:s6], $0xF7A  }
0x23: {  	s9 =	sor.u32 $0xD0000000, s2;
	s6 =	simm.s32 $0x108;
	_ =	swait.ge @!p0 [sflag:s8], $0x0  }
0x24: {  	s3 =	sadd.s32 $0x88, s3;
	s6 =	simm.s32 @!p1 $0x1082;
	[sflag:s4] =	ssyncset.s32 $0xFFFFF086  }
0x25: {  	[simem:s6], [sflag:s4] =	dma.local [hbm:s3], $0xF7A  }
0x26: {  	[smem:$0x3F90] =	sst s1;
	(tag) =	ssettag s2;
	_ =	strace s9  }
0x27: {  	s1 =	sld [smem:$0x3FA0]  }
0x28: {  	s2 =	sld [smem:$0x3FA1]  }
0x29: {  	s4 =	sld [smem:$0x3FA3]  }
0x2a: {  	p0 =	seq.s32 s5, $0x0;
	s5 =	sld [smem:$0x3FA4]  }
0x2b: {  	s6 =	sld [smem:$0x3FA5]  }
0x2c: {  	s7 =	sld [smem:$0x3FA6]  }
0x2d: {  	s3 =	simm.s32 $0x108;
	s8 =	sld [smem:$0x3FA7]  }
0x2e: {  	s3 =	simm.s32 @!p0 $0x1082;
	s9 =	sld [smem:$0x3FA8]  }
0x2f: {  	lr =	sadd.s32 s0, s3;
	s0 =	sld [smem:$0x3F9F]  }
0x30: {  	s3 =	sld [smem:$0x3FA2]  }
0x31: {  	[smem:$0x3FAB] =	sst s10  }
0x32: {  	s10 =	sld [smem:$0x3FA9];
	_ =	sdelay $0x3  }
0x33: {  	p0 =	seq.s32 s10, $0x1;
	s10 =	sld [smem:$0x3FAB];
	_ =	sdelay $0x3  }
0x34: {  	[smem:$0x3FAB] =	sst s10  }
0x35: {  	s10 =	sld [smem:$0x3FAA];
	_ =	sdelay $0x3  }
0x36: {  	p1 =	seq.s32 s10, $0x1;
	s10 =	sld [smem:$0x3FAB];
	_ =	sdelay $0x3  }
0x37: {  	[smem:$0x3FAB] =	sst s10  }
0x38: {  	s10 =	sld [smem:$0x3FAC]  }
0x39: {  	_ = 	snop;
	(pc) =	sbr.ind lr, $3  }
0x3a: {  	_ = 	snop  }
0x3b: {  	_ = 	snop  }
0x3c: {  	p2 =	seq.s32 s10, $0x1;
	s10 =	sld [smem:$0x3FAB]  }
0x3d: {  	_ =	shalt  }
0x3e: {  	_ =	shalt  }
0x3f: {  	_ =	shalt  }
0x40: {  	_ =	shalt  }
0x41: {  	_ =	shalt  }
0x42: {  	_ =	shalt  }
0x43: {  	_ =	shalt  }
0x44: {  	_ =	shalt  }
0x45: {  	_ =	shalt  }
0x46: {  	_ =	shalt  }
0x47: {  	_ =	shalt  }
0x48: {  	_ =	shalt  }
0x49: {  	_ =	shalt  }
0x4a: {  	_ =	shalt  }
0x4b: {  	_ =	shalt  }
0x4c: {  	_ =	shalt  }
0x4d: {  	_ =	shalt  }
0x4e: {  	_ =	shalt  }
0x4f: {  	_ =	shalt  }
0x50: {  	_ =	shalt  }
0x51: {  	_ =	shalt  }
0x52: {  	_ =	shalt  }
0x53: {  	_ =	shalt  }
0x54: {  	_ =	shalt  }
0x55: {  	_ =	shalt  }
0x56: {  	_ =	shalt  }
0x57: {  	_ =	shalt  }
0x58: {  	_ =	shalt  }
0x59: {  	_ =	shalt  }
0x5a: {  	_ =	shalt  }
0x5b: {  	_ =	shalt  }
0x5c: {  	_ =	shalt  }
0x5d: {  	_ =	shalt  }
0x5e: {  	_ =	shalt  }
0x5f: {  	_ =	shalt  }
0x60: {  	_ =	shalt  }
0x61: {  	_ =	shalt  }
0x62: {  	_ =	shalt  }
0x63: {  	_ =	shalt  }
0x64: {  	_ =	shalt  }
0x65: {  	_ =	shalt  }
0x66: {  	_ =	shalt  }
0x67: {  	_ =	shalt  }
0x68: {  	_ =	shalt  }
0x69: {  	_ =	shalt  }
0x6a: {  	_ =	shalt  }
0x6b: {  	_ =	shalt  }
0x6c: {  	_ =	shalt  }
0x6d: {  	_ =	shalt  }
0x6e: {  	_ =	shalt  }
0x6f: {  	_ =	shalt  }
0x70: {  	_ =	shalt  }
0x71: {  	_ =	shalt  }
0x72: {  	_ =	shalt  }
0x73: {  	_ =	shalt  }
0x74: {  	_ =	shalt  }
0x75: {  	_ =	shalt  }
0x76: {  	_ =	shalt  }
0x77: {  	_ =	shalt  }
0x78: {  	_ =	shalt  }
0x79: {  	_ =	shalt  }
0x7a: {  	_ =	shalt  }
0x7b: {  	_ =	shalt  }
0x7c: {  	_ =	shalt  }
0x7d: {  	_ =	shalt  }
0x7e: {  	_ =	shalt  }
0x7f: {  	_ =	shalt  }
0x80: {  	_ =	shalt  }
0x81: {  	_ =	shalt  }
0x82: {  	_ =	shalt  }
0x83: {  	_ =	shalt  }
0x84: {  	_ =	shalt  }
0x85: {  	_ =	shalt  }
0x86: {  	_ =	shalt  }
0x87: {  	_ =	shalt  }
.Lfunc_end0:
.L_simem_size_0:
called_computation_lowered:
.L_overlay_start_0:
0x88: {  	s2 =	sld [smem:$0x3FD9]  }
0x89: {  	s3 =	sld [smem:$0x3FFE];
	_ =	sdelay $0x1  }
0x8a: {  	s1 =	srdreg.scid  }
0x8b: {  	s0 =	sand.u32 $0x1, s1  }
0x8c: {  	s17 =	sshll.u32 s0, $0xA;
	s2 =	sadd.s32 s3, s2  }
0x8d: {  	s2 =	sadd.s32 s2, s17  }
0x8e: {  	[smem:$0x3FB7] =	sst s2  }
0x8f: {  	_ = 	snop  }
0x90: {  	s2 =	sld [smem:$0x3FC7];
	(tm) =	ssettm $0x1  }
0x91: {  	s18 =	sld [smem:$0x3FFB];
	_ =	sdelay $0x3  }
0x92: {  	_ =	strace s18  }
0x93: {  	s3 =	sld [smem:$0x3FFC];
	_ =	sdelay $0x3  }
0x94: {  	_ =	strace s3  }
0x95: {  	s3 =	sld [smem:$0x3FFD];
	_ =	sdelay $0x3  }
0x96: {  	_ =	strace s3  }
0x97: {  	_ =	strace $0x8FFFFFFF  }
0x98: {  	s19 =	sld [smem:$0x3FDB];
	_ =	sdelay $0x1  }
0x99: {  	s4 =	simm.s32 $_scs_section_size  }
0x9a: {  	s5 =	simm.s32 $_size__tile_overlayer_lowered;
	s6 =	simm.s32 $_tile_overlayer_lowered  }
0x9b: {  	s22 =	simm.s32 $0x1BFF;
	s21 =	sshll.u32 s6, $0x1;
	s3 =	sadd.s32 s4, s19  }
0x9c: {  	s7 =	simm.s32 $0x0;
	s20 =	sshll.u32 s5, $0x1;
	s5 =	sadd.s32 s21, s3  }
0x9d: {  	[timem:s7], [sflag:s22] =	dma.local [hbm:s5], s20  }
0x9e: {  	_ =	swait.ge [sflag:s22], s20  }
0x9f: {  	s4 =	ssub.s32 $0x0, s20;
	[sflag:s22] =	ssyncset.done $0x0  }
0xa0: {  	[sflag:s22] =	ssyncadd.s32 s4;
	_ =	sdelay $0x1  }
0xa1: {  	s23 =	simm.s32 $0x1B8B  }
0xa2: {  	_ =	swait.ge [sflag:s23], $0x1  }
0xa3: {  	[sflag:s23] =	ssyncset.done $0x0  }
0xa4: {  	s25 =	simm.s32 $0x1B8E;
	s24 =	sld [smem:$0x3FFE];
	[sflag:s23] =	ssyncadd.s32 $0xFFFFFFFF  }
0xa5: {  	s26 =	simm.s32 $execute0_lowered;
	[smem:$0x3FD2] =	sst s25  }
0xa6: {  	s5 =	sshll.u32 s26, $0x1;
	_ =	strace $0x80000046;
	[dreg:$0x1] =	wrdreg $0xFFFFFFFF  }
0xa7: {  	s28 =	simm.s32 $_size_execute0_lowered;
	s3 =	sadd.s32 s3, s5;
	[dreg:$0x0] =	wrdreg $0x0  }
0xa8: {  	s5 =	sshll.u32 s28, $0x1;
	[dreg:$0x2] =	wrdreg s3  }
0xa9: {  	[dreg:$0x3] =	wrdreg s5  }
0xaa: {  	[dreg:$0x4] =	wrdreg $0xC0  }
0xab: {  	_ =	task [dreg:s7], $0x5FFFF  }
0xac: {  	[dreg:$0x1] =	wrdreg $0xFFFFFFFF  }
0xad: {  	[dreg:$0x0] =	wrdreg $0x60  }
0xae: {  	[dreg:$0x2] =	wrdreg s24  }
0xaf: {  	[dreg:$0x3] =	wrdreg s2  }
0xb0: {  	[dreg:$0x4] =	wrdreg $0x0  }
0xb1: {  	[dreg:$0x5] =	wrdreg $0x9  }
0xb2: {  	_ =	task.clear_ibuf [dreg:s7], $0x6FFFF;
	_ =	strace $0x90000046  }
0xb3: {  	s29 =	simm.s32 $0x9;
	_ =	strace $0x80000048  }
0xb4: {  	_ =	swait.ge [sflag:s29], $0x1  }
0xb5: {  	[sflag:s29] =	ssyncadd.s32 $0xFFFFFFFF  }
0xb6: {  	_ =	strace $0x90000048  }
0xb7: {  	_ =	sfence  }
0xb8: {  	s30 =	sld [smem:$0x0];
	_ =	sdelay $0x2  }
0xb9: {  	s31 =	sshll.u32 s1, $0xD;
	s1 =	sshrl.u32 s1, $0x2  }
0xba: {  	s3 =	sand.u32 $0x4000, s31;
	s1 =	sadd.s32 s1, s30  }
0xbb: {  	s0 =	sor.u32 s3, s0;
	s1 =	sshll.u32 s1, $0x11  }
0xbc: {  	s0 =	sor.u32 s1, s0  }
0xbd: {  	s0 =	sadd.s32 $0x8F2B, s0  }
0xbe: {  	[sflag:s0] =	ssyncadd.remote.s32 $0x1  }
0xbf: {  	_ =	sfence.sel $0xFFFF  }
0xc0: {  	[dreg:$0x0] =	wrdreg $0xFFFFFFFF;
	(pc) =	sbr.abs _section_cstart, $3  }
0xc1: {  	[dreg:$0x1] =	wrdreg $0xFFFFFFFF  }
0xc2: {  	_ =	task.clear_ibuf [dreg:s7], $0x2FFFF;
	_ =	strace $0x9FFFFFFF  }
0xc3: {  	(tm) =	ssettm $0x7FFFFFFF  }
tec
execute0_lowered:
.L_overlay_start_1:
0x0: {  	(tag) =	ssettag $0x1  }
0x1: {  	s5 =	rddreg [dreg:$0x0]  }
0x2: {  	s0 =	stileid.u32;
	s16 =	rddreg [dreg:$0x1]  }
0x3: {  	s1 =	srdreg.scid;
	s2 =	rddreg [dreg:$0x2]  }
0x4: {  	s3 =	simm.s32 $0x0;
	s21 =	simm.s32 $0x18790;
	s17 =	smul.u32 $0x9C4, s0  }
0x5: {  	s22 =	simm.s32 $0x50;
	s23 =	simm.s32 $0x187E0;
	s6 =	smul.u32 $0x186A, s0  }
0x6: {  	s24 =	simm.s32 $0x18830;
	s26 =	simm.s32 $0x0;
	s7 =	smul.u32 $0x61D00, s0  }
0x7: {  	s4 =	sand.u32 $0x1, s1;
	[smem:$0x7FF] =	sst s3;
	s13 =	smul.u32 $0x61A80, s0  }
0x8: {  	s18 =	smul.u32 $0x186A0, s4;
	_ =	strace $0x80000047;
	s8 =	ssub.s32 $0x2, s4  }
0x9: {  	s19 =	sadd.s32 s17, s5;
	s30 =	sshrl.u32 s7, $0x2;
	s31 =	sshrl.u32 s8, $0x1  }
0xa: {  	s20 =	sshrl.u32 s13, $0x2;
	s16 =	sadd.s32 s17, s16;
	s6 =	sadd.s32 s6, s18  }
0xb: {  	s4 =	sadd.s32 s30, s2;
	s15 =	ssub.s32 s8, s31;
	s25 =	sadd.s32 s20, s2  }
0xc: {  	s17 =	sadd.s32 $0xD000, s19;
	v0 =	vmov s18;
	s18 =	simm.s32 $0x18D30;
	s19 =	simm.s32 $0x1  }
0xd: {  	s20 =	simm.s32 $0x18740;
	s6 =	sshll.u32 s6, $0x1;
	s7 =	sadd.s32 $0x7560, s4  }
0xe: {  	s8 =	sadd.s32 $0x9C80, s4;
	s9 =	sadd.s32 $0xC3A0, s4;
	s10 =	sadd.s32 $0xEAC0, s4  }
0xf: {  	s11 =	sadd.s32 $0x111E0, s4;
	s12 =	sadd.s32 $0x13900, s4;
	s13 =	sadd.s32 $0x16020, s4  }
0x10: {  	vm0 =	vcmask $0x300;
	s15 =	smax.u32 s15, $0x1;
	v1 =	vsub.s32 $0x0, v0;
	v0 =	vimm.f32 $0.0e+00;
	s25 =	sshrl.u32 s25, $0x3;
	s14 =	sadd.s32 s6, s5  }
0x11: {  	s5 =	sadd.s32 $0x2720, s4;
	s6 =	sadd.s32 $0x4E40, s4;
	v1 =	vbroadcast v1, $0x0;
	v2 =	vsel vm0, $0x3F800000, v0;
	s14 =	sadd.s32 $0x16E00, s14  }
.LBB2_1:
0x12: {  	s28 =	simm.s32 $0x40;
	s29 =	simm.s32 $0x0  }
.LBB2_2:
0x13: {  	p0 =	sne.s32 s28, $0x9C40;
	[tilespmem:s29+$0x18D30] =	vst v0;
	s29 =	smov.u32 s28;
	s28 =	sadd.s32 $0x40, s28  }
.Ltmp0:
0x14: {  	(pc) =	sbr.rel @p0 .LBB2_2-.Ltmp0, $2  }
0x15: {  	_ =	sdelay $0x2  }
0x16: {  	s29 =	sshra.s32 s29, $0x2  }
0x17: {  	[tilespmem:s29+$0x18D30] =	vst v0  }
0x18: {  	[spmem:s4] =	stream.linear.scatter [tilespmem:s18], [sflag:$0x1], $0x2720, $0x38;
	[tilespmem:$0x1B450] =	vst v63  }
0x19: {  	_ =	swait.ge [sflag:s19], $0x2720  }
0x1a: {  	[sflag:s19] =	ssyncset.done $0x0  }
0x1b: {  	[sflag:s19] =	ssyncadd.s32 $0xFFFFD8E0  }
0x1c: {  	[spmem:s5] =	stream.linear.scatter [tilespmem:s18], [sflag:$0x1], $0x2720, $0x38;
	[tilespmem:$0x1B450] =	vst v63  }
0x1d: {  	_ =	swait.ge [sflag:s19], $0x2720  }
0x1e: {  	[sflag:s19] =	ssyncset.done $0x0  }
0x1f: {  	[sflag:s19] =	ssyncadd.s32 $0xFFFFD8E0  }
0x20: {  	[spmem:s6] =	stream.linear.scatter [tilespmem:s18], [sflag:$0x1], $0x2720, $0x38;
	[tilespmem:$0x1B450] =	vst v63  }
0x21: {  	_ =	swait.ge [sflag:s19], $0x2720  }
0x22: {  	[sflag:s19] =	ssyncset.done $0x0  }
0x23: {  	[sflag:s19] =	ssyncadd.s32 $0xFFFFD8E0  }
0x24: {  	[spmem:s7] =	stream.linear.scatter [tilespmem:s18], [sflag:$0x1], $0x2720, $0x38;
	[tilespmem:$0x1B450] =	vst v63  }
0x25: {  	_ =	swait.ge [sflag:s19], $0x2720  }
0x26: {  	[sflag:s19] =	ssyncset.done $0x0  }
0x27: {  	[sflag:s19] =	ssyncadd.s32 $0xFFFFD8E0  }
0x28: {  	[spmem:s8] =	stream.linear.scatter [tilespmem:s18], [sflag:$0x1], $0x2720, $0x38;
	[tilespmem:$0x1B450] =	vst v63  }
0x29: {  	_ =	swait.ge [sflag:s19], $0x2720  }
0x2a: {  	[sflag:s19] =	ssyncset.done $0x0  }
0x2b: {  	[sflag:s19] =	ssyncadd.s32 $0xFFFFD8E0  }
0x2c: {  	[spmem:s9] =	stream.linear.scatter [tilespmem:s18], [sflag:$0x1], $0x2720, $0x38;
	[tilespmem:$0x1B450] =	vst v63  }
0x2d: {  	_ =	swait.ge [sflag:s19], $0x2720  }
0x2e: {  	[sflag:s19] =	ssyncset.done $0x0  }
0x2f: {  	[sflag:s19] =	ssyncadd.s32 $0xFFFFD8E0  }
0x30: {  	[spmem:s10] =	stream.linear.scatter [tilespmem:s18], [sflag:$0x1], $0x2720, $0x38;
	[tilespmem:$0x1B450] =	vst v63  }
0x31: {  	_ =	swait.ge [sflag:s19], $0x2720  }
0x32: {  	[sflag:s19] =	ssyncset.done $0x0  }
0x33: {  	[sflag:s19] =	ssyncadd.s32 $0xFFFFD8E0  }
0x34: {  	[spmem:s11] =	stream.linear.scatter [tilespmem:s18], [sflag:$0x1], $0x2720, $0x38;
	[tilespmem:$0x1B450] =	vst v63  }
0x35: {  	_ =	swait.ge [sflag:s19], $0x2720  }
0x36: {  	[sflag:s19] =	ssyncset.done $0x0  }
0x37: {  	[sflag:s19] =	ssyncadd.s32 $0xFFFFD8E0  }
0x38: {  	[spmem:s12] =	stream.linear.scatter [tilespmem:s18], [sflag:$0x1], $0x2720, $0x38;
	[tilespmem:$0x1B450] =	vst v63  }
0x39: {  	_ =	swait.ge [sflag:s19], $0x2720  }
0x3a: {  	[sflag:s19] =	ssyncset.done $0x0  }
0x3b: {  	[sflag:s19] =	ssyncadd.s32 $0xFFFFD8E0  }
0x3c: {  	[spmem:s13] =	stream.linear.scatter [tilespmem:s18], [sflag:$0x1], $0x2720, $0x38;
	[tilespmem:$0x1B450] =	vst v63  }
0x3d: {  	_ =	swait.ge [sflag:s19], $0x2720  }
0x3e: {  	[sflag:s19] =	ssyncset.done $0x0  }
0x3f: {  	s28 =	simm.s32 $0x40;
	s29 =	simm.s32 $0x0;
	[sflag:s19] =	ssyncadd.s32 $0xFFFFD8E0  }
.LBB2_4:
0x40: {  	p0 =	sne.s32 s28, $0x13C0;
	[tilespmem:s29+$0x18830] =	vst v2;
	s29 =	smov.u32 s28;
	s28 =	sadd.s32 $0x40, s28  }
.Ltmp1:
0x41: {  	(pc) =	sbr.rel @p0 .LBB2_4-.Ltmp1, $2  }
0x42: {  	_ =	sdelay $0x2  }
0x43: {  	s29 =	sshra.s32 s29, $0x2  }
0x44: {  	[tilespmem:s29+$0x18830] =	vst v2  }
0x45: {  	s28 =	sadd.s32 $0x0, s17;
	[bflag:$0x0] =	sbarrier.arrive $0xFFFF  }
0x46: {  	[tilespmem:s20], [sflag:$0x1] =	stream.linear.gather [hbm4b:s28+s3], $0x50, $0x38;
	[tilespmem:$0x1B450] =	vst v63  }
0x47: {  	_ =	swait.ge [sflag:s19], $0x50  }
0x48: {  	[sflag:s19] =	ssyncset.done $0x0  }
0x49: {  	s28 =	sadd.s32 $0x0, s16;
	[sflag:s19] =	ssyncadd.s32 $0xFFFFFFB0  }
0x4a: {  	[tilespmem:s21], [sflag:$0x1] =	stream.linear.gather [hbm4b:s28+s3], $0x50, $0x38;
	[tilespmem:$0x1B450] =	vst v63  }
0x4b: {  	_ =	swait.ge [sflag:s19], $0x50  }
0x4c: {  	[sflag:s19] =	ssyncset.done $0x0  }
0x4d: {  	[sflag:s19] =	ssyncadd.s32 $0xFFFFFFB0  }
0x4e: {  	v3 =	vld [tilespmem:$0x187D0]  }
0x4f: {  	v4 =	vld [tilespmem:$0x18780]  }
0x50: {  	v5 =	vld [tilespmem:$0x187C0]  }
0x51: {  	v6 =	vld [tilespmem:$0x18790]  }
0x52: {  	v7 =	vld [tilespmem:$0x18770]  }
0x53: {  	v8 =	vld [tilespmem:$0x18740]  }
0x54: {  	v9 =	vld [tilespmem:$0x18760]  }
0x55: {  	v10 =	vld [tilespmem:$0x187B0];
	v4 =	vmul.u32 $0x14, v4  }
0x56: {  	v11 =	vld [tilespmem:$0x18750];
	v3 =	vadd.s32 v1, v3  }
0x57: {  	v7 =	vmul.u32 $0x14, v7;
	v3 =	vadd.s32 v4, v3;
	v4 =	vld [tilespmem:$0x187A0]  }
0x58: {  	v6 =	vadd.s32 v1, v6;
	v5 =	vadd.s32 v1, v5;
	v8 =	vmul.u32 $0x14, v8  }
0x59: {  	v9 =	vmul.u32 $0x14, v9;
	v5 =	vadd.s32 v7, v5;
	v3 =	vmin.u32 v3, $0x186A0  }
0x5a: {  	v62 =	vadd.s32 v1, v10;
	v5 =	vmin.u32 v5, $0x186A0;
	[tilespmem:$0x18820] =	vst v3;
	v3 =	vadd.s32 v8, v6  }
0x5b: {  	v63 =	vmul.u32 $0x14, v11;
	v6 =	vadd.s32 v9, v62;
	[tilespmem:$0x18810] =	vst v5;
	v3 =	vmin.u32 v3, $0x186A0  }
0x5c: {  	[tilespmem:$0x187E0] =	vst v3;
	v3 =	vadd.s32 v1, v4;
	v4 =	vmin.u32 v6, $0x186A0  }
0x5d: {  	s29 =	simm.s32 $0xA;
	s30 =	simm.s32 $0x1E;
	s28 =	simm.s32 $0x14;
	v3 =	vadd.s32 v63, v3;
	[tilespmem:$0x18800] =	vst v4  }
.LBB2_6:
0x5e: {  	p0 =	sne.s32 s30, $0x9BA;
	v3 =	vmin.u32 v3, $0x186A0;
	s31 =	smov.u32 s30;
	s30 =	sadd.s32 $0xA, s30  }
0x5f: {  	[tilespmem:$0x187F0] =	vst v3  }
0x60: {  	[spmem:s2] =	stream.indirect.scatter.add.f32 [tilespmem:s24], [sflag:$0x1], $0x10, s23, s22, $0xb8;
	[tilespmem:$0x1B450] =	vst v63  }
0x61: {  	_ =	swait.ge [sflag:s19], $0x500  }
0x62: {  	[sflag:s19] =	ssyncset.done $0x0  }
0x63: {  	s1 =	sadd.s32 s29, s17;
	[sflag:s19] =	ssyncadd.s32 $0xFFFFFB00  }
0x64: {  	[tilespmem:s20], [sflag:$0x1] =	stream.linear.gather [hbm4b:s1+s3], $0x50, $0x38;
	[tilespmem:$0x1B450] =	vst v63  }
0x65: {  	_ =	swait.ge [sflag:s19], $0x50  }
0x66: {  	[sflag:s19] =	ssyncset.done $0x0  }
0x67: {  	s1 =	sadd.s32 s29, s16;
	s29 =	smov.u32 s28;
	[sflag:s19] =	ssyncadd.s32 $0xFFFFFFB0  }
0x68: {  	[tilespmem:s21], [sflag:$0x1] =	stream.linear.gather [hbm4b:s1+s3], $0x50, $0x38;
	[tilespmem:$0x1B450] =	vst v63  }
0x69: {  	s28 =	smov.u32 s31;
	_ =	swait.ge [sflag:s19], $0x50  }
0x6a: {  	[sflag:s19] =	ssyncset.done $0x0  }
0x6b: {  	[sflag:s19] =	ssyncadd.s32 $0xFFFFFFB0  }
0x6c: {  	v3 =	vld [tilespmem:$0x187D0]  }
0x6d: {  	v4 =	vld [tilespmem:$0x18780]  }
0x6e: {  	v5 =	vld [tilespmem:$0x187C0]  }
0x6f: {  	v6 =	vld [tilespmem:$0x18790]  }
0x70: {  	v7 =	vld [tilespmem:$0x18770]  }
0x71: {  	v8 =	vld [tilespmem:$0x18740]  }
0x72: {  	v9 =	vld [tilespmem:$0x18760];
	v4 =	vmul.u32 $0x14, v4  }
0x73: {  	v3 =	vadd.s32 v1, v3;
	v10 =	vld [tilespmem:$0x187B0]  }
0x74: {  	v6 =	vadd.s32 v1, v6;
	v11 =	vld [tilespmem:$0x18750];
	v3 =	vadd.s32 v4, v3  }
0x75: {  	v5 =	vadd.s32 v1, v5;
	v4 =	vld [tilespmem:$0x187A0];
	v7 =	vmul.u32 $0x14, v7;
	v3 =	vmin.u32 v3, $0x186A0  }
0x76: {  	v8 =	vmul.u32 $0x14, v8;
	[tilespmem:$0x18820] =	vst v3  }
.Ltmp2:
0x77: {  	v3 =	vmul.u32 $0x14, v9;
	v5 =	vadd.s32 v7, v5;
	(pc) =	sbr.rel @p0 .LBB2_6-.Ltmp2, $4  }
0x78: {  	v6 =	vadd.s32 v8, v6;
	v7 =	vadd.s32 v1, v10;
	v5 =	vmin.u32 v5, $0x186A0  }
0x79: {  	v6 =	vmin.u32 v6, $0x186A0;
	v8 =	vmul.u32 $0x14, v11;
	v3 =	vadd.s32 v3, v7;
	[tilespmem:$0x18810] =	vst v5  }
0x7a: {  	[tilespmem:$0x187E0] =	vst v6;
	v4 =	vadd.s32 v1, v4;
	v5 =	vmin.u32 v3, $0x186A0  }
0x7b: {  	v3 =	vadd.s32 v8, v4;
	[tilespmem:$0x18800] =	vst v5  }
0x7c: {  	v3 =	vmin.u32 v3, $0x186A0  }
0x7d: {  	[tilespmem:$0x187F0] =	vst v3  }
0x7e: {  	[spmem:s2] =	stream.indirect.scatter.add.f32 [tilespmem:s24], [sflag:$0x1], $0x10, s23, s22, $0xb8;
	[tilespmem:$0x1B450] =	vst v63  }
0x7f: {  	_ =	swait.ge [sflag:s19], $0x500  }
0x80: {  	[sflag:s19] =	ssyncset.done $0x0  }
0x81: {  	s1 =	sadd.s32 s29, s17;
	[sflag:s19] =	ssyncadd.s32 $0xFFFFFB00  }
0x82: {  	[tilespmem:s20], [sflag:$0x1] =	stream.linear.gather [hbm4b:s1+s3], $0x50, $0x38;
	[tilespmem:$0x1B450] =	vst v63  }
0x83: {  	_ =	swait.ge [sflag:s19], $0x50  }
0x84: {  	[sflag:s19] =	ssyncset.done $0x0  }
0x85: {  	s31 =	sadd.s32 s29, s16;
	[sflag:s19] =	ssyncadd.s32 $0xFFFFFFB0  }
0x86: {  	[tilespmem:s21], [sflag:$0x1] =	stream.linear.gather [hbm4b:s31+s3], $0x50, $0x38;
	[tilespmem:$0x1B450] =	vst v63  }
0x87: {  	_ =	swait.ge [sflag:s19], $0x50  }
0x88: {  	[sflag:s19] =	ssyncset.done $0x0  }
0x89: {  	[sflag:s19] =	ssyncadd.s32 $0xFFFFFFB0  }
0x8a: {  	v3 =	vld [tilespmem:$0x187D0]  }
0x8b: {  	v4 =	vld [tilespmem:$0x18780]  }
0x8c: {  	v5 =	vld [tilespmem:$0x187C0]  }
0x8d: {  	v6 =	vld [tilespmem:$0x18790]  }
0x8e: {  	v7 =	vld [tilespmem:$0x18770]  }
0x8f: {  	v8 =	vld [tilespmem:$0x18740]  }
0x90: {  	v9 =	vld [tilespmem:$0x18760]  }
0x91: {  	v11 =	vld [tilespmem:$0x18750]  }
0x92: {  	v10 =	vld [tilespmem:$0x187B0]  }
0x93: {  	v12 =	vld [tilespmem:$0x187A0];
	v4 =	vmul.u32 $0x14, v4;
	v3 =	vadd.s32 v1, v3  }
0x94: {  	v43 =	vmul.u32 $0x14, v7;
	v44 =	vmul.u32 $0x14, v8;
	v6 =	vadd.s32 v1, v6  }
0x95: {  	v5 =	vadd.s32 v1, v5;
	v45 =	vmul.u32 $0x14, v9;
	v3 =	vadd.s32 v4, v3  }
0x96: {  	v47 =	vmul.u32 $0x14, v11;
	v4 =	vadd.s32 v43, v5;
	v3 =	vmin.u32 v3, $0x186A0  }
0x97: {  	v46 =	vadd.s32 v44, v6;
	v4 =	vmin.u32 v4, $0x186A0;
	[tilespmem:$0x18820] =	vst v3;
	v3 =	vadd.s32 v1, v10  }
0x98: {  	v48 =	vadd.s32 v1, v12;
	v5 =	vmin.u32 v46, $0x186A0;
	[tilespmem:$0x18810] =	vst v4;
	v3 =	vadd.s32 v45, v3  }
0x99: {  	[tilespmem:$0x187E0] =	vst v5;
	v4 =	vadd.s32 v47, v48;
	v3 =	vmin.u32 v3, $0x186A0  }
0x9a: {  	[tilespmem:$0x18800] =	vst v3;
	v3 =	vmin.u32 v4, $0x186A0  }
0x9b: {  	[tilespmem:$0x187F0] =	vst v3  }
0x9c: {  	[spmem:s2] =	stream.indirect.scatter.add.f32 [tilespmem:s24], [sflag:$0x1], $0x10, s23, s22, $0xb8;
	[tilespmem:$0x1B450] =	vst v63  }
0x9d: {  	_ =	swait.ge [sflag:s19], $0x500  }
0x9e: {  	[sflag:s19] =	ssyncset.done $0x0  }
0x9f: {  	s29 =	sadd.s32 s28, s17;
	[sflag:s19] =	ssyncadd.s32 $0xFFFFFB00  }
0xa0: {  	[tilespmem:s20], [sflag:$0x1] =	stream.linear.gather [hbm4b:s29+s3], $0x50, $0x38;
	[tilespmem:$0x1B450] =	vst v63  }
0xa1: {  	_ =	swait.ge [sflag:s19], $0x50  }
0xa2: {  	[sflag:s19] =	ssyncset.done $0x0  }
0xa3: {  	s30 =	sadd.s32 s28, s16;
	[sflag:s19] =	ssyncadd.s32 $0xFFFFFFB0  }
0xa4: {  	[tilespmem:s21], [sflag:$0x1] =	stream.linear.gather [hbm4b:s30+s3], $0x50, $0x38;
	[tilespmem:$0x1B450] =	vst v63  }
0xa5: {  	_ =	swait.ge [sflag:s19], $0x50  }
0xa6: {  	[sflag:s19] =	ssyncset.done $0x0  }
0xa7: {  	[sflag:s19] =	ssyncadd.s32 $0xFFFFFFB0  }
0xa8: {  	v3 =	vld [tilespmem:$0x187D0]  }
0xa9: {  	v49 =	vld [tilespmem:$0x18780]  }
0xaa: {  	v50 =	vld [tilespmem:$0x187C0]  }
0xab: {  	v51 =	vld [tilespmem:$0x18790]  }
0xac: {  	v52 =	vld [tilespmem:$0x18770]  }
0xad: {  	v53 =	vld [tilespmem:$0x18740]  }
0xae: {  	v54 =	vld [tilespmem:$0x18760]  }
0xaf: {  	v56 =	vld [tilespmem:$0x18750]  }
0xb0: {  	v55 =	vld [tilespmem:$0x187B0]  }
0xb1: {  	v57 =	vld [tilespmem:$0x187A0];
	v4 =	vmul.u32 $0x14, v49;
	v3 =	vadd.s32 v1, v3  }
0xb2: {  	v58 =	vmul.u32 $0x14, v52;
	v59 =	vmul.u32 $0x14, v53;
	v6 =	vadd.s32 v1, v51  }
0xb3: {  	v5 =	vadd.s32 v1, v50;
	v60 =	vmul.u32 $0x14, v54;
	v3 =	vadd.s32 v4, v3  }
0xb4: {  	v62 =	vmul.u32 $0x14, v56;
	v4 =	vadd.s32 v58, v5;
	v3 =	vmin.u32 v3, $0x186A0  }
0xb5: {  	v61 =	vadd.s32 v59, v6;
	v4 =	vmin.u32 v4, $0x186A0;
	[tilespmem:$0x18820] =	vst v3;
	v3 =	vadd.s32 v1, v55  }
0xb6: {  	v63 =	vadd.s32 v1, v57;
	v5 =	vmin.u32 v61, $0x186A0;
	[tilespmem:$0x18810] =	vst v4;
	v3 =	vadd.s32 v60, v3  }
0xb7: {  	[tilespmem:$0x187E0] =	vst v5;
	v4 =	vadd.s32 v62, v63;
	v3 =	vmin.u32 v3, $0x186A0  }
0xb8: {  	[tilespmem:$0x18800] =	vst v3;
	v3 =	vmin.u32 v4, $0x186A0  }
0xb9: {  	[tilespmem:$0x187F0] =	vst v3  }
0xba: {  	[spmem:s2] =	stream.indirect.scatter.add.f32 [tilespmem:s24], [sflag:$0x1], $0x10, s23, s22, $0xb8;
	[tilespmem:$0x1B450] =	vst v63  }
0xbb: {  	_ =	swait.ge [sflag:s19], $0x500  }
0xbc: {  	s26 =	sadd.s32 $0x1, s26;
	[sflag:s19] =	ssyncset.done $0x0  }
0xbd: {  	p0 =	sne.s32 s26, s15;
	s31 =	sshll.u32 s0, $0x6;
	[sflag:s19] =	ssyncadd.s32 $0xFFFFFB00  }
.Ltmp3:
0xbe: {  	s1 =	sor.u32 $0x1C01, s31;
	[bflag:$0x0] =	sbarrier.arrive $0xFFFF;
	(pc) =	sbr.rel @p0 .LBB2_1-.Ltmp3, $4  }
0xbf: {  	[hbm:s14], [sflag:s1] =	dma.local [spmem:s25], $0x30D4  }
0xc0: {  	_ =	swait.ge [sflag:s19], $0x30D4  }
0xc1: {  	[sflag:s19] =	ssyncset.done $0x0  }
0xc2: {  	[sflag:s19] =	ssyncadd.s32 $0xFFFFCF2C  }
0xc3: {  	_ =	sfence.sel $0x180000  }
0xc4: {  	[bflag:$0x0] =	sbarrier.arrive $0xFFFF  }
0xc5: {  	_ =	strace $0x90000047  }
0xc6: {  	[bflag:$0x2] =	sbarrier.arrive $0xFFFF  }
0xc7: {  	p0 =	sne.s32 s0, $0x0;
	s0 =	rddreg [dreg:$0x3]  }
0xc8: {  	s0 =	sadd.s32 @!p0 $0x100000, s0  }
0xc9: {  	[sflag:s0] =	ssyncadd.tile.s32 @!p0 $0x1;
	_ =	shalt  }
.Lfunc_end2:
_tile_overlayer_lowered:
.L_overlay_start_2:
0xca: {  	(tag) =	ssettag $0x2  }
0xcb: {  	s0 =	rddreg [dreg:$0x0];
	s2 =	stileid.u32  }
0xcc: {  	s1 =	rddreg [dreg:$0x1];
	p0 =	sne.s32 s2, $0x0  }
0xcd: {  	s3 =	rddreg [dreg:$0x2];
	[bflag:$0x3] =	sbarrier.arrive $0xFFFF;
	s2 =	simm.s32 @!p0 $0x1C01  }
0xce: {  	[timem:s3], [sflag:s2] =	dma.local @!p0 [hbm:s0], s1  }
0xcf: {  	s0 =	simm.s32 @!p0 $0x1  }
0xd0: {  	_ =	swait.ge @!p0 [sflag:s0], s1  }
0xd1: {  	s1 =	ssub.s32 @!p0 $0x0, s1;
	[sflag:s0] =	ssyncset.done @!p0 $0x0  }
0xd2: {  	[sflag:s0] =	ssyncadd.s32 @!p0 s1  }
0xd3: {  	[bflag:$0x3] =	sbarrier.arrive $0xFFFF  }
0xd4: {  	_ =	shalt  }

// kernel: kernel.14.cloned.1.call-start
scs
__scs_entry_jumppad:
0x0: {  	(pc) =	sbr.rel $0x88, $3  }
0x1: {  	(tag) =	ssettag $0x0;
	lr =	simm.s32 $0x1  }
0x2: {  	[smem:$0x3F90] =	sst lr;
	_ =	strace $0xD0000000  }
0x3: {  	_ = 	snop  }
0x4: {  	_ = 	snop  }
0x5: {  	_ = 	snop  }
0x6: {  	_ = 	snop  }
0x7: {  	_ = 	snop  }
__scs_overlays_trampoline_lowered:
0x8: {  	[smem:$0x3F9F] =	sst s0  }
0x9: {  	[smem:$0x3FA0] =	sst s1  }
0xa: {  	[smem:$0x3FA1] =	sst s2  }
0xb: {  	[smem:$0x3FA2] =	sst s3  }
0xc: {  	[smem:$0x3FA3] =	sst s4  }
0xd: {  	[smem:$0x3FA4] =	sst s5  }
0xe: {  	[smem:$0x3FA5] =	sst s6  }
0xf: {  	[smem:$0x3FA6] =	sst s7  }
0x10: {  	[smem:$0x3FA7] =	sst s8  }
0x11: {  	[smem:$0x3FA8] =	sst s9;
	s0 =	simm.s32 @!p0 $0x0  }
0x12: {  	s1 =	sld [smem:$0x3F8E];
	s0 =	simm.s32 @p0 $0x1  }
0x13: {  	[smem:$0x3FA9] =	sst s0;
	s0 =	simm.s32 @!p1 $0x0  }
0x14: {  	s2 =	sld [smem:$0x3F8D];
	s0 =	simm.s32 @p1 $0x1  }
0x15: {  	[smem:$0x3FAA] =	sst s0;
	s0 =	simm.s32 @!p2 $0x0  }
0x16: {  	s3 =	sld [smem:$0x3FDB];
	s0 =	simm.s32 @p2 $0x1  }
0x17: {  	s4 =	simm.s32 $0x1BF5;
	[smem:$0x3FAC] =	sst s0  }
0x18: {  	s0 =	sld [smem:$0x3F8F];
	_ =	swait.ge [sflag:s4], $0x0  }
0x19: {  	s7 =	sld [smem:$0x3F90]  }
0x1a: {  	s8 =	sadd.s32 $0xFFFFE003, lr  }
0x1b: {  	s9 =	sadd.s32 $0xFFFFFEF7, lr;
	s5 =	simm.s32 $0xFFFFFFFF;
	p2 =	slt.u32 s8, $0xFFFFF086  }
0x1c: {  	p1 =	slt.u32 s9, $0xF7A;
	s5 =	simm.s32 @!p2 $0x0  }
0x1d: {  	s5 =	simm.s32 @p1 $0x1;
	p0 =	seq.s32 s7, s2  }
0x1e: {  	s7 =	smul.u32 @!p0 $0xF7A, s2;
	p2 =	seq.s32 @!p0 s5, $0x0  }
0x1f: {  	s9 =	smul.u32 $0xF7A, s1;
	s8 =	simm.s32 @!p0 $0x1BF5;
	p2 =	por !p2, p0  }
0x20: {  	[sflag:s8] =	ssyncset.s32 @!p0 $0xFFFFF086;
	s6 =	sadd.s32 @!p0 s3, s7;
	s7 =	simm.s32 @!p0 $0x108  }
0x21: {  	s3 =	sadd.s32 s3, s9;
	s6 =	sadd.s32 @!p0 $0x88, s6;
	s7 =	simm.s32 @p2 $0x1082  }
0x22: {  	[simem:s7], [sflag:s8] =	dma.local @!p0 [hbm:s6], $0xF7A  }
0x23: {  	s9 =	sor.u32 $0xD0000000, s2;
	s6 =	simm.s32 $0x108;
	_ =	swait.ge @!p0 [sflag:s8], $0x0  }
0x24: {  	s3 =	sadd.s32 $0x88, s3;
	s6 =	simm.s32 @!p1 $0x1082;
	[sflag:s4] =	ssyncset.s32 $0xFFFFF086  }
0x25: {  	[simem:s6], [sflag:s4] =	dma.local [hbm:s3], $0xF7A  }
0x26: {  	[smem:$0x3F90] =	sst s1;
	(tag) =	ssettag s2;
	_ =	strace s9  }
0x27: {  	s1 =	sld [smem:$0x3FA0]  }
0x28: {  	s2 =	sld [smem:$0x3FA1]  }
0x29: {  	s4 =	sld [smem:$0x3FA3]  }
0x2a: {  	p0 =	seq.s32 s5, $0x0;
	s5 =	sld [smem:$0x3FA4]  }
0x2b: {  	s6 =	sld [smem:$0x3FA5]  }
0x2c: {  	s7 =	sld [smem:$0x3FA6]  }
0x2d: {  	s3 =	simm.s32 $0x108;
	s8 =	sld [smem:$0x3FA7]  }
0x2e: {  	s3 =	simm.s32 @!p0 $0x1082;
	s9 =	sld [smem:$0x3FA8]  }
0x2f: {  	lr =	sadd.s32 s0, s3;
	s0 =	sld [smem:$0x3F9F]  }
0x30: {  	s3 =	sld [smem:$0x3FA2]  }
0x31: {  	[smem:$0x3FAB] =	sst s10  }
0x32: {  	s10 =	sld [smem:$0x3FA9];
	_ =	sdelay $0x3  }
0x33: {  	p0 =	seq.s32 s10, $0x1;
	s10 =	sld [smem:$0x3FAB];
	_ =	sdelay $0x3  }
0x34: {  	[smem:$0x3FAB] =	sst s10  }
0x35: {  	s10 =	sld [smem:$0x3FAA];
	_ =	sdelay $0x3  }
0x36: {  	p1 =	seq.s32 s10, $0x1;
	s10 =	sld [smem:$0x3FAB];
	_ =	sdelay $0x3  }
0x37: {  	[smem:$0x3FAB] =	sst s10  }
0x38: {  	s10 =	sld [smem:$0x3FAC]  }
0x39: {  	_ = 	snop;
	(pc) =	sbr.ind lr, $3  }
0x3a: {  	_ = 	snop  }
0x3b: {  	_ = 	snop  }
0x3c: {  	p2 =	seq.s32 s10, $0x1;
	s10 =	sld [smem:$0x3FAB]  }
0x3d: {  	_ =	shalt  }
0x3e: {  	_ =	shalt  }
0x3f: {  	_ =	shalt  }
0x40: {  	_ =	shalt  }
0x41: {  	_ =	shalt  }
0x42: {  	_ =	shalt  }
0x43: {  	_ =	shalt  }
0x44: {  	_ =	shalt  }
0x45: {  	_ =	shalt  }
0x46: {  	_ =	shalt  }
0x47: {  	_ =	shalt  }
0x48: {  	_ =	shalt  }
0x49: {  	_ =	shalt  }
0x4a: {  	_ =	shalt  }
0x4b: {  	_ =	shalt  }
0x4c: {  	_ =	shalt  }
0x4d: {  	_ =	shalt  }
0x4e: {  	_ =	shalt  }
0x4f: {  	_ =	shalt  }
0x50: {  	_ =	shalt  }
0x51: {  	_ =	shalt  }
0x52: {  	_ =	shalt  }
0x53: {  	_ =	shalt  }
0x54: {  	_ =	shalt  }
0x55: {  	_ =	shalt  }
0x56: {  	_ =	shalt  }
0x57: {  	_ =	shalt  }
0x58: {  	_ =	shalt  }
0x59: {  	_ =	shalt  }
0x5a: {  	_ =	shalt  }
0x5b: {  	_ =	shalt  }
0x5c: {  	_ =	shalt  }
0x5d: {  	_ =	shalt  }
0x5e: {  	_ =	shalt  }
0x5f: {  	_ =	shalt  }
0x60: {  	_ =	shalt  }
0x61: {  	_ =	shalt  }
0x62: {  	_ =	shalt  }
0x63: {  	_ =	shalt  }
0x64: {  	_ =	shalt  }
0x65: {  	_ =	shalt  }
0x66: {  	_ =	shalt  }
0x67: {  	_ =	shalt  }
0x68: {  	_ =	shalt  }
0x69: {  	_ =	shalt  }
0x6a: {  	_ =	shalt  }
0x6b: {  	_ =	shalt  }
0x6c: {  	_ =	shalt  }
0x6d: {  	_ =	shalt  }
0x6e: {  	_ =	shalt  }
0x6f: {  	_ =	shalt  }
0x70: {  	_ =	shalt  }
0x71: {  	_ =	shalt  }
0x72: {  	_ =	shalt  }
0x73: {  	_ =	shalt  }
0x74: {  	_ =	shalt  }
0x75: {  	_ =	shalt  }
0x76: {  	_ =	shalt  }
0x77: {  	_ =	shalt  }
0x78: {  	_ =	shalt  }
0x79: {  	_ =	shalt  }
0x7a: {  	_ =	shalt  }
0x7b: {  	_ =	shalt  }
0x7c: {  	_ =	shalt  }
0x7d: {  	_ =	shalt  }
0x7e: {  	_ =	shalt  }
0x7f: {  	_ =	shalt  }
0x80: {  	_ =	shalt  }
0x81: {  	_ =	shalt  }
0x82: {  	_ =	shalt  }
0x83: {  	_ =	shalt  }
0x84: {  	_ =	shalt  }
0x85: {  	_ =	shalt  }
0x86: {  	_ =	shalt  }
0x87: {  	_ =	shalt  }
.Lfunc_end0:
.L_simem_size_0:
called_computation.1_lowered:
.L_overlay_start_0:
0x88: {  	s2 =	sld [smem:$0x3FD9]  }
0x89: {  	s3 =	sld [smem:$0x3FFE];
	_ =	sdelay $0x1  }
0x8a: {  	s1 =	srdreg.scid  }
0x8b: {  	s0 =	sand.u32 $0x1, s1  }
0x8c: {  	s17 =	sshll.u32 s0, $0xA;
	s2 =	sadd.s32 s3, s2  }
0x8d: {  	s2 =	sadd.s32 s2, s17  }
0x8e: {  	[smem:$0x3FB7] =	sst s2  }
0x8f: {  	_ = 	snop  }
0x90: {  	s2 =	sld [smem:$0x3FC7];
	(tm) =	ssettm $0x1  }
0x91: {  	s18 =	sld [smem:$0x3FFB];
	_ =	sdelay $0x3  }
0x92: {  	_ =	strace s18  }
0x93: {  	s3 =	sld [smem:$0x3FFC];
	_ =	sdelay $0x3  }
0x94: {  	_ =	strace s3  }
0x95: {  	s3 =	sld [smem:$0x3FFD];
	_ =	sdelay $0x3  }
0x96: {  	_ =	strace s3  }
0x97: {  	_ =	strace $0x8FFFFFFF  }
0x98: {  	s19 =	sld [smem:$0x3FDB];
	_ =	sdelay $0x1  }
0x99: {  	s4 =	simm.s32 $_scs_section_size  }
0x9a: {  	s5 =	simm.s32 $_size__tile_overlayer_lowered;
	s6 =	simm.s32 $_tile_overlayer_lowered  }
0x9b: {  	s22 =	simm.s32 $0x1BFF;
	s21 =	sshll.u32 s6, $0x1;
	s3 =	sadd.s32 s4, s19  }
0x9c: {  	s7 =	simm.s32 $0x0;
	s20 =	sshll.u32 s5, $0x1;
	s5 =	sadd.s32 s21, s3  }
0x9d: {  	[timem:s7], [sflag:s22] =	dma.local [hbm:s5], s20  }
0x9e: {  	_ =	swait.ge [sflag:s22], s20  }
0x9f: {  	s4 =	ssub.s32 $0x0, s20;
	[sflag:s22] =	ssyncset.done $0x0  }
0xa0: {  	[sflag:s22] =	ssyncadd.s32 s4;
	_ =	sdelay $0x1  }
0xa1: {  	s23 =	simm.s32 $0x1B8B  }
0xa2: {  	_ =	swait.ge [sflag:s23], $0x1  }
0xa3: {  	[sflag:s23] =	ssyncset.done $0x0  }
0xa4: {  	s25 =	simm.s32 $0x1B8E;
	s24 =	sld [smem:$0x3FFE];
	[sflag:s23] =	ssyncadd.s32 $0xFFFFFFFF  }
0xa5: {  	s26 =	simm.s32 $execute0_lowered;
	[smem:$0x3FD2] =	sst s25  }
0xa6: {  	s5 =	sshll.u32 s26, $0x1;
	_ =	strace $0x80000049;
	[dreg:$0x1] =	wrdreg $0xFFFFFFFF  }
0xa7: {  	s28 =	simm.s32 $_size_execute0_lowered;
	s3 =	sadd.s32 s3, s5;
	[dreg:$0x0] =	wrdreg $0x0  }
0xa8: {  	s5 =	sshll.u32 s28, $0x1;
	[dreg:$0x2] =	wrdreg s3  }
0xa9: {  	[dreg:$0x3] =	wrdreg s5  }
0xaa: {  	[dreg:$0x4] =	wrdreg $0xC0  }
0xab: {  	_ =	task [dreg:s7], $0x5FFFF  }
0xac: {  	[dreg:$0x1] =	wrdreg $0xFFFFFFFF  }
0xad: {  	[dreg:$0x0] =	wrdreg $0x60  }
0xae: {  	[dreg:$0x2] =	wrdreg s24  }
0xaf: {  	[dreg:$0x3] =	wrdreg s2  }
0xb0: {  	[dreg:$0x4] =	wrdreg $0x9  }
0xb1: {  	_ =	task.clear_ibuf [dreg:s7], $0x5FFFF;
	_ =	strace $0x90000049  }
0xb2: {  	s29 =	simm.s32 $0x9;
	_ =	strace $0x8000004B  }
0xb3: {  	_ =	swait.ge [sflag:s29], $0x1  }
0xb4: {  	[sflag:s29] =	ssyncadd.s32 $0xFFFFFFFF  }
0xb5: {  	_ =	strace $0x9000004B  }
0xb6: {  	_ =	sfence  }
0xb7: {  	s30 =	sld [smem:$0x0];
	_ =	sdelay $0x2  }
0xb8: {  	s31 =	sshll.u32 s1, $0xD;
	s1 =	sshrl.u32 s1, $0x2  }
0xb9: {  	s3 =	sand.u32 $0x4000, s31;
	s1 =	sadd.s32 s1, s30  }
0xba: {  	s0 =	sor.u32 s3, s0;
	s1 =	sshll.u32 s1, $0x11  }
0xbb: {  	s0 =	sor.u32 s1, s0  }
0xbc: {  	s0 =	sadd.s32 $0x8F2B, s0  }
0xbd: {  	[sflag:s0] =	ssyncadd.remote.s32 $0x1  }
0xbe: {  	_ =	sfence.sel $0xFFFF  }
0xbf: {  	[dreg:$0x0] =	wrdreg $0xFFFFFFFF;
	(pc) =	sbr.abs _section_cstart, $3  }
0xc0: {  	[dreg:$0x1] =	wrdreg $0xFFFFFFFF  }
0xc1: {  	_ =	task.clear_ibuf [dreg:s7], $0x2FFFF;
	_ =	strace $0x9FFFFFFF  }
0xc2: {  	(tm) =	ssettm $0x7FFFFFFF  }
0xc3: {  	_ =	shalt  }
tec
execute0_lowered:
.L_overlay_start_1:
0x0: {  	(tag) =	ssettag $0x1  }
0x1: {  	s1 =	srdreg.scid  }
0x2: {  	s0 =	stileid.u32;
	s3 =	rddreg [dreg:$0x0]  }
0x3: {  	s8 =	rddreg [dreg:$0x1];
	s2 =	simm.s32 $0x0;
	s11 =	simm.s32 $0x50  }
0x4: {  	s12 =	simm.s32 $0xA0;
	s13 =	simm.s32 $0xF0;
	s14 =	simm.s32 $0x1E0  }
0x5: {  	s15 =	simm.s32 $0x1;
	s4 =	sand.u32 $0x1, s1;
	s5 =	smul.u32 $0x4E20, s0  }
0x6: {  	s16 =	simm.s32 $0x190;
	s17 =	simm.s32 $0x140;
	s6 =	smul.u32 $0x2710, s4  }
0x7: {  	s18 =	simm.s32 $0x0;
	s1 =	rddreg [dreg:$0x2];
	s4 =	ssub.s32 $0x2, s4  }
0x8: {  	v0 =	vlaneseq.u32;
	[smem:$0x7FF] =	sst s2;
	s31 =	sshrl.u32 s4, $0x1;
	s5 =	sadd.s32 s6, s5  }
0x9: {  	v0 =	vmul.u32 $0x10, v0;
	_ =	strace $0x8000004A;
	s4 =	ssub.s32 s4, s31;
	s9 =	sshrl.u32 s5, $0x3  }
0xa: {  	s4 =	smax.u32 s4, $0x1;
	s10 =	sadd.s32 s9, s3;
	s3 =	sadd.s32 $0x16E00, s3  }
0xb: {  	v1 =	vor.u32 $0x100, v0;
	s8 =	sadd.s32 s9, s8;
	s5 =	sadd.s32 $0x82800, s10;
	s6 =	sadd.s32 $0x78A00, s10  }
0xc: {  	v2 =	vor.u32 $0x200, v0;
	v3 =	vor.u32 $0x300, v0;
	v4 =	vor.u32 $0x400, v0;
	s7 =	sadd.s32 $0x3200, s10;
	s9 =	sadd.s32 $0xD000, s10;
	s10 =	simm.s32 $0x2  }
.LBB2_1:
0xd: {  	s19 =	sadd.s32 $0x0, s9  }
0xe: {  	[tilespmem:s2], [sflag:$0x2] =	stream.linear.gather [hbm4b:s19+s2], $0x50, $0x38;
	[tilespmem:$0x6E0] =	vst v63  }
0xf: {  	_ =	swait.ge [sflag:s10], $0x50  }
0x10: {  	[sflag:s10] =	ssyncset.done $0x0  }
0x11: {  	s30 =	sadd.s32 $0x0, s8;
	[sflag:s10] =	ssyncadd.s32 $0xFFFFFFB0  }
0x12: {  	[tilespmem:s11], [sflag:$0x2] =	stream.linear.gather [hbm4b:s30+s2], $0x50, $0x38;
	[tilespmem:$0x6E0] =	vst v63  }
0x13: {  	_ =	swait.ge [sflag:s10], $0x50  }
0x14: {  	[sflag:s10] =	ssyncset.done $0x0  }
0x15: {  	s31 =	sadd.s32 $0x0, s7;
	[sflag:s10] =	ssyncadd.s32 $0xFFFFFFB0  }
0x16: {  	[tilespmem:s12], [sflag:$0x2] =	stream.linear.gather [hbm4b:s31+s2], $0x50, $0x38;
	[tilespmem:$0x6E0] =	vst v63  }
0x17: {  	_ =	swait.ge [sflag:s10], $0x50  }
0x18: {  	[sflag:s10] =	ssyncset.done $0x0  }
0x19: {  	[sflag:s10] =	ssyncadd.s32 $0xFFFFFFB0  }
0x1a: {  	v5 =	vld [tilespmem:$0xC0]  }
0x1b: {  	v6 =	vld [tilespmem:$0xA0]  }
0x1c: {  	v7 =	vld [tilespmem:$0x70]  }
0x1d: {  	v8 =	vld [tilespmem:$0xB0]  }
0x1e: {  	v9 =	vld [tilespmem:$0x20]  }
0x1f: {  	v10 =	vld [tilespmem:$0x60]  }
0x20: {  	v11 =	vld [tilespmem:$0x30]  }
0x21: {  	v12 =	vld [tilespmem:$0x50]  }
0x22: {  	v13 =	vld [tilespmem:$0x80]  }
0x23: {  	v14 =	vld [tilespmem:$0x0];
	v9 =	vmul.u32 $0x14, v9  }
0x24: {  	v17 =	vld [tilespmem:$0x10];
	v16 =	vmul.u32 $0x2710, v10  }
0x25: {  	v15 =	vld [tilespmem:$0xD0];
	v18 =	vmul.u32 $0x2710, v7;
	v7 =	vadd.s32 v7, v9  }
0x26: {  	v57 =	vld [tilespmem:$0x40];
	v56 =	vmul.u32 $0x14, v11;
	v8 =	vadd.s32 v8, v16;
	[tilespmem:$0x110] =	vst v7  }
0x27: {  	v58 =	vmul.u32 $0x2710, v12;
	v5 =	vadd.s32 v5, v18;
	v7 =	vld [tilespmem:$0x90];
	[tilespmem:$0x150] =	vst v8  }
0x28: {  	v60 =	vmul.u32 $0x14, v14;
	v59 =	vadd.s32 v13, v56;
	[tilespmem:$0x160] =	vst v5  }
0x29: {  	v61 =	vmul.u32 $0x14, v17;
	v6 =	vadd.s32 v6, v58;
	v5 =	vld [tilespmem:$0xE0];
	[tilespmem:$0x120] =	vst v59  }
0x2a: {  	v13 =	vmul.u32 $0x2710, v13;
	v9 =	vadd.s32 v12, v60;
	[tilespmem:$0x140] =	vst v6  }
0x2b: {  	v63 =	vmul.u32 $0x14, v57;
	[tilespmem:$0xF0] =	vst v9;
	v8 =	vadd.s32 v10, v61  }
0x2c: {  	v6 =	vadd.s32 v15, v13;
	[tilespmem:$0x100] =	vst v8;
	v62 =	vmul.u32 $0x2710, v7  }
0x2d: {  	[tilespmem:$0x170] =	vst v6;
	v6 =	vadd.s32 v7, v63  }
0x2e: {  	[tilespmem:$0x130] =	vst v6;
	v5 =	vadd.s32 v5, v62  }
0x2f: {  	[tilespmem:$0x180] =	vst v5  }
0x30: {  	[tilespmem:s14], [sflag:$0x1] =	stream.indirect.gather [hbm4b:s3+s11], $0x10, s13, s11, $0xb8;
	[tilespmem:$0x6E0] =	vst v63  }
0x31: {  	_ =	swait.ge [sflag:s15], $0x500  }
0x32: {  	[sflag:s15] =	ssyncset.done $0x0  }
0x33: {  	[sflag:s15] =	ssyncadd.s32 $0xFFFFFB00  }
0x34: {  	v5 =	vld.idx.msk [tilespmem:v0+s14+$0x0], $0xffff;
	_ =	sdelay $0x4  }
0x35: {  	v5 =	vmax.f32 v5, $1.000000000e+00  }
0x36: {  	(erf) = vrcp.f32 v5;
	_ =	sdelay $0x8  }
0x37: {  	v5 =	vpop (erf)  }
0x38: {  	[tilespmem:$0x190] =	vst v5  }
0x39: {  	v5 =	vld.idx.msk [tilespmem:v1+s14+$0x0], $0xffff;
	_ =	sdelay $0x4  }
0x3a: {  	v5 =	vmax.f32 v5, $1.000000000e+00  }
0x3b: {  	(erf) = vrcp.f32 v5;
	_ =	sdelay $0x8  }
0x3c: {  	v5 =	vpop (erf)  }
0x3d: {  	[tilespmem:$0x1A0] =	vst v5  }
0x3e: {  	v5 =	vld.idx.msk [tilespmem:v2+s14+$0x0], $0xffff;
	_ =	sdelay $0x4  }
0x3f: {  	v5 =	vmax.f32 v5, $1.000000000e+00  }
0x40: {  	(erf) = vrcp.f32 v5;
	_ =	sdelay $0x8  }
0x41: {  	v5 =	vpop (erf)  }
0x42: {  	[tilespmem:$0x1B0] =	vst v5  }
0x43: {  	v5 =	vld.idx.msk [tilespmem:v3+s14+$0x0], $0xffff;
	_ =	sdelay $0x4  }
0x44: {  	v5 =	vmax.f32 v5, $1.000000000e+00  }
0x45: {  	(erf) = vrcp.f32 v5;
	_ =	sdelay $0x8  }
0x46: {  	v5 =	vpop (erf)  }
0x47: {  	[tilespmem:$0x1C0] =	vst v5  }
0x48: {  	s20 =	simm.s32 $0xA;
	s19 =	simm.s32 $0x0;
	v5 =	vld.idx.msk [tilespmem:v4+s14+$0x0], $0xffff  }
.LBB2_2:
0x49: {  	_ =	sdelay $0x2  }
0x4a: {  	p0 =	sne.s32 s20, $0x4D8;
	s21 =	smov.u32 s20;
	s20 =	sadd.s32 $0xA, s20  }
0x4b: {  	v5 =	vmax.f32 v5, $1.000000000e+00  }
0x4c: {  	(erf) = vrcp.f32 v5;
	_ =	sdelay $0x8  }
0x4d: {  	v5 =	vpop (erf)  }
0x4e: {  	s22 =	sadd.s32 s19, s6;
	[tilespmem:$0x1D0] =	vst v5  }
0x4f: {  	[hbm4b:s22+s2] =	stream.linear.scatter [tilespmem:s16], [sflag:$0x2], $0x50, $0x38;
	[tilespmem:$0x6E0] =	vst v63  }
0x50: {  	_ =	swait.ge [sflag:s10], $0x50  }
0x51: {  	[sflag:s10] =	ssyncset.done $0x0  }
0x52: {  	s22 =	sadd.s32 s19, s5;
	s19 =	smov.u32 s21;
	[sflag:s10] =	ssyncadd.s32 $0xFFFFFFB0  }
0x53: {  	[hbm4b:s22+s2] =	stream.linear.scatter [tilespmem:s17], [sflag:$0x2], $0x50, $0x38;
	[tilespmem:$0x6E0] =	vst v63  }
0x54: {  	_ =	swait.ge [sflag:s10], $0x50  }
0x55: {  	[sflag:s10] =	ssyncset.done $0x0  }
0x56: {  	s21 =	sadd.s32 s19, s9;
	[sflag:s10] =	ssyncadd.s32 $0xFFFFFFB0  }
0x57: {  	[tilespmem:s2], [sflag:$0x2] =	stream.linear.gather [hbm4b:s21+s2], $0x50, $0x38;
	[tilespmem:$0x6E0] =	vst v63  }
0x58: {  	_ =	swait.ge [sflag:s10], $0x50  }
0x59: {  	[sflag:s10] =	ssyncset.done $0x0  }
0x5a: {  	s21 =	sadd.s32 s19, s8;
	[sflag:s10] =	ssyncadd.s32 $0xFFFFFFB0  }
0x5b: {  	[tilespmem:s11], [sflag:$0x2] =	stream.linear.gather [hbm4b:s21+s2], $0x50, $0x38;
	[tilespmem:$0x6E0] =	vst v63  }
0x5c: {  	_ =	swait.ge [sflag:s10], $0x50  }
0x5d: {  	[sflag:s10] =	ssyncset.done $0x0  }
0x5e: {  	s21 =	sadd.s32 s19, s7;
	[sflag:s10] =	ssyncadd.s32 $0xFFFFFFB0  }
0x5f: {  	[tilespmem:s12], [sflag:$0x2] =	stream.linear.gather [hbm4b:s21+s2], $0x50, $0x38;
	[tilespmem:$0x6E0] =	vst v63  }
0x60: {  	_ =	swait.ge [sflag:s10], $0x50  }
0x61: {  	[sflag:s10] =	ssyncset.done $0x0  }
0x62: {  	[sflag:s10] =	ssyncadd.s32 $0xFFFFFFB0  }
0x63: {  	v5 =	vld [tilespmem:$0xC0]  }
0x64: {  	v6 =	vld [tilespmem:$0xA0]  }
0x65: {  	v7 =	vld [tilespmem:$0xD0]  }
0x66: {  	v8 =	vld [tilespmem:$0x70]  }
0x67: {  	v9 =	vld [tilespmem:$0xB0]  }
0x68: {  	v10 =	vld [tilespmem:$0x20]  }
0x69: {  	v11 =	vld [tilespmem:$0x60]  }
0x6a: {  	v12 =	vld [tilespmem:$0x10]  }
0x6b: {  	v13 =	vld [tilespmem:$0x30]  }
0x6c: {  	v14 =	vld [tilespmem:$0x50]  }
0x6d: {  	v15 =	vld [tilespmem:$0x80]  }
0x6e: {  	v10 =	vmul.u32 $0x14, v10;
	v16 =	vld [tilespmem:$0x0];
	v17 =	vmul.u32 $0x2710, v11  }
0x6f: {  	v18 =	vmul.u32 $0x2710, v8;
	v12 =	vmul.u32 $0x14, v12;
	v19 =	vld [tilespmem:$0x40]  }
0x70: {  	v8 =	vadd.s32 v8, v10;
	v9 =	vadd.s32 v9, v17;
	v10 =	vmul.u32 $0x14, v13  }
0x71: {  	v5 =	vadd.s32 v5, v18;
	v13 =	vmul.u32 $0x2710, v14;
	[tilespmem:$0x110] =	vst v8;
	v8 =	vld [tilespmem:$0x90]  }
0x72: {  	v11 =	vadd.s32 v11, v12;
	[tilespmem:$0x150] =	vst v9;
	v9 =	vadd.s32 v15, v10;
	v10 =	vmul.u32 $0x2710, v15  }
0x73: {  	v12 =	vmul.u32 $0x14, v16;
	v6 =	vadd.s32 v6, v13;
	[tilespmem:$0x160] =	vst v5;
	v5 =	vld [tilespmem:$0xE0]  }
0x74: {  	[tilespmem:$0x120] =	vst v9;
	v7 =	vadd.s32 v7, v10;
	v9 =	vmul.u32 $0x14, v19  }
0x75: {  	v10 =	vadd.s32 v14, v12;
	[tilespmem:$0x140] =	vst v6  }
0x76: {  	[tilespmem:$0xF0] =	vst v10;
	v6 =	vadd.s32 v8, v9;
	v8 =	vmul.u32 $0x2710, v8  }
0x77: {  	[tilespmem:$0x170] =	vst v7  }
0x78: {  	[tilespmem:$0x100] =	vst v11;
	v5 =	vadd.s32 v5, v8  }
0x79: {  	[tilespmem:$0x180] =	vst v5  }
0x7a: {  	[tilespmem:$0x130] =	vst v6  }
0x7b: {  	[tilespmem:s14], [sflag:$0x1] =	stream.indirect.gather [hbm4b:s3+s11], $0x10, s13, s11, $0xb8;
	[tilespmem:$0x6E0] =	vst v63  }
0x7c: {  	_ =	swait.ge [sflag:s15], $0x500  }
0x7d: {  	[sflag:s15] =	ssyncset.done $0x0  }
0x7e: {  	[sflag:s15] =	ssyncadd.s32 $0xFFFFFB00  }
0x7f: {  	v5 =	vld.idx.msk [tilespmem:v0+s14+$0x0], $0xffff;
	_ =	sdelay $0x5  }
0x80: {  	v5 =	vmax.f32 v5, $1.000000000e+00  }
0x81: {  	(erf) = vrcp.f32 v5;
	_ =	sdelay $0x8  }
0x82: {  	v5 =	vpop (erf)  }
0x83: {  	[tilespmem:$0x190] =	vst v5  }
0x84: {  	v5 =	vld.idx.msk [tilespmem:v1+s14+$0x0], $0xffff;
	_ =	sdelay $0x5  }
0x85: {  	v5 =	vmax.f32 v5, $1.000000000e+00  }
0x86: {  	(erf) = vrcp.f32 v5;
	_ =	sdelay $0x8  }
0x87: {  	v5 =	vpop (erf)  }
0x88: {  	[tilespmem:$0x1A0] =	vst v5  }
0x89: {  	v5 =	vld.idx.msk [tilespmem:v2+s14+$0x0], $0xffff;
	_ =	sdelay $0x5  }
0x8a: {  	v5 =	vmax.f32 v5, $1.000000000e+00  }
0x8b: {  	(erf) = vrcp.f32 v5;
	_ =	sdelay $0x8  }
0x8c: {  	v5 =	vpop (erf)  }
0x8d: {  	[tilespmem:$0x1B0] =	vst v5  }
0x8e: {  	v5 =	vld.idx.msk [tilespmem:v3+s14+$0x0], $0xffff;
	_ =	sdelay $0x5  }
0x8f: {  	v5 =	vmax.f32 v5, $1.000000000e+00  }
0x90: {  	(erf) = vrcp.f32 v5;
	_ =	sdelay $0x6  }
.Ltmp0:
0x91: {  	(pc) =	sbr.rel @p0 .LBB2_2-.Ltmp0, $4  }
0x92: {  	_ = 	snop  }
0x93: {  	v5 =	vpop (erf)  }
0x94: {  	[tilespmem:$0x1C0] =	vst v5  }
0x95: {  	v5 =	vld.idx.msk [tilespmem:v4+s14+$0x0], $0xffff  }
0x96: {  	_ =	sdelay $0x3  }
0x97: {  	v5 =	vmax.f32 v5, $1.000000000e+00  }
0x98: {  	(erf) = vrcp.f32 v5;
	_ =	sdelay $0x8  }
0x99: {  	v5 =	vpop (erf)  }
0x9a: {  	s20 =	sadd.s32 s19, s6;
	[tilespmem:$0x1D0] =	vst v5  }
0x9b: {  	[hbm4b:s20+s2] =	stream.linear.scatter [tilespmem:s16], [sflag:$0x2], $0x50, $0x38;
	[tilespmem:$0x6E0] =	vst v63  }
0x9c: {  	s18 =	sadd.s32 $0x1, s18;
	_ =	swait.ge [sflag:s10], $0x50  }
0x9d: {  	p0 =	sne.s32 s18, s4;
	[sflag:s10] =	ssyncset.done $0x0  }
.Ltmp1:
0x9e: {  	s31 =	sadd.s32 s19, s5;
	[sflag:s10] =	ssyncadd.s32 $0xFFFFFFB0;
	(pc) =	sbr.rel @p0 .LBB2_1-.Ltmp1, $4  }
0x9f: {  	[hbm4b:s31+s2] =	stream.linear.scatter [tilespmem:s17], [sflag:$0x2], $0x50, $0x38;
	[tilespmem:$0x6E0] =	vst v63  }
0xa0: {  	_ =	swait.ge [sflag:s10], $0x50  }
0xa1: {  	[sflag:s10] =	ssyncset.done $0x0  }
0xa2: {  	[sflag:s10] =	ssyncadd.s32 $0xFFFFFFB0  }
0xa3: {  	_ =	sfence.sel $0x180000  }
0xa4: {  	[bflag:$0x0] =	sbarrier.arrive $0xFFFF  }
0xa5: {  	p0 =	sne.s32 s0, $0x0;
	_ =	strace $0x9000004A  }
0xa6: {  	s0 =	sadd.s32 @!p0 $0x100000, s1;
	[bflag:$0x2] =	sbarrier.arrive $0xFFFF  }
0xa7: {  	[sflag:s0] =	ssyncadd.tile.s32 @!p0 $0x1;
	_ =	shalt  }
.Lfunc_end2:
_tile_overlayer_lowered:
.L_overlay_start_2:
0xa8: {  	(tag) =	ssettag $0x2  }
0xa9: {  	s0 =	rddreg [dreg:$0x0];
	s2 =	stileid.u32  }
0xaa: {  	s1 =	rddreg [dreg:$0x1];
	p0 =	sne.s32 s2, $0x0  }
0xab: {  	s3 =	rddreg [dreg:$0x2];
	[bflag:$0x3] =	sbarrier.arrive $0xFFFF;
	s2 =	simm.s32 @!p0 $0x1C02  }
0xac: {  	[timem:s3], [sflag:s2] =	dma.local @!p0 [hbm:s0], s1  }
0xad: {  	s0 =	simm.s32 @!p0 $0x2  }
0xae: {  	_ =	swait.ge @!p0 [sflag:s0], s1  }
0xaf: {  	s1 =	ssub.s32 @!p0 $0x0, s1;
	[sflag:s0] =	ssyncset.done @!p0 $0x0  }
0xb0: {  	[sflag:s0] =	ssyncadd.s32 @!p0 s1  }
0xb1: {  	[bflag:$0x3] =	sbarrier.arrive $0xFFFF  }
0xb2: {  	_ =	shalt  }

// kernel: kernel.17.cloned.1.call-start
scs
__scs_entry_jumppad:
0x0: {  	(pc) =	sbr.rel $0x88, $3  }
0x1: {  	(tag) =	ssettag $0x0;
	lr =	simm.s32 $0x1  }
0x2: {  	[smem:$0x3F90] =	sst lr;
	_ =	strace $0xD0000000  }
0x3: {  	_ = 	snop  }
0x4: {  	_ = 	snop  }
0x5: {  	_ = 	snop  }
0x6: {  	_ = 	snop  }
0x7: {  	_ = 	snop  }
__scs_overlays_trampoline_lowered:
0x8: {  	[smem:$0x3F9F] =	sst s0  }
0x9: {  	[smem:$0x3FA0] =	sst s1  }
0xa: {  	[smem:$0x3FA1] =	sst s2  }
0xb: {  	[smem:$0x3FA2] =	sst s3  }
0xc: {  	[smem:$0x3FA3] =	sst s4  }
0xd: {  	[smem:$0x3FA4] =	sst s5  }
0xe: {  	[smem:$0x3FA5] =	sst s6  }
0xf: {  	[smem:$0x3FA6] =	sst s7  }
0x10: {  	[smem:$0x3FA7] =	sst s8  }
0x11: {  	[smem:$0x3FA8] =	sst s9;
	s0 =	simm.s32 @!p0 $0x0  }
0x12: {  	s1 =	sld [smem:$0x3F8E];
	s0 =	simm.s32 @p0 $0x1  }
0x13: {  	[smem:$0x3FA9] =	sst s0;
	s0 =	simm.s32 @!p1 $0x0  }
0x14: {  	s2 =	sld [smem:$0x3F8D];
	s0 =	simm.s32 @p1 $0x1  }
0x15: {  	[smem:$0x3FAA] =	sst s0;
	s0 =	simm.s32 @!p2 $0x0  }
0x16: {  	s3 =	sld [smem:$0x3FDB];
	s0 =	simm.s32 @p2 $0x1  }
0x17: {  	s4 =	simm.s32 $0x1BF5;
	[smem:$0x3FAC] =	sst s0  }
0x18: {  	s0 =	sld [smem:$0x3F8F];
	_ =	swait.ge [sflag:s4], $0x0  }
0x19: {  	s7 =	sld [smem:$0x3F90]  }
0x1a: {  	s8 =	sadd.s32 $0xFFFFE003, lr  }
0x1b: {  	s9 =	sadd.s32 $0xFFFFFEF7, lr;
	s5 =	simm.s32 $0xFFFFFFFF;
	p2 =	slt.u32 s8, $0xFFFFF086  }
0x1c: {  	p1 =	slt.u32 s9, $0xF7A;
	s5 =	simm.s32 @!p2 $0x0  }
0x1d: {  	s5 =	simm.s32 @p1 $0x1;
	p0 =	seq.s32 s7, s2  }
0x1e: {  	s7 =	smul.u32 @!p0 $0xF7A, s2;
	p2 =	seq.s32 @!p0 s5, $0x0  }
0x1f: {  	s9 =	smul.u32 $0xF7A, s1;
	s8 =	simm.s32 @!p0 $0x1BF5;
	p2 =	por !p2, p0  }
0x20: {  	[sflag:s8] =	ssyncset.s32 @!p0 $0xFFFFF086;
	s6 =	sadd.s32 @!p0 s3, s7;
	s7 =	simm.s32 @!p0 $0x108  }
0x21: {  	s3 =	sadd.s32 s3, s9;
	s6 =	sadd.s32 @!p0 $0x88, s6;
	s7 =	simm.s32 @p2 $0x1082  }
0x22: {  	[simem:s7], [sflag:s8] =	dma.local @!p0 [hbm:s6], $0xF7A  }
0x23: {  	s9 =	sor.u32 $0xD0000000, s2;
	s6 =	simm.s32 $0x108;
	_ =	swait.ge @!p0 [sflag:s8], $0x0  }
0x24: {  	s3 =	sadd.s32 $0x88, s3;
	s6 =	simm.s32 @!p1 $0x1082;
	[sflag:s4] =	ssyncset.s32 $0xFFFFF086  }
0x25: {  	[simem:s6], [sflag:s4] =	dma.local [hbm:s3], $0xF7A  }
0x26: {  	[smem:$0x3F90] =	sst s1;
	(tag) =	ssettag s2;
	_ =	strace s9  }
0x27: {  	s1 =	sld [smem:$0x3FA0]  }
0x28: {  	s2 =	sld [smem:$0x3FA1]  }
0x29: {  	s4 =	sld [smem:$0x3FA3]  }
0x2a: {  	p0 =	seq.s32 s5, $0x0;
	s5 =	sld [smem:$0x3FA4]  }
0x2b: {  	s6 =	sld [smem:$0x3FA5]  }
0x2c: {  	s7 =	sld [smem:$0x3FA6]  }
0x2d: {  	s3 =	simm.s32 $0x108;
	s8 =	sld [smem:$0x3FA7]  }
0x2e: {  	s3 =	simm.s32 @!p0 $0x1082;
	s9 =	sld [smem:$0x3FA8]  }
0x2f: {  	lr =	sadd.s32 s0, s3;
	s0 =	sld [smem:$0x3F9F]  }
0x30: {  	s3 =	sld [smem:$0x3FA2]  }
0x31: {  	[smem:$0x3FAB] =	sst s10  }
0x32: {  	s10 =	sld [smem:$0x3FA9];
	_ =	sdelay $0x3  }
0x33: {  	p0 =	seq.s32 s10, $0x1;
	s10 =	sld [smem:$0x3FAB];
	_ =	sdelay $0x3  }
0x34: {  	[smem:$0x3FAB] =	sst s10  }
0x35: {  	s10 =	sld [smem:$0x3FAA];
	_ =	sdelay $0x3  }
0x36: {  	p1 =	seq.s32 s10, $0x1;
	s10 =	sld [smem:$0x3FAB];
	_ =	sdelay $0x3  }
0x37: {  	[smem:$0x3FAB] =	sst s10  }
0x38: {  	s10 =	sld [smem:$0x3FAC]  }
0x39: {  	_ = 	snop;
	(pc) =	sbr.ind lr, $3  }
0x3a: {  	_ = 	snop  }
0x3b: {  	_ = 	snop  }
0x3c: {  	p2 =	seq.s32 s10, $0x1;
	s10 =	sld [smem:$0x3FAB]  }
0x3d: {  	_ =	shalt  }
0x3e: {  	_ =	shalt  }
0x3f: {  	_ =	shalt  }
0x40: {  	_ =	shalt  }
0x41: {  	_ =	shalt  }
0x42: {  	_ =	shalt  }
0x43: {  	_ =	shalt  }
0x44: {  	_ =	shalt  }
0x45: {  	_ =	shalt  }
0x46: {  	_ =	shalt  }
0x47: {  	_ =	shalt  }
0x48: {  	_ =	shalt  }
0x49: {  	_ =	shalt  }
0x4a: {  	_ =	shalt  }
0x4b: {  	_ =	shalt  }
0x4c: {  	_ =	shalt  }
0x4d: {  	_ =	shalt  }
0x4e: {  	_ =	shalt  }
0x4f: {  	_ =	shalt  }
0x50: {  	_ =	shalt  }
0x51: {  	_ =	shalt  }
0x52: {  	_ =	shalt  }
0x53: {  	_ =	shalt  }
0x54: {  	_ =	shalt  }
0x55: {  	_ =	shalt  }
0x56: {  	_ =	shalt  }
0x57: {  	_ =	shalt  }
0x58: {  	_ =	shalt  }
0x59: {  	_ =	shalt  }
0x5a: {  	_ =	shalt  }
0x5b: {  	_ =	shalt  }
0x5c: {  	_ =	shalt  }
0x5d: {  	_ =	shalt  }
0x5e: {  	_ =	shalt  }
0x5f: {  	_ =	shalt  }
0x60: {  	_ =	shalt  }
0x61: {  	_ =	shalt  }
0x62: {  	_ =	shalt  }
0x63: {  	_ =	shalt  }
0x64: {  	_ =	shalt  }
0x65: {  	_ =	shalt  }
0x66: {  	_ =	shalt  }
0x67: {  	_ =	shalt  }
0x68: {  	_ =	shalt  }
0x69: {  	_ =	shalt  }
0x6a: {  	_ =	shalt  }
0x6b: {  	_ =	shalt  }
0x6c: {  	_ =	shalt  }
0x6d: {  	_ =	shalt  }
0x6e: {  	_ =	shalt  }
0x6f: {  	_ =	shalt  }
0x70: {  	_ =	shalt  }
0x71: {  	_ =	shalt  }
0x72: {  	_ =	shalt  }
0x73: {  	_ =	shalt  }
0x74: {  	_ =	shalt  }
0x75: {  	_ =	shalt  }
0x76: {  	_ =	shalt  }
0x77: {  	_ =	shalt  }
0x78: {  	_ =	shalt  }
0x79: {  	_ =	shalt  }
0x7a: {  	_ =	shalt  }
0x7b: {  	_ =	shalt  }
0x7c: {  	_ =	shalt  }
0x7d: {  	_ =	shalt  }
0x7e: {  	_ =	shalt  }
0x7f: {  	_ =	shalt  }
0x80: {  	_ =	shalt  }
0x81: {  	_ =	shalt  }
0x82: {  	_ =	shalt  }
0x83: {  	_ =	shalt  }
0x84: {  	_ =	shalt  }
0x85: {  	_ =	shalt  }
0x86: {  	_ =	shalt  }
0x87: {  	_ =	shalt  }
.Lfunc_end0:
.L_simem_size_0:
called_computation.2_lowered:
.L_overlay_start_0:
0x88: {  	s2 =	sld [smem:$0x3FD9]  }
0x89: {  	s3 =	sld [smem:$0x3FFE];
	_ =	sdelay $0x1  }
0x8a: {  	s1 =	srdreg.scid  }
0x8b: {  	s0 =	sand.u32 $0x1, s1  }
0x8c: {  	s16 =	sshll.u32 s0, $0xA;
	s2 =	sadd.s32 s3, s2  }
0x8d: {  	s2 =	sadd.s32 s2, s16  }
0x8e: {  	[smem:$0x3FB7] =	sst s2  }
0x8f: {  	_ = 	snop  }
0x90: {  	(tm) =	ssettm $0x1  }
0x91: {  	s17 =	sld [smem:$0x3FFB];
	_ =	sdelay $0x3  }
0x92: {  	_ =	strace s17  }
0x93: {  	s2 =	sld [smem:$0x3FFC];
	_ =	sdelay $0x3  }
0x94: {  	_ =	strace s2  }
0x95: {  	s2 =	sld [smem:$0x3FFD];
	_ =	sdelay $0x3  }
0x96: {  	_ =	strace s2  }
0x97: {  	_ =	strace $0x8FFFFFFF  }
0x98: {  	s18 =	sld [smem:$0x3FDB];
	_ =	sdelay $0x1  }
0x99: {  	s19 =	simm.s32 $_scs_section_size  }
0x9a: {  	s4 =	simm.s32 $_size__tile_overlayer_lowered;
	s5 =	simm.s32 $_tile_overlayer_lowered  }
0x9b: {  	s22 =	simm.s32 $0x1BFF;
	s21 =	sshll.u32 s5, $0x1;
	s2 =	sadd.s32 s19, s18  }
0x9c: {  	s6 =	simm.s32 $0x0;
	s20 =	sshll.u32 s4, $0x1;
	s4 =	sadd.s32 s21, s2  }
0x9d: {  	[timem:s6], [sflag:s22] =	dma.local [hbm:s4], s20  }
0x9e: {  	_ =	swait.ge [sflag:s22], s20  }
0x9f: {  	s3 =	ssub.s32 $0x0, s20;
	[sflag:s22] =	ssyncset.done $0x0  }
0xa0: {  	[sflag:s22] =	ssyncadd.s32 s3;
	_ =	sdelay $0x1  }
0xa1: {  	s23 =	simm.s32 $0x1B8B  }
0xa2: {  	_ =	swait.ge [sflag:s23], $0x1  }
0xa3: {  	[sflag:s23] =	ssyncset.done $0x0  }
0xa4: {  	s25 =	simm.s32 $0x1B8E;
	s24 =	sld [smem:$0x3FFE];
	[sflag:s23] =	ssyncadd.s32 $0xFFFFFFFF  }
0xa5: {  	s26 =	simm.s32 $execute0_lowered;
	[smem:$0x3FD2] =	sst s25  }
0xa6: {  	s4 =	sshll.u32 s26, $0x1;
	_ =	strace $0x8000004C;
	[dreg:$0x1] =	wrdreg $0xFFFFFFFF  }
0xa7: {  	s28 =	simm.s32 $_size_execute0_lowered;
	s2 =	sadd.s32 s2, s4;
	[dreg:$0x0] =	wrdreg $0x0  }
0xa8: {  	s4 =	sshll.u32 s28, $0x1;
	[dreg:$0x2] =	wrdreg s2  }
0xa9: {  	[dreg:$0x3] =	wrdreg s4  }
0xaa: {  	[dreg:$0x4] =	wrdreg $0xC0  }
0xab: {  	_ =	task [dreg:s6], $0x5FFFF  }
0xac: {  	[dreg:$0x1] =	wrdreg $0xFFFFFFFF  }
0xad: {  	[dreg:$0x0] =	wrdreg $0x60  }
0xae: {  	[dreg:$0x2] =	wrdreg s24  }
0xaf: {  	[dreg:$0x3] =	wrdreg $0x0  }
0xb0: {  	[dreg:$0x4] =	wrdreg $0x9  }
0xb1: {  	_ =	task.clear_ibuf [dreg:s6], $0x5FFFF;
	_ =	strace $0x9000004C  }
0xb2: {  	s29 =	simm.s32 $0x9;
	_ =	strace $0x8000004E  }
0xb3: {  	_ =	swait.ge [sflag:s29], $0x1  }
0xb4: {  	[sflag:s29] =	ssyncadd.s32 $0xFFFFFFFF  }
0xb5: {  	_ =	strace $0x9000004E  }
0xb6: {  	_ =	sfence  }
0xb7: {  	s30 =	sld [smem:$0x0];
	_ =	sdelay $0x2  }
0xb8: {  	s31 =	sshll.u32 s1, $0xD;
	s1 =	sshrl.u32 s1, $0x2  }
0xb9: {  	s3 =	sand.u32 $0x4000, s31;
	s1 =	sadd.s32 s1, s30  }
0xba: {  	s0 =	sor.u32 s3, s0;
	s1 =	sshll.u32 s1, $0x11  }
0xbb: {  	s0 =	sor.u32 s1, s0  }
0xbc: {  	s0 =	sadd.s32 $0x8F2B, s0  }
0xbd: {  	[sflag:s0] =	ssyncadd.remote.s32 $0x1  }
0xbe: {  	_ =	sfence.sel $0xFFFF  }
0xbf: {  	[dreg:$0x0] =	wrdreg $0xFFFFFFFF;
	(pc) =	sbr.abs _section_cstart, $3  }
0xc0: {  	[dreg:$0x1] =	wrdreg $0xFFFFFFFF  }
0xc1: {  	_ =	task.clear_ibuf [dreg:s6], $0x2FFFF;
	_ =	strace $0x9FFFFFFF  }
0xc2: {  	(tm) =	ssettm $0x7FFFFFFF  }
0xc3: {  	_ =	shalt  }
tec
execute0_lowered:
.L_overlay_start_1:
0x0: {  	(tag) =	ssettag $0x1  }
0x1: {  	s8 =	rddreg [dreg:$0x0]  }
0x2: {  	s2 =	rddreg [dreg:$0x1]  }
0x3: {  	s0 =	rddreg [dreg:$0x2]  }
0x4: {  	s4 =	srdreg.scid;
	s1 =	stileid.u32;
	s3 =	simm.s32 $0x0  }
0x5: {  	s17 =	simm.s32 $0x2;
	s18 =	simm.s32 $0x13880;
	s19 =	simm.s32 $0x138D0  }
0x6: {  	s20 =	simm.s32 $0x13920;
	s21 =	simm.s32 $0x50;
	s22 =	simm.s32 $0x13970  }
0x7: {  	s23 =	simm.s32 $0x1;
	s9 =	sand.u32 $0x1, s4;
	s10 =	smul.u32 $0x13880, s1  }
0x8: {  	[smem:$0x7FF] =	sst s3;
	s4 =	sadd.s32 $0x8C600, s8;
	s13 =	smul.u32 $0x4E200, s1  }
0x9: {  	s5 =	sadd.s32 $0x82800, s8;
	s6 =	sadd.s32 $0x78A00, s8;
	s16 =	smul.u32 $0x2710, s1  }
0xa: {  	s7 =	smul.u32 $0x138800, s9;
	_ =	strace $0x8000004D;
	s12 =	ssub.s32 $0x2, s9  }
0xb: {  	s30 =	smul.u32 $0x27100, s9;
	s28 =	sshrl.u32 s12, $0x1;
	s29 =	sshrl.u32 s13, $0x2  }
0xc: {  	s7 =	sadd.s32 s10, s7;
	s15 =	ssub.s32 s12, s28;
	s31 =	sadd.s32 s29, s2  }
0xd: {  	s13 =	sadd.s32 s16, s30;
	s16 =	simm.s32 $0x16170;
	s11 =	sshrl.u32 s7, $0x3  }
0xe: {  	s7 =	sadd.s32 $0xD000, s8;
	s9 =	sadd.s32 $0x3E80, s31;
	s12 =	sadd.s32 $0xFA00, s31  }
0xf: {  	s15 =	smax.u32 s15, $0x1;
	s14 =	sadd.s32 s11, s8;
	s8 =	sadd.s32 s10, s2  }
0x10: {  	v0 =	vimm.f32 $0.0e+00;
	s10 =	sadd.s32 $0x7D00, s31;
	s11 =	sadd.s32 $0xBB80, s31;
	s14 =	sadd.s32 $0x16E00, s14  }
.LBB2_1:
0x11: {  	s24 =	simm.s32 $0x0;
	s25 =	simm.s32 $0x200  }
.LBB2_2:
0x12: {  	p0 =	sne.s32 s25, $0xF800;
	[tilespmem:s24+$0x161E0] =	vst v0  }
0x13: {  	[tilespmem:s24+$0x16170] =	vst v0  }
0x14: {  	[tilespmem:s24+$0x16180] =	vst v0  }
.Ltmp0:
0x15: {  	[tilespmem:s24+$0x16190] =	vst v0;
	(pc) =	sbr.rel @p0 .LBB2_2-.Ltmp0, $4  }
0x16: {  	[tilespmem:s24+$0x161A0] =	vst v0  }
0x17: {  	[tilespmem:s24+$0x161B0] =	vst v0  }
0x18: {  	[tilespmem:s24+$0x161C0] =	vst v0  }
0x19: {  	[tilespmem:s24+$0x161D0] =	vst v0;
	s24 =	sshra.s32 s25, $0x2;
	s25 =	sadd.s32 $0x200, s25  }
0x1a: {  	[tilespmem:s24+$0x161E0] =	vst v0  }
0x1b: {  	[tilespmem:s24+$0x16170] =	vst v0  }
0x1c: {  	[tilespmem:s24+$0x16180] =	vst v0  }
0x1d: {  	[tilespmem:s24+$0x16190] =	vst v0  }
0x1e: {  	[tilespmem:s24+$0x161A0] =	vst v0  }
0x1f: {  	[tilespmem:s24+$0x161B0] =	vst v0  }
0x20: {  	[tilespmem:s24+$0x161C0] =	vst v0  }
0x21: {  	[tilespmem:s24+$0x161D0] =	vst v0  }
0x22: {  	[spmem:s8] =	stream.linear.scatter [tilespmem:s16], [sflag:$0x2], $0x3E80, $0x38;
	[tilespmem:$0x19FF0] =	vst v63  }
0x23: {  	_ =	swait.ge [sflag:s17], $0x3E80  }
0x24: {  	[sflag:s17] =	ssyncset.done $0x0  }
0x25: {  	[sflag:s17] =	ssyncadd.s32 $0xFFFFC180  }
0x26: {  	[spmem:s9] =	stream.linear.scatter [tilespmem:s16], [sflag:$0x2], $0x3E80, $0x38;
	[tilespmem:$0x19FF0] =	vst v63  }
0x27: {  	_ =	swait.ge [sflag:s17], $0x3E80  }
0x28: {  	[sflag:s17] =	ssyncset.done $0x0  }
0x29: {  	[sflag:s17] =	ssyncadd.s32 $0xFFFFC180  }
0x2a: {  	[spmem:s10] =	stream.linear.scatter [tilespmem:s16], [sflag:$0x2], $0x3E80, $0x38;
	[tilespmem:$0x19FF0] =	vst v63  }
0x2b: {  	_ =	swait.ge [sflag:s17], $0x3E80  }
0x2c: {  	[sflag:s17] =	ssyncset.done $0x0  }
0x2d: {  	[sflag:s17] =	ssyncadd.s32 $0xFFFFC180  }
0x2e: {  	[spmem:s11] =	stream.linear.scatter [tilespmem:s16], [sflag:$0x2], $0x3E80, $0x38;
	[tilespmem:$0x19FF0] =	vst v63  }
0x2f: {  	_ =	swait.ge [sflag:s17], $0x3E80  }
0x30: {  	[sflag:s17] =	ssyncset.done $0x0  }
0x31: {  	[sflag:s17] =	ssyncadd.s32 $0xFFFFC180  }
0x32: {  	[spmem:s12] =	stream.linear.scatter [tilespmem:s16], [sflag:$0x2], $0x3E80, $0x38;
	[tilespmem:$0x19FF0] =	vst v63  }
0x33: {  	_ =	swait.ge [sflag:s17], $0x3E80  }
0x34: {  	[sflag:s17] =	ssyncset.done $0x0  }
0x35: {  	[sflag:s17] =	ssyncadd.s32 $0xFFFFC180  }
0x36: {  	s24 =	simm.s32 $0x0;
	s25 =	simm.s32 $0x0;
	[bflag:$0x0] =	sbarrier.arrive $0xFFFF  }
.LBB2_4:
0x37: {  	s26 =	smul.u32 $0x50, s25;
	_ =	sdelay $0x1  }
0x38: {  	s26 =	sadd.s32 s26, s13  }
0x39: {  	s26 =	sshrl.u32 s26, $0x3  }
0x3a: {  	s28 =	sadd.s32 s5, s26  }
0x3b: {  	[tilespmem:s18], [sflag:$0x2] =	stream.linear.gather [hbm4b:s28+s24], $0x50, $0x38;
	[tilespmem:$0x19FF0] =	vst v63  }
0x3c: {  	_ =	swait.ge [sflag:s17], $0x50  }
0x3d: {  	[sflag:s17] =	ssyncset.done $0x0  }
0x3e: {  	s28 =	sadd.s32 s6, s26;
	[sflag:s17] =	ssyncadd.s32 $0xFFFFFFB0  }
0x3f: {  	[tilespmem:s19], [sflag:$0x2] =	stream.linear.gather [hbm4b:s28+s24], $0x50, $0x38;
	[tilespmem:$0x19FF0] =	vst v63  }
0x40: {  	_ =	swait.ge [sflag:s17], $0x50  }
0x41: {  	[sflag:s17] =	ssyncset.done $0x0  }
0x42: {  	s26 =	sadd.s32 s7, s26;
	[sflag:s17] =	ssyncadd.s32 $0xFFFFFFB0  }
0x43: {  	[tilespmem:s20], [sflag:$0x2] =	stream.linear.gather [hbm4b:s26+s24], $0x50, $0x38;
	[tilespmem:$0x19FF0] =	vst v63  }
0x44: {  	_ =	swait.ge [sflag:s17], $0x50  }
0x45: {  	[sflag:s17] =	ssyncset.done $0x0  }
0x46: {  	[sflag:s17] =	ssyncadd.s32 $0xFFFFFFB0  }
0x47: {  	[tilespmem:s22], [sflag:$0x1] =	stream.indirect.gather [hbm4b:s4+s21], $0x80, s18, s21, $0xb8;
	[tilespmem:$0x19FF0] =	vst v63  }
0x48: {  	_ =	swait.ge [sflag:s23], $0x2800  }
0x49: {  	v1 =	vmov s24;
	[sflag:s23] =	ssyncset.done $0x0  }
0x4a: {  	s26 =	simm.s32 $0x139B0;
	[sflag:s23] =	ssyncadd.s32 $0xFFFFD800  }
0x4b: {  	v5 =	vld [tilespmem:s26+$0x30]  }
0x4c: {  	v8 =	vld [tilespmem:s26+$0x10]  }
0x4d: {  	v6 =	vld [tilespmem:s26+$0xFFFFFFC0]  }
0x4e: {  	v2 =	vld.idx.msk [tilespmem:v1+s19+$0x0], $0xffff  }
0x4f: {  	v10 =	vld [tilespmem:s26+$0xFFFFFFE0]  }
0x50: {  	v1 =	vld [tilespmem:s26+$0xFFFFFFF0]  }
0x51: {  	v3 =	vld [tilespmem:s26+$0x20]  }
0x52: {  	v4 =	vld [tilespmem:s26+$0xFFFFFFD0]  }
0x53: {  	v9 =	vmul.f32 v5, v2;
	v5 =	vld [tilespmem:s26+$0x0]  }
0x54: {  	v7 =	vmul.f32 v6, v2  }
0x55: {  	s29 =	simm.s32 $0x139B0;
	s28 =	simm.s32 $0x1;
	v6 =	vmul.f32 v10, v2;
	v8 =	vmul.f32 v8, v2  }
.LBB2_5:
0x56: {  	p0 =	sne.s32 s28, $0x4F  }
0x57: {  	v4 =	vmul.f32 v4, v2;
	v3 =	vmul.f32 v3, v2;
	[tilespmem:s26+$0x30] =	vst v9;
	s29 =	sadd.s32 $0x80, s29;
	s30 =	smov.u32 s28;
	s28 =	sadd.s32 $0x1, s28  }
0x58: {  	[tilespmem:s26+$0xFFFFFFC0] =	vst v7;
	v7 =	vmul.f32 v1, v2;
	v2 =	vmul.f32 v5, v2  }
0x59: {  	[tilespmem:s26+$0x10] =	vst v8  }
0x5a: {  	v5 =	vmov s30;
	[tilespmem:s26+$0xFFFFFFE0] =	vst v6  }
0x5b: {  	v1 =	vld [tilespmem:s29+$0xFFFFFFF0];
	[tilespmem:s26+$0xFFFFFFF0] =	vst v7  }
0x5c: {  	v6 =	vld [tilespmem:s29+$0x30];
	[tilespmem:s26+$0x0] =	vst v2  }
0x5d: {  	v8 =	vld [tilespmem:s29+$0x10];
	[tilespmem:s26+$0x20] =	vst v3  }
0x5e: {  	v7 =	vld [tilespmem:s29+$0xFFFFFFC0];
	[tilespmem:s26+$0xFFFFFFD0] =	vst v4;
	s26 =	smov.u32 s29  }
0x5f: {  	v2 =	vld.idx.msk [tilespmem:v5+s19+$0x0], $0xffff  }
0x60: {  	v10 =	vld [tilespmem:s29+$0xFFFFFFE0]  }
0x61: {  	v3 =	vld [tilespmem:s29+$0x20]  }
.Ltmp1:
0x62: {  	v4 =	vld [tilespmem:s29+$0xFFFFFFD0];
	(pc) =	sbr.rel @p0 .LBB2_5-.Ltmp1, $3  }
0x63: {  	v5 =	vld [tilespmem:s29+$0x0];
	_ =	sdelay $0x1  }
0x64: {  	v7 =	vmul.f32 v7, v2;
	v9 =	vmul.f32 v6, v2  }
0x65: {  	v8 =	vmul.f32 v8, v2;
	v6 =	vmul.f32 v10, v2  }
0x66: {  	[tilespmem:s26+$0x30] =	vst v9  }
0x67: {  	[tilespmem:s26+$0xFFFFFFC0] =	vst v7  }
0x68: {  	v1 =	vmul.f32 v1, v2;
	[tilespmem:s26+$0x10] =	vst v8  }
0x69: {  	v3 =	vmul.f32 v3, v2;
	[tilespmem:s26+$0xFFFFFFE0] =	vst v6  }
0x6a: {  	v5 =	vmul.f32 v5, v2;
	[tilespmem:s26+$0xFFFFFFF0] =	vst v1  }
0x6b: {  	s25 =	sadd.s32 $0x1, s25;
	v1 =	vmul.f32 v4, v2;
	[tilespmem:s26+$0x20] =	vst v3  }
0x6c: {  	p0 =	sne.s32 s25, $0x7D;
	[tilespmem:s26+$0x0] =	vst v5  }
.Ltmp2:
0x6d: {  	[tilespmem:s26+$0xFFFFFFD0] =	vst v1;
	(pc) =	sbr.rel @p0 .LBB2_4-.Ltmp2, $4  }
0x6e: {  	[spmem:s2] =	stream.indirect.scatter.add.f32 [tilespmem:s22], [sflag:$0x2], $0x80, s20, s21, $0xb8;
	[tilespmem:$0x19FF0] =	vst v63  }
0x6f: {  	_ =	swait.ge [sflag:s17], $0x2800  }
0x70: {  	[sflag:s17] =	ssyncset.done $0x0  }
0x71: {  	[sflag:s17] =	ssyncadd.s32 $0xFFFFD800  }
0x72: {  	s3 =	sadd.s32 $0x1, s3  }
0x73: {  	s24 =	sshll.u32 s1, $0x6;
	[bflag:$0x0] =	sbarrier.arrive $0xFFFF;
	p0 =	sne.s32 s3, s15  }
.Ltmp3:
0x74: {  	s25 =	sshrl.u32 s8, $0x3;
	s24 =	sor.u32 $0x1C02, s24;
	(pc) =	sbr.rel @p0 .LBB2_1-.Ltmp3, $4  }
0x75: {  	[hbm:s14], [sflag:s24] =	dma.local [spmem:s25], $0x2710  }
0x76: {  	_ =	swait.ge [sflag:s17], $0x2710  }
0x77: {  	[sflag:s17] =	ssyncset.done $0x0  }
0x78: {  	[sflag:s17] =	ssyncadd.s32 $0xFFFFD8F0  }
0x79: {  	_ =	sfence.sel $0x180000  }
0x7a: {  	[bflag:$0x0] =	sbarrier.arrive $0xFFFF  }
0x7b: {  	p0 =	sne.s32 s1, $0x0;
	_ =	strace $0x9000004D  }
0x7c: {  	s0 =	sadd.s32 @!p0 $0x100000, s0;
	[bflag:$0x2] =	sbarrier.arrive $0xFFFF  }
0x7d: {  	[sflag:s0] =	ssyncadd.tile.s32 @!p0 $0x1;
	_ =	shalt  }
.Lfunc_end2:
_tile_overlayer_lowered:
.L_overlay_start_2:
0x7e: {  	(tag) =	ssettag $0x2  }
0x7f: {  	s0 =	rddreg [dreg:$0x0];
	s2 =	stileid.u32  }
0x80: {  	s1 =	rddreg [dreg:$0x1];
	p0 =	sne.s32 s2, $0x0  }
0x81: {  	s3 =	rddreg [dreg:$0x2];
	[bflag:$0x3] =	sbarrier.arrive $0xFFFF;
	s2 =	simm.s32 @!p0 $0x1C02  }
0x82: {  	[timem:s3], [sflag:s2] =	dma.local @!p0 [hbm:s0], s1  }
0x83: {  	s0 =	simm.s32 @!p0 $0x2  }
0x84: {  	_ =	swait.ge @!p0 [sflag:s0], s1  }
0x85: {  	s1 =	ssub.s32 @!p0 $0x0, s1;
	[sflag:s0] =	ssyncset.done @!p0 $0x0  }
0x86: {  	[sflag:s0] =	ssyncadd.s32 @!p0 s1  }
0x87: {  	[bflag:$0x3] =	sbarrier.arrive $0xFFFF  }
0x88: {  	_ =	shalt  }

// kernel: kernel.20.cloned.1.call-start
scs
__scs_entry_jumppad:
0x0: {  	(pc) =	sbr.rel $0x88, $3  }
0x1: {  	(tag) =	ssettag $0x0;
	lr =	simm.s32 $0x1  }
0x2: {  	[smem:$0x3F90] =	sst lr;
	_ =	strace $0xD0000000  }
0x3: {  	_ = 	snop  }
0x4: {  	_ = 	snop  }
0x5: {  	_ = 	snop  }
0x6: {  	_ = 	snop  }
0x7: {  	_ = 	snop  }
__scs_overlays_trampoline_lowered:
0x8: {  	[smem:$0x3F9F] =	sst s0  }
0x9: {  	[smem:$0x3FA0] =	sst s1  }
0xa: {  	[smem:$0x3FA1] =	sst s2  }
0xb: {  	[smem:$0x3FA2] =	sst s3  }
0xc: {  	[smem:$0x3FA3] =	sst s4  }
0xd: {  	[smem:$0x3FA4] =	sst s5  }
0xe: {  	[smem:$0x3FA5] =	sst s6  }
0xf: {  	[smem:$0x3FA6] =	sst s7  }
0x10: {  	[smem:$0x3FA7] =	sst s8  }
0x11: {  	[smem:$0x3FA8] =	sst s9;
	s0 =	simm.s32 @!p0 $0x0  }
0x12: {  	s1 =	sld [smem:$0x3F8E];
	s0 =	simm.s32 @p0 $0x1  }
0x13: {  	[smem:$0x3FA9] =	sst s0;
	s0 =	simm.s32 @!p1 $0x0  }
0x14: {  	s2 =	sld [smem:$0x3F8D];
	s0 =	simm.s32 @p1 $0x1  }
0x15: {  	[smem:$0x3FAA] =	sst s0;
	s0 =	simm.s32 @!p2 $0x0  }
0x16: {  	s3 =	sld [smem:$0x3FDB];
	s0 =	simm.s32 @p2 $0x1  }
0x17: {  	s4 =	simm.s32 $0x1BF5;
	[smem:$0x3FAC] =	sst s0  }
0x18: {  	s0 =	sld [smem:$0x3F8F];
	_ =	swait.ge [sflag:s4], $0x0  }
0x19: {  	s7 =	sld [smem:$0x3F90]  }
0x1a: {  	s8 =	sadd.s32 $0xFFFFE003, lr  }
0x1b: {  	s9 =	sadd.s32 $0xFFFFFEF7, lr;
	s5 =	simm.s32 $0xFFFFFFFF;
	p2 =	slt.u32 s8, $0xFFFFF086  }
0x1c: {  	p1 =	slt.u32 s9, $0xF7A;
	s5 =	simm.s32 @!p2 $0x0  }
0x1d: {  	s5 =	simm.s32 @p1 $0x1;
	p0 =	seq.s32 s7, s2  }
0x1e: {  	s7 =	smul.u32 @!p0 $0xF7A, s2;
	p2 =	seq.s32 @!p0 s5, $0x0  }
0x1f: {  	s9 =	smul.u32 $0xF7A, s1;
	s8 =	simm.s32 @!p0 $0x1BF5;
	p2 =	por !p2, p0  }
0x20: {  	[sflag:s8] =	ssyncset.s32 @!p0 $0xFFFFF086;
	s6 =	sadd.s32 @!p0 s3, s7;
	s7 =	simm.s32 @!p0 $0x108  }
0x21: {  	s3 =	sadd.s32 s3, s9;
	s6 =	sadd.s32 @!p0 $0x88, s6;
	s7 =	simm.s32 @p2 $0x1082  }
0x22: {  	[simem:s7], [sflag:s8] =	dma.local @!p0 [hbm:s6], $0xF7A  }
0x23: {  	s9 =	sor.u32 $0xD0000000, s2;
	s6 =	simm.s32 $0x108;
	_ =	swait.ge @!p0 [sflag:s8], $0x0  }
0x24: {  	s3 =	sadd.s32 $0x88, s3;
	s6 =	simm.s32 @!p1 $0x1082;
	[sflag:s4] =	ssyncset.s32 $0xFFFFF086  }
0x25: {  	[simem:s6], [sflag:s4] =	dma.local [hbm:s3], $0xF7A  }
0x26: {  	[smem:$0x3F90] =	sst s1;
	(tag) =	ssettag s2;
	_ =	strace s9  }
0x27: {  	s1 =	sld [smem:$0x3FA0]  }
0x28: {  	s2 =	sld [smem:$0x3FA1]  }
0x29: {  	s4 =	sld [smem:$0x3FA3]  }
0x2a: {  	p0 =	seq.s32 s5, $0x0;
	s5 =	sld [smem:$0x3FA4]  }
0x2b: {  	s6 =	sld [smem:$0x3FA5]  }
0x2c: {  	s7 =	sld [smem:$0x3FA6]  }
0x2d: {  	s3 =	simm.s32 $0x108;
	s8 =	sld [smem:$0x3FA7]  }
0x2e: {  	s3 =	simm.s32 @!p0 $0x1082;
	s9 =	sld [smem:$0x3FA8]  }
0x2f: {  	lr =	sadd.s32 s0, s3;
	s0 =	sld [smem:$0x3F9F]  }
0x30: {  	s3 =	sld [smem:$0x3FA2]  }
0x31: {  	[smem:$0x3FAB] =	sst s10  }
0x32: {  	s10 =	sld [smem:$0x3FA9];
	_ =	sdelay $0x3  }
0x33: {  	p0 =	seq.s32 s10, $0x1;
	s10 =	sld [smem:$0x3FAB];
	_ =	sdelay $0x3  }
0x34: {  	[smem:$0x3FAB] =	sst s10  }
0x35: {  	s10 =	sld [smem:$0x3FAA];
	_ =	sdelay $0x3  }
0x36: {  	p1 =	seq.s32 s10, $0x1;
	s10 =	sld [smem:$0x3FAB];
	_ =	sdelay $0x3  }
0x37: {  	[smem:$0x3FAB] =	sst s10  }
0x38: {  	s10 =	sld [smem:$0x3FAC]  }
0x39: {  	_ = 	snop;
	(pc) =	sbr.ind lr, $3  }
0x3a: {  	_ = 	snop  }
0x3b: {  	_ = 	snop  }
0x3c: {  	p2 =	seq.s32 s10, $0x1;
	s10 =	sld [smem:$0x3FAB]  }
0x3d: {  	_ =	shalt  }
0x3e: {  	_ =	shalt  }
0x3f: {  	_ =	shalt  }
0x40: {  	_ =	shalt  }
0x41: {  	_ =	shalt  }
0x42: {  	_ =	shalt  }
0x43: {  	_ =	shalt  }
0x44: {  	_ =	shalt  }
0x45: {  	_ =	shalt  }
0x46: {  	_ =	shalt  }
0x47: {  	_ =	shalt  }
0x48: {  	_ =	shalt  }
0x49: {  	_ =	shalt  }
0x4a: {  	_ =	shalt  }
0x4b: {  	_ =	shalt  }
0x4c: {  	_ =	shalt  }
0x4d: {  	_ =	shalt  }
0x4e: {  	_ =	shalt  }
0x4f: {  	_ =	shalt  }
0x50: {  	_ =	shalt  }
0x51: {  	_ =	shalt  }
0x52: {  	_ =	shalt  }
0x53: {  	_ =	shalt  }
0x54: {  	_ =	shalt  }
0x55: {  	_ =	shalt  }
0x56: {  	_ =	shalt  }
0x57: {  	_ =	shalt  }
0x58: {  	_ =	shalt  }
0x59: {  	_ =	shalt  }
0x5a: {  	_ =	shalt  }
0x5b: {  	_ =	shalt  }
0x5c: {  	_ =	shalt  }
0x5d: {  	_ =	shalt  }
0x5e: {  	_ =	shalt  }
0x5f: {  	_ =	shalt  }
0x60: {  	_ =	shalt  }
0x61: {  	_ =	shalt  }
0x62: {  	_ =	shalt  }
0x63: {  	_ =	shalt  }
0x64: {  	_ =	shalt  }
0x65: {  	_ =	shalt  }
0x66: {  	_ =	shalt  }
0x67: {  	_ =	shalt  }
0x68: {  	_ =	shalt  }
0x69: {  	_ =	shalt  }
0x6a: {  	_ =	shalt  }
0x6b: {  	_ =	shalt  }
0x6c: {  	_ =	shalt  }
0x6d: {  	_ =	shalt  }
0x6e: {  	_ =	shalt  }
0x6f: {  	_ =	shalt  }
0x70: {  	_ =	shalt  }
0x71: {  	_ =	shalt  }
0x72: {  	_ =	shalt  }
0x73: {  	_ =	shalt  }
0x74: {  	_ =	shalt  }
0x75: {  	_ =	shalt  }
0x76: {  	_ =	shalt  }
0x77: {  	_ =	shalt  }
0x78: {  	_ =	shalt  }
0x79: {  	_ =	shalt  }
0x7a: {  	_ =	shalt  }
0x7b: {  	_ =	shalt  }
0x7c: {  	_ =	shalt  }
0x7d: {  	_ =	shalt  }
0x7e: {  	_ =	shalt  }
0x7f: {  	_ =	shalt  }
0x80: {  	_ =	shalt  }
0x81: {  	_ =	shalt  }
0x82: {  	_ =	shalt  }
0x83: {  	_ =	shalt  }
0x84: {  	_ =	shalt  }
0x85: {  	_ =	shalt  }
0x86: {  	_ =	shalt  }
0x87: {  	_ =	shalt  }
.Lfunc_end0:
.L_simem_size_0:
called_computation.3_lowered:
.L_overlay_start_0:
0x88: {  	s2 =	sld [smem:$0x3FD9]  }
0x89: {  	s3 =	sld [smem:$0x3FFE];
	_ =	sdelay $0x1  }
0x8a: {  	s1 =	srdreg.scid  }
0x8b: {  	s0 =	sand.u32 $0x1, s1  }
0x8c: {  	s16 =	sshll.u32 s0, $0xA;
	s2 =	sadd.s32 s3, s2  }
0x8d: {  	s2 =	sadd.s32 s2, s16  }
0x8e: {  	[smem:$0x3FB7] =	sst s2  }
0x8f: {  	_ = 	snop  }
0x90: {  	(tm) =	ssettm $0x1  }
0x91: {  	s17 =	sld [smem:$0x3FFB];
	_ =	sdelay $0x3  }
0x92: {  	_ =	strace s17  }
0x93: {  	s2 =	sld [smem:$0x3FFC];
	_ =	sdelay $0x3  }
0x94: {  	_ =	strace s2  }
0x95: {  	s2 =	sld [smem:$0x3FFD];
	_ =	sdelay $0x3  }
0x96: {  	_ =	strace s2  }
0x97: {  	_ =	strace $0x8FFFFFFF  }
0x98: {  	s18 =	sld [smem:$0x3FDB];
	_ =	sdelay $0x1  }
0x99: {  	s19 =	simm.s32 $_scs_section_size  }
0x9a: {  	s4 =	simm.s32 $_size__tile_overlayer_lowered;
	s5 =	simm.s32 $_tile_overlayer_lowered  }
0x9b: {  	s22 =	simm.s32 $0x1BFF;
	s21 =	sshll.u32 s5, $0x1;
	s2 =	sadd.s32 s19, s18  }
0x9c: {  	s6 =	simm.s32 $0x0;
	s20 =	sshll.u32 s4, $0x1;
	s4 =	sadd.s32 s21, s2  }
0x9d: {  	[timem:s6], [sflag:s22] =	dma.local [hbm:s4], s20  }
0x9e: {  	_ =	swait.ge [sflag:s22], s20  }
0x9f: {  	s3 =	ssub.s32 $0x0, s20;
	[sflag:s22] =	ssyncset.done $0x0  }
0xa0: {  	[sflag:s22] =	ssyncadd.s32 s3;
	_ =	sdelay $0x1  }
0xa1: {  	s23 =	simm.s32 $0x1B8B  }
0xa2: {  	_ =	swait.ge [sflag:s23], $0x1  }
0xa3: {  	[sflag:s23] =	ssyncset.done $0x0  }
0xa4: {  	s25 =	simm.s32 $0x1B8E;
	s24 =	sld [smem:$0x3FFE];
	[sflag:s23] =	ssyncadd.s32 $0xFFFFFFFF  }
0xa5: {  	s26 =	simm.s32 $execute0_lowered;
	[smem:$0x3FD2] =	sst s25  }
0xa6: {  	s4 =	sshll.u32 s26, $0x1;
	_ =	strace $0x8000004F;
	[dreg:$0x1] =	wrdreg $0xFFFFFFFF  }
0xa7: {  	s28 =	simm.s32 $_size_execute0_lowered;
	s2 =	sadd.s32 s2, s4;
	[dreg:$0x0] =	wrdreg $0x0  }
0xa8: {  	s4 =	sshll.u32 s28, $0x1;
	[dreg:$0x2] =	wrdreg s2  }
0xa9: {  	[dreg:$0x3] =	wrdreg s4  }
0xaa: {  	[dreg:$0x4] =	wrdreg $0xC0  }
0xab: {  	_ =	task [dreg:s6], $0x5FFFF  }
0xac: {  	[dreg:$0x1] =	wrdreg $0xFFFFFFFF  }
0xad: {  	[dreg:$0x0] =	wrdreg $0x60  }
0xae: {  	[dreg:$0x2] =	wrdreg s24  }
0xaf: {  	[dreg:$0x3] =	wrdreg $0x0  }
0xb0: {  	[dreg:$0x4] =	wrdreg $0x9  }
0xb1: {  	_ =	task.clear_ibuf [dreg:s6], $0x5FFFF;
	_ =	strace $0x9000004F  }
0xb2: {  	s29 =	simm.s32 $0x9;
	_ =	strace $0x80000051  }
0xb3: {  	_ =	swait.ge [sflag:s29], $0x1  }
0xb4: {  	[sflag:s29] =	ssyncadd.s32 $0xFFFFFFFF  }
0xb5: {  	_ =	strace $0x90000051  }
0xb6: {  	_ =	sfence  }
0xb7: {  	s30 =	sld [smem:$0x0];
	_ =	sdelay $0x2  }
0xb8: {  	s31 =	sshll.u32 s1, $0xD;
	s1 =	sshrl.u32 s1, $0x2  }
0xb9: {  	s3 =	sand.u32 $0x4000, s31;
	s1 =	sadd.s32 s1, s30  }
0xba: {  	s0 =	sor.u32 s3, s0;
	s1 =	sshll.u32 s1, $0x11  }
0xbb: {  	s0 =	sor.u32 s1, s0  }
0xbc: {  	s0 =	sadd.s32 $0x8F2B, s0  }
0xbd: {  	[sflag:s0] =	ssyncadd.remote.s32 $0x1  }
0xbe: {  	_ =	sfence.sel $0xFFFF  }
0xbf: {  	[dreg:$0x0] =	wrdreg $0xFFFFFFFF;
	(pc) =	sbr.abs _section_cstart, $3  }
0xc0: {  	[dreg:$0x1] =	wrdreg $0xFFFFFFFF  }
0xc1: {  	_ =	task.clear_ibuf [dreg:s6], $0x2FFFF;
	_ =	strace $0x9FFFFFFF  }
0xc2: {  	(tm) =	ssettm $0x7FFFFFFF  }
0xc3: {  	_ =	shalt  }
tec
execute0_lowered:
.L_overlay_start_1:
0x0: {  	(tag) =	ssettag $0x1  }
0x1: {  	s8 =	rddreg [dreg:$0x0]  }
0x2: {  	s2 =	rddreg [dreg:$0x1]  }
0x3: {  	s0 =	rddreg [dreg:$0x2]  }
0x4: {  	s4 =	srdreg.scid;
	s1 =	stileid.u32;
	s3 =	simm.s32 $0x0  }
0x5: {  	s17 =	simm.s32 $0x2;
	s18 =	simm.s32 $0x13880;
	s19 =	simm.s32 $0x138D0  }
0x6: {  	s20 =	simm.s32 $0x13920;
	s21 =	simm.s32 $0x50;
	s22 =	simm.s32 $0x13970  }
0x7: {  	s23 =	simm.s32 $0x1;
	s9 =	sand.u32 $0x1, s4;
	s10 =	smul.u32 $0x13880, s1  }
0x8: {  	[smem:$0x7FF] =	sst s3;
	s4 =	sadd.s32 $0x8C600, s8;
	s13 =	smul.u32 $0x4E200, s1  }
0x9: {  	s5 =	sadd.s32 $0x82800, s8;
	s6 =	sadd.s32 $0x78A00, s8;
	s16 =	smul.u32 $0x2710, s1  }
0xa: {  	s7 =	smul.u32 $0x138800, s9;
	_ =	strace $0x80000050;
	s12 =	ssub.s32 $0x2, s9  }
0xb: {  	s30 =	smul.u32 $0x27100, s9;
	s28 =	sshrl.u32 s12, $0x1;
	s29 =	sshrl.u32 s13, $0x2  }
0xc: {  	s7 =	sadd.s32 s10, s7;
	s15 =	ssub.s32 s12, s28;
	s31 =	sadd.s32 s29, s2  }
0xd: {  	s13 =	sadd.s32 s16, s30;
	s16 =	simm.s32 $0x16170;
	s11 =	sshrl.u32 s7, $0x3  }
0xe: {  	s7 =	sadd.s32 $0xD000, s8;
	s9 =	sadd.s32 $0x3E80, s31;
	s12 =	sadd.s32 $0xFA00, s31  }
0xf: {  	s15 =	smax.u32 s15, $0x1;
	s14 =	sadd.s32 s11, s8;
	s8 =	sadd.s32 s10, s2  }
0x10: {  	v0 =	vimm.f32 $0.0e+00;
	s10 =	sadd.s32 $0x7D00, s31;
	s11 =	sadd.s32 $0xBB80, s31;
	s14 =	sadd.s32 $0x16E00, s14  }
.LBB2_1:
0x11: {  	s24 =	simm.s32 $0x0;
	s25 =	simm.s32 $0x200  }
.LBB2_2:
0x12: {  	p0 =	sne.s32 s25, $0xF800;
	[tilespmem:s24+$0x161E0] =	vst v0  }
0x13: {  	[tilespmem:s24+$0x16170] =	vst v0  }
0x14: {  	[tilespmem:s24+$0x16180] =	vst v0  }
.Ltmp0:
0x15: {  	[tilespmem:s24+$0x16190] =	vst v0;
	(pc) =	sbr.rel @p0 .LBB2_2-.Ltmp0, $4  }
0x16: {  	[tilespmem:s24+$0x161A0] =	vst v0  }
0x17: {  	[tilespmem:s24+$0x161B0] =	vst v0  }
0x18: {  	[tilespmem:s24+$0x161C0] =	vst v0  }
0x19: {  	[tilespmem:s24+$0x161D0] =	vst v0;
	s24 =	sshra.s32 s25, $0x2;
	s25 =	sadd.s32 $0x200, s25  }
0x1a: {  	[tilespmem:s24+$0x161E0] =	vst v0  }
0x1b: {  	[tilespmem:s24+$0x16170] =	vst v0  }
0x1c: {  	[tilespmem:s24+$0x16180] =	vst v0  }
0x1d: {  	[tilespmem:s24+$0x16190] =	vst v0  }
0x1e: {  	[tilespmem:s24+$0x161A0] =	vst v0  }
0x1f: {  	[tilespmem:s24+$0x161B0] =	vst v0  }
0x20: {  	[tilespmem:s24+$0x161C0] =	vst v0  }
0x21: {  	[tilespmem:s24+$0x161D0] =	vst v0  }
0x22: {  	[spmem:s8] =	stream.linear.scatter [tilespmem:s16], [sflag:$0x2], $0x3E80, $0x38;
	[tilespmem:$0x19FF0] =	vst v63  }
0x23: {  	_ =	swait.ge [sflag:s17], $0x3E80  }
0x24: {  	[sflag:s17] =	ssyncset.done $0x0  }
0x25: {  	[sflag:s17] =	ssyncadd.s32 $0xFFFFC180  }
0x26: {  	[spmem:s9] =	stream.linear.scatter [tilespmem:s16], [sflag:$0x2], $0x3E80, $0x38;
	[tilespmem:$0x19FF0] =	vst v63  }
0x27: {  	_ =	swait.ge [sflag:s17], $0x3E80  }
0x28: {  	[sflag:s17] =	ssyncset.done $0x0  }
0x29: {  	[sflag:s17] =	ssyncadd.s32 $0xFFFFC180  }
0x2a: {  	[spmem:s10] =	stream.linear.scatter [tilespmem:s16], [sflag:$0x2], $0x3E80, $0x38;
	[tilespmem:$0x19FF0] =	vst v63  }
0x2b: {  	_ =	swait.ge [sflag:s17], $0x3E80  }
0x2c: {  	[sflag:s17] =	ssyncset.done $0x0  }
0x2d: {  	[sflag:s17] =	ssyncadd.s32 $0xFFFFC180  }
0x2e: {  	[spmem:s11] =	stream.linear.scatter [tilespmem:s16], [sflag:$0x2], $0x3E80, $0x38;
	[tilespmem:$0x19FF0] =	vst v63  }
0x2f: {  	_ =	swait.ge [sflag:s17], $0x3E80  }
0x30: {  	[sflag:s17] =	ssyncset.done $0x0  }
0x31: {  	[sflag:s17] =	ssyncadd.s32 $0xFFFFC180  }
0x32: {  	[spmem:s12] =	stream.linear.scatter [tilespmem:s16], [sflag:$0x2], $0x3E80, $0x38;
	[tilespmem:$0x19FF0] =	vst v63  }
0x33: {  	_ =	swait.ge [sflag:s17], $0x3E80  }
0x34: {  	[sflag:s17] =	ssyncset.done $0x0  }
0x35: {  	[sflag:s17] =	ssyncadd.s32 $0xFFFFC180  }
0x36: {  	s24 =	simm.s32 $0x0;
	s25 =	simm.s32 $0x0;
	[bflag:$0x0] =	sbarrier.arrive $0xFFFF  }
.LBB2_4:
0x37: {  	s26 =	smul.u32 $0x50, s25;
	_ =	sdelay $0x1  }
0x38: {  	s26 =	sadd.s32 s26, s13  }
0x39: {  	s26 =	sshrl.u32 s26, $0x3  }
0x3a: {  	s28 =	sadd.s32 s5, s26  }
0x3b: {  	[tilespmem:s18], [sflag:$0x2] =	stream.linear.gather [hbm4b:s28+s24], $0x50, $0x38;
	[tilespmem:$0x19FF0] =	vst v63  }
0x3c: {  	_ =	swait.ge [sflag:s17], $0x50  }
0x3d: {  	[sflag:s17] =	ssyncset.done $0x0  }
0x3e: {  	s28 =	sadd.s32 s6, s26;
	[sflag:s17] =	ssyncadd.s32 $0xFFFFFFB0  }
0x3f: {  	[tilespmem:s19], [sflag:$0x2] =	stream.linear.gather [hbm4b:s28+s24], $0x50, $0x38;
	[tilespmem:$0x19FF0] =	vst v63  }
0x40: {  	_ =	swait.ge [sflag:s17], $0x50  }
0x41: {  	[sflag:s17] =	ssyncset.done $0x0  }
0x42: {  	s26 =	sadd.s32 s7, s26;
	[sflag:s17] =	ssyncadd.s32 $0xFFFFFFB0  }
0x43: {  	[tilespmem:s20], [sflag:$0x2] =	stream.linear.gather [hbm4b:s26+s24], $0x50, $0x38;
	[tilespmem:$0x19FF0] =	vst v63  }
0x44: {  	_ =	swait.ge [sflag:s17], $0x50  }
0x45: {  	[sflag:s17] =	ssyncset.done $0x0  }
0x46: {  	[sflag:s17] =	ssyncadd.s32 $0xFFFFFFB0  }
0x47: {  	[tilespmem:s22], [sflag:$0x1] =	stream.indirect.gather [hbm4b:s4+s21], $0x80, s18, s21, $0xb8;
	[tilespmem:$0x19FF0] =	vst v63  }
0x48: {  	_ =	swait.ge [sflag:s23], $0x2800  }
0x49: {  	v1 =	vmov s24;
	[sflag:s23] =	ssyncset.done $0x0  }
0x4a: {  	s26 =	simm.s32 $0x139B0;
	[sflag:s23] =	ssyncadd.s32 $0xFFFFD800  }
0x4b: {  	v5 =	vld [tilespmem:s26+$0x30]  }
0x4c: {  	v8 =	vld [tilespmem:s26+$0x10]  }
0x4d: {  	v6 =	vld [tilespmem:s26+$0xFFFFFFC0]  }
0x4e: {  	v2 =	vld.idx.msk [tilespmem:v1+s19+$0x0], $0xffff  }
0x4f: {  	v10 =	vld [tilespmem:s26+$0xFFFFFFE0]  }
0x50: {  	v1 =	vld [tilespmem:s26+$0xFFFFFFF0]  }
0x51: {  	v3 =	vld [tilespmem:s26+$0x20]  }
0x52: {  	v4 =	vld [tilespmem:s26+$0xFFFFFFD0]  }
0x53: {  	v9 =	vmul.f32 v5, v2;
	v5 =	vld [tilespmem:s26+$0x0]  }
0x54: {  	v7 =	vmul.f32 v6, v2  }
0x55: {  	s29 =	simm.s32 $0x139B0;
	s28 =	simm.s32 $0x1;
	v6 =	vmul.f32 v10, v2;
	v8 =	vmul.f32 v8, v2  }
.LBB2_5:
0x56: {  	p0 =	sne.s32 s28, $0x4F  }
0x57: {  	v4 =	vmul.f32 v4, v2;
	v3 =	vmul.f32 v3, v2;
	[tilespmem:s26+$0x30] =	vst v9;
	s29 =	sadd.s32 $0x80, s29;
	s30 =	smov.u32 s28;
	s28 =	sadd.s32 $0x1, s28  }
0x58: {  	[tilespmem:s26+$0xFFFFFFC0] =	vst v7;
	v7 =	vmul.f32 v1, v2;
	v2 =	vmul.f32 v5, v2  }
0x59: {  	[tilespmem:s26+$0x10] =	vst v8  }
0x5a: {  	v5 =	vmov s30;
	[tilespmem:s26+$0xFFFFFFE0] =	vst v6  }
0x5b: {  	v1 =	vld [tilespmem:s29+$0xFFFFFFF0];
	[tilespmem:s26+$0xFFFFFFF0] =	vst v7  }
0x5c: {  	v6 =	vld [tilespmem:s29+$0x30];
	[tilespmem:s26+$0x0] =	vst v2  }
0x5d: {  	v8 =	vld [tilespmem:s29+$0x10];
	[tilespmem:s26+$0x20] =	vst v3  }
0x5e: {  	v7 =	vld [tilespmem:s29+$0xFFFFFFC0];
	[tilespmem:s26+$0xFFFFFFD0] =	vst v4;
	s26 =	smov.u32 s29  }
0x5f: {  	v2 =	vld.idx.msk [tilespmem:v5+s19+$0x0], $0xffff  }
0x60: {  	v10 =	vld [tilespmem:s29+$0xFFFFFFE0]  }
0x61: {  	v3 =	vld [tilespmem:s29+$0x20]  }
.Ltmp1:
0x62: {  	v4 =	vld [tilespmem:s29+$0xFFFFFFD0];
	(pc) =	sbr.rel @p0 .LBB2_5-.Ltmp1, $3  }
0x63: {  	v5 =	vld [tilespmem:s29+$0x0];
	_ =	sdelay $0x1  }
0x64: {  	v7 =	vmul.f32 v7, v2;
	v9 =	vmul.f32 v6, v2  }
0x65: {  	v8 =	vmul.f32 v8, v2;
	v6 =	vmul.f32 v10, v2  }
0x66: {  	[tilespmem:s26+$0x30] =	vst v9  }
0x67: {  	[tilespmem:s26+$0xFFFFFFC0] =	vst v7  }
0x68: {  	v1 =	vmul.f32 v1, v2;
	[tilespmem:s26+$0x10] =	vst v8  }
0x69: {  	v3 =	vmul.f32 v3, v2;
	[tilespmem:s26+$0xFFFFFFE0] =	vst v6  }
0x6a: {  	v5 =	vmul.f32 v5, v2;
	[tilespmem:s26+$0xFFFFFFF0] =	vst v1  }
0x6b: {  	s25 =	sadd.s32 $0x1, s25;
	v1 =	vmul.f32 v4, v2;
	[tilespmem:s26+$0x20] =	vst v3  }
0x6c: {  	p0 =	sne.s32 s25, $0x7D;
	[tilespmem:s26+$0x0] =	vst v5  }
.Ltmp2:
0x6d: {  	[tilespmem:s26+$0xFFFFFFD0] =	vst v1;
	(pc) =	sbr.rel @p0 .LBB2_4-.Ltmp2, $4  }
0x6e: {  	[spmem:s2] =	stream.indirect.scatter.add.f32 [tilespmem:s22], [sflag:$0x2], $0x80, s20, s21, $0xb8;
	[tilespmem:$0x19FF0] =	vst v63  }
0x6f: {  	_ =	swait.ge [sflag:s17], $0x2800  }
0x70: {  	[sflag:s17] =	ssyncset.done $0x0  }
0x71: {  	[sflag:s17] =	ssyncadd.s32 $0xFFFFD800  }
0x72: {  	s3 =	sadd.s32 $0x1, s3  }
0x73: {  	s24 =	sshll.u32 s1, $0x6;
	[bflag:$0x0] =	sbarrier.arrive $0xFFFF;
	p0 =	sne.s32 s3, s15  }
.Ltmp3:
0x74: {  	s25 =	sshrl.u32 s8, $0x3;
	s24 =	sor.u32 $0x1C02, s24;
	(pc) =	sbr.rel @p0 .LBB2_1-.Ltmp3, $4  }
0x75: {  	[hbm:s14], [sflag:s24] =	dma.local [spmem:s25], $0x2710  }
0x76: {  	_ =	swait.ge [sflag:s17], $0x2710  }
0x77: {  	[sflag:s17] =	ssyncset.done $0x0  }
0x78: {  	[sflag:s17] =	ssyncadd.s32 $0xFFFFD8F0  }
0x79: {  	_ =	sfence.sel $0x180000  }
0x7a: {  	[bflag:$0x0] =	sbarrier.arrive $0xFFFF  }
0x7b: {  	p0 =	sne.s32 s1, $0x0;
	_ =	strace $0x90000050  }
0x7c: {  	s0 =	sadd.s32 @!p0 $0x100000, s0;
	[bflag:$0x2] =	sbarrier.arrive $0xFFFF  }
0x7d: {  	[sflag:s0] =	ssyncadd.tile.s32 @!p0 $0x1;
	_ =	shalt  }
.Lfunc_end2:
_tile_overlayer_lowered:
.L_overlay_start_2:
0x7e: {  	(tag) =	ssettag $0x2  }
0x7f: {  	s0 =	rddreg [dreg:$0x0];
	s2 =	stileid.u32  }
0x80: {  	s1 =	rddreg [dreg:$0x1];
	p0 =	sne.s32 s2, $0x0  }
0x81: {  	s3 =	rddreg [dreg:$0x2];
	[bflag:$0x3] =	sbarrier.arrive $0xFFFF;
	s2 =	simm.s32 @!p0 $0x1C02  }
0x82: {  	[timem:s3], [sflag:s2] =	dma.local @!p0 [hbm:s0], s1  }
0x83: {  	s0 =	simm.s32 @!p0 $0x2  }
0x84: {  	_ =	swait.ge @!p0 [sflag:s0], s1  }
0x85: {  	s1 =	ssub.s32 @!p0 $0x0, s1;
	[sflag:s0] =	ssyncset.done @!p0 $0x0  }
0x86: {  	[sflag:s0] =	ssyncadd.s32 @!p0 s1  }
0x87: {  	[bflag:$0x3] =	sbarrier.arrive $0xFFFF  }
0x88: {  	_ =	shalt  }

</sc_bundles>
